<compile_context>
chip_gen: v7x
topology: tpu7x:2x2x1
jax: 0.10.2.dev20260603
libtpu: 0.0.44.dev20260713+nightly
codegen_flags: <defaults>
</compile_context>

<pallas_src>
import functools

import jax
import jax.numpy as jnp
from jax import lax
from jax.experimental import pallas as pl
from jax.experimental.pallas import tpu as pltpu
from jax.experimental.pallas import tpu_sc as plsc

_N = 10000
_D = 128
_HEADS = 4
_OC = 32
_E = 320000
_NP = 10112
_NW = 32
_CB = 112
_K = 90
_ZCH = 128
_EP = _NW * _CB * _K
_BR = 1264

_f32 = jnp.float32
_i32 = jnp.int32



def _proj_body(x_ref, win_ref, bin_ref, wg_ref, asd_ref, h0_ref, hp_ref,
               asad_ref):
    h0 = jnp.dot(x_ref[...], win_ref[...], preferred_element_type=_f32)
    h0 = h0 + bin_ref[...]
    hp = jnp.dot(h0, wg_ref[...], preferred_element_type=_f32)
    h0_ref[...] = h0
    hp_ref[...] = hp
    asad_ref[...] = jnp.dot(hp, asd_ref[...], preferred_element_type=_f32)


def _finalize(acc0, acc1, den0, den1, hp, asad, hprev, g, beta, bg, exp4):
    as4 = asad[:, 0:4]
    ad4 = asad[:, 4:8]
    t = as4 + ad4
    wself = jnp.exp(jnp.maximum(t, 0.2 * t))
    den4 = den0[:, 0:4] + den1[:, 0:4] + wself
    denx = jnp.dot(den4, exp4, preferred_element_type=_f32)
    accx = acc0 + acc1 + jnp.dot(wself, exp4,
                                 preferred_element_type=_f32) * hp
    gat = accx / (denx + 1e-16) + bg
    z = hprev + gat
    mu = jnp.mean(z, axis=-1, keepdims=True)
    var = jnp.mean((z - mu) ** 2, axis=-1, keepdims=True)
    return jnp.maximum((z - mu) * lax.rsqrt(var + 1e-5) * g + beta, 0.0)


def _mid_body(acc0_ref, acc1_ref, den0_ref, den1_ref, hp_ref, asad_ref,
              hprev_ref, g_ref, beta_ref, bg_ref, exp4_ref, wnext_ref,
              asdnext_ref, hn_ref, hpn_ref, asadn_ref):
    hn = _finalize(acc0_ref[...], acc1_ref[...], den0_ref[...], den1_ref[...],
                   hp_ref[...], asad_ref[...], hprev_ref[...], g_ref[...],
                   beta_ref[...], bg_ref[...], exp4_ref[...])
    hpn = jnp.dot(hn, wnext_ref[...], preferred_element_type=_f32)
    hn_ref[...] = hn
    hpn_ref[...] = hpn
    asadn_ref[...] = jnp.dot(hpn, asdnext_ref[...], preferred_element_type=_f32)


def _tail_body(acc0_ref, acc1_ref, den0_ref, den1_ref, hp_ref, asad_ref,
               hprev_ref, g_ref, beta_ref, bg_ref, exp4_ref, wp1_ref, bp1_ref,
               wp2_ref, bp2_ref, y_ref):
    hn = _finalize(acc0_ref[...], acc1_ref[...], den0_ref[...], den1_ref[...],
                   hp_ref[...], asad_ref[...], hprev_ref[...], g_ref[...],
                   beta_ref[...], bg_ref[...], exp4_ref[...])
    p = jnp.dot(hn, wp1_ref[...], preferred_element_type=_f32) + bp1_ref[...]
    p = jnp.maximum(p, 0.0)
    y_ref[...] = jnp.dot(p, wp2_ref[...], preferred_element_type=_f32) \
        + bp2_ref[...]


def _rb(shape):
    return pl.BlockSpec(shape, lambda i: (i,) + (0,) * (len(shape) - 1))


def _fb(shape):
    return pl.BlockSpec(shape, lambda i: (0,) * len(shape))


_GRID = (_NP // _BR,)

_proj_call = pl.pallas_call(
    _proj_body,
    grid=_GRID,
    in_specs=[_rb((_BR, _D)), _fb((_D, _D)), _fb((1, _D)), _fb((_D, _D)),
              _fb((_D, 16))],
    out_specs=[_rb((_BR, _D)), _rb((_BR, _D)), _rb((_BR, 16))],
    out_shape=[jax.ShapeDtypeStruct((_NP, _D), _f32),
               jax.ShapeDtypeStruct((_NP, _D), _f32),
               jax.ShapeDtypeStruct((_NP, 16), _f32)],
)

_mid_call = pl.pallas_call(
    _mid_body,
    grid=_GRID,
    in_specs=[_rb((_BR, _D)), _rb((_BR, _D)), _rb((_BR, 16)), _rb((_BR, 16)),
              _rb((_BR, _D)), _rb((_BR, 16)), _rb((_BR, _D)),
              _fb((1, _D)), _fb((1, _D)), _fb((1, _D)), _fb((4, _D)),
              _fb((_D, _D)), _fb((_D, 16))],
    out_specs=[_rb((_BR, _D)), _rb((_BR, _D)), _rb((_BR, 16))],
    out_shape=[jax.ShapeDtypeStruct((_NP, _D), _f32),
               jax.ShapeDtypeStruct((_NP, _D), _f32),
               jax.ShapeDtypeStruct((_NP, 16), _f32)],
)

_tail_call = pl.pallas_call(
    _tail_body,
    grid=_GRID,
    in_specs=[_rb((_BR, _D)), _rb((_BR, _D)), _rb((_BR, 16)), _rb((_BR, 16)),
              _rb((_BR, _D)), _rb((_BR, 16)), _rb((_BR, _D)),
              _fb((1, _D)), _fb((1, _D)), _fb((1, _D)), _fb((4, _D)),
              _fb((_D, 16)), _fb((1, 16)), _fb((16, _D)), _fb((1, _D))],
    out_specs=[_rb((_BR, _D))],
    out_shape=[jax.ShapeDtypeStruct((_NP, _D), _f32)],
)



_mesh = plsc.VectorSubcoreMesh(core_axis_name="c", subcore_axis_name="s")


@functools.partial(
    pl.kernel,
    out_type=(jax.ShapeDtypeStruct((2, _NP, _D), _f32),
              jax.ShapeDtypeStruct((2, _NP, 16), _f32)),
    mesh=_mesh,
    compiler_params=pltpu.CompilerParams(needs_layout_passes=False,
                                         use_tc_tiling_on_sc=False),
    scratch_types=[
        pltpu.VMEM_SHARED((_NP, _D), _f32),
        pltpu.VMEM_SHARED((_NP, 16), _f32),
        pltpu.VMEM((_CB,), _i32),
        pltpu.VMEM((1, _CB), _i32),
        pltpu.VMEM((_CB, _D), _f32),
        pltpu.VMEM((_CB, 16), _f32),
        pltpu.VMEM((_CB, 16), _f32),
        pltpu.VMEM((_CB, 16), _f32),
        pltpu.VMEM((_CB,), _i32),
        pltpu.VMEM((1, _CB), _i32),
        pltpu.VMEM((_CB, _D), _f32),
        pltpu.VMEM((_CB, 16), _f32),
        pltpu.VMEM((_CB, 16), _f32),
        pltpu.VMEM((_CB, 16), _f32),
        pltpu.SemaphoreType.DMA,
        pltpu.SemaphoreType.DMA,
        pltpu.SemaphoreType.DMA,
        pltpu.SemaphoreType.DMA,
    ],
)
def _edge_call(hp_hbm, asad_hbm, sidx_hbm, didx_hbm, za_hbm, zd_hbm,
               accs_out, dens_out, acc_sh, den_sh,
               sidx0, didx0, rows0, abuf0, bbuf0, wbuf0,
               sidx1, didx1, rows1, abuf1, bbuf1, wbuf1,
               sg0, sg1, ss0, ss1):
    c = lax.axis_index("c")
    s = lax.axis_index("s")
    wid = s * 2 + c

    nch = _NP // _ZCH
    rpt = _NP // 16
    base = s * rpt

    def _zinit(i, carry):
        k = s + 16 * i

        @pl.when(k < nch)
        def _():
            sl = pl.ds(k * _ZCH, _ZCH)
            pltpu.sync_copy(za_hbm.at[sl], acc_sh.at[sl])

        return carry

    lax.fori_loop(0, (nch + 15) // 16, _zinit, 0)
    pltpu.sync_copy(zd_hbm.at[pl.ds(base, rpt)], den_sh.at[pl.ds(base, rpt)])

    lanes = lax.iota(_i32, 16)
    h_idx = [jnp.full((16,), h, _i32) for h in range(_HEADS)]
    hd_idx = [jnp.full((16,), 4 + h, _i32) for h in range(_HEADS)]
    zero16 = jnp.zeros((16,), _f32)

    set0 = (sidx0, didx0, rows0, abuf0, bbuf0, wbuf0, sg0, ss0)
    set1 = (sidx1, didx1, rows1, abuf1, bbuf1, wbuf1, sg1, ss1)

    def load_idx(j, bufs):
        pltpu.sync_copy(sidx_hbm.at[wid, j], bufs[0])
        pltpu.sync_copy(didx_hbm.at[wid, pl.ds(j, 1)], bufs[1])

    def fire_gathers(bufs):
        sidx_v, didx_v, rows_v, abuf, bbuf, _, sg, _ = bufs
        pltpu.async_copy(hp_hbm.at[sidx_v], rows_v, sg)
        pltpu.async_copy(asad_hbm.at[sidx_v], abuf, sg)
        pltpu.async_copy(asad_hbm.at[didx_v.at[0]], bbuf, sg)

    def wait_gathers(bufs):
        sidx_v, didx_v, rows_v, abuf, bbuf, _, sg, _ = bufs
        pltpu.make_async_copy(hp_hbm.at[sidx_v], rows_v, sg).wait()
        pltpu.make_async_copy(asad_hbm.at[sidx_v], abuf, sg).wait()
        pltpu.make_async_copy(asad_hbm.at[didx_v.at[0]], bbuf, sg).wait()

    def fire_scatters(bufs):
        _, didx_v, rows_v, _, _, wbuf, _, ss = bufs
        pltpu.async_copy(rows_v, acc_sh.at[didx_v.at[0]], ss, add=True)
        pltpu.async_copy(wbuf, den_sh.at[didx_v.at[0]], ss, add=True)

    def wait_scatters(bufs):
        _, didx_v, rows_v, _, _, wbuf, _, ss = bufs
        pltpu.make_async_copy(rows_v, acc_sh.at[didx_v.at[0]], ss).wait()
        pltpu.make_async_copy(wbuf, den_sh.at[didx_v.at[0]], ss).wait()

    def compute(bufs):
        _, _, rows_v, abuf, bbuf, wbuf, _, _ = bufs

        def group(g, carry):
            ev = jnp.full((16,), g * 16, _i32) + lanes
            for h in range(_HEADS):
                as_h = plsc.load_gather(abuf, [ev, h_idx[h]])
                ad_h = plsc.load_gather(bbuf, [ev, hd_idx[h]])
                t = as_h + ad_h
                w_h = jnp.exp(jnp.maximum(t, 0.2 * t))
                plsc.store_scatter(wbuf, [ev, h_idx[h]], w_h)
            return carry

        lax.fori_loop(0, _CB // 16, group, 0)

        def edge(e, carry2):
            row_e = jnp.full((16,), e, _i32)
            scales = [plsc.load_gather(wbuf, [row_e, h_idx[h]])
                      for h in range(_HEADS)]
            for jj in range(_D // 16):
                sl = pl.ds(jj * 16, 16)
                rows_v[e, sl] = rows_v[e, sl] * scales[jj // 2]
            return carry2

        lax.fori_loop(0, _CB, edge, 0)

    def phase(j, cur, nxt):
        wait_gathers(cur)

        @pl.when(j + 1 < _K)
        def _prefetch():
            @pl.when(j >= 1)
            def _():
                wait_scatters(nxt)

            load_idx(j + 1, nxt)
            fire_gathers(nxt)

        compute(cur)
        fire_scatters(cur)

    def _zw(e, carry):
        wbuf0[e, :] = zero16
        wbuf1[e, :] = zero16
        return carry

    lax.fori_loop(0, _CB, _zw, 0)

    load_idx(0, set0)
    fire_gathers(set0)
    plsc.subcore_barrier()

    def body(i, carry):
        phase(2 * i, set0, set1)
        phase(2 * i + 1, set1, set0)
        return carry

    lax.fori_loop(0, _K // 2, body, 0)
    wait_scatters(set0)
    wait_scatters(set1)
    plsc.subcore_barrier()

    def _zdrain(i, carry):
        k = s + 16 * i

        @pl.when(k < nch)
        def _():
            sl = pl.ds(k * _ZCH, _ZCH)
            pltpu.sync_copy(acc_sh.at[sl], accs_out.at[c, sl])

        return carry

    lax.fori_loop(0, (nch + 15) // 16, _zdrain, 0)
    pltpu.sync_copy(den_sh.at[pl.ds(base, rpt)],
                    dens_out.at[c, pl.ds(base, rpt)])



def _make_asd(a_s, a_d):
    bs = jax.scipy.linalg.block_diag(*[a_s[0, h][None, :]
                                       for h in range(_HEADS)])
    bd = jax.scipy.linalg.block_diag(*[a_d[0, h][None, :]
                                       for h in range(_HEADS)])
    return jnp.concatenate([bs.T, bd.T, jnp.zeros((_D, 8), _f32)], axis=1)


def kernel(x, edge_index, W_in, b_in, W_g1, att_src1, att_dst1, b_g1, g1,
           beta1, W_g2, att_src2, att_dst2, b_g2, g2, beta2, W_p1, b_p1,
           W_p2, b_p2):
    x_pad = jnp.zeros((_NP, _D), _f32).at[:_N].set(x)
    src = edge_index[0].astype(_i32)
    dst = edge_index[1].astype(_i32)
    pad = jnp.full((_EP - _E,), _N, _i32)
    sidx = jnp.concatenate([src, pad]).reshape(_NW, _K, _CB)
    didx = jnp.concatenate([dst, pad]).reshape(_NW, _K, _CB)

    asd1 = _make_asd(att_src1, att_dst1)
    asd2 = _make_asd(att_src2, att_dst2)
    exp4 = jax.scipy.linalg.block_diag(
        *[jnp.ones((1, _OC), _f32)] * _HEADS)
    za = jnp.zeros((_NP, _D), _f32)
    zd = jnp.zeros((_NP, 16), _f32)

    b_in2 = b_in[None, :]
    g1_2, beta1_2, bg1_2 = g1[None, :], beta1[None, :], b_g1[None, :]
    g2_2, beta2_2, bg2_2 = g2[None, :], beta2[None, :], b_g2[None, :]
    bp1_2 = b_p1[None, :]
    wp2_pad = jnp.pad(W_p2, ((0, 0), (0, _D - W_p2.shape[1])))
    bp2_pad = jnp.pad(b_p2, (0, _D - b_p2.shape[0]))[None, :]

    h0, hp1, asad1 = _proj_call(x_pad, W_in, b_in2, W_g1, asd1)
    accs1, dens1 = _edge_call(hp1, asad1, sidx, didx, za, zd)
    h1, hp2, asad2 = _mid_call(accs1[0], accs1[1], dens1[0], dens1[1], hp1,
                               asad1, h0, g1_2, beta1_2, bg1_2, exp4, W_g2,
                               asd2)
    accs2, dens2 = _edge_call(hp2, asad2, sidx, didx, za, zd)
    (y,) = _tail_call(accs2[0], accs2[1], dens2[0], dens2[1], hp2, asad2, h1,
                      g2_2, beta2_2, bg2_2, exp4, W_p1, bp1_2, wp2_pad,
                      bp2_pad)
    return y[:_N, :1]

# --- scband reference (transcript-rebuilt; emitter-appended) ---
"""Pipeline reference for scband-residual-gat-16295105921231 (READ-ONLY COPY).

The authoritative reference and input builder live on the scoring server;
editing this copy changes nothing except your own understanding.
"""

import jax, jax.numpy as jnp
import numpy as np

N = 10000
E = 320000
D_IN = 128
H_DIM = 128
HEADS = 4
OC = 32  # H_DIM // HEADS


def setup_inputs(seed: int = 0) -> dict:
    key = jax.random.key(seed)
    ks = jax.random.split(key, 16)

    def w(k, shape, scale):
        return jax.random.normal(k, shape, dtype=jnp.float32) * scale

    inp = {}
    inp["x"] = jax.random.normal(ks[0], (N, D_IN), dtype=jnp.float32)
    inp["edge_index"] = jax.random.randint(ks[1], (2, E), 0, N)
    # input projection
    inp["W_in"] = w(ks[2], (D_IN, H_DIM), 1.0 / np.sqrt(D_IN))
    inp["b_in"] = jnp.zeros((H_DIM,), jnp.float32)
    # GAT layer 1
    inp["W_g1"] = w(ks[3], (H_DIM, H_DIM), 1.0 / np.sqrt(H_DIM))
    inp["att_src1"] = w(ks[4], (1, HEADS, OC), 0.1)
    inp["att_dst1"] = w(ks[5], (1, HEADS, OC), 0.1)
    inp["b_g1"] = jnp.zeros((H_DIM,), jnp.float32)
    inp["g1"] = jnp.ones((H_DIM,), jnp.float32)
    inp["beta1"] = jnp.zeros((H_DIM,), jnp.float32)
    # GAT layer 2
    inp["W_g2"] = w(ks[6], (H_DIM, H_DIM), 1.0 / np.sqrt(H_DIM))
    inp["att_src2"] = w(ks[7], (1, HEADS, OC), 0.1)
    inp["att_dst2"] = w(ks[8], (1, HEADS, OC), 0.1)
    inp["b_g2"] = jnp.zeros((H_DIM,), jnp.float32)
    inp["g2"] = jnp.ones((H_DIM,), jnp.float32)
    inp["beta2"] = jnp.zeros((H_DIM,), jnp.float32)
    # prediction head
    inp["W_p1"] = w(ks[9], (H_DIM, 16), 1.0 / np.sqrt(H_DIM))
    inp["b_p1"] = jnp.zeros((16,), jnp.float32)
    inp["W_p2"] = w(ks[10], (16, 1), 0.25)
    inp["b_p2"] = jnp.zeros((1,), jnp.float32)
    return inp


def _layer_norm(x, g, b):
    mu = jnp.mean(x, axis=-1, keepdims=True)
    var = jnp.mean((x - mu) ** 2, axis=-1, keepdims=True)
    return (x - mu) / jnp.sqrt(var + 1e-5) * g + b


def _gat(h, src, dst, W, a_s, a_d, bias):
    # PyG-style GATConv (v1) with concat=True heads
    n = h.shape[0]
    hp = (h @ W).reshape(n, HEADS, OC)
    al_s = jnp.sum(hp * a_s, axis=-1)  # [n, heads]
    al_d = jnp.sum(hp * a_d, axis=-1)
    e = jax.nn.leaky_relu(al_s[src] + al_d[dst], 0.2)  # [E+N, heads]
    emax = jax.lax.stop_gradient(jax.ops.segment_max(e, dst, num_segments=n))
    ex = jnp.exp(e - emax[dst])
    den = jax.ops.segment_sum(ex, dst, num_segments=n)
    alpha = ex / (den[dst] + 1e-16)
    out = jax.ops.segment_sum(hp[src] * alpha[:, :, None], dst, num_segments=n)
    return out.reshape(n, HEADS * OC) + bias


def reference(x, edge_index, W_in, b_in, W_g1, att_src1, att_dst1, b_g1, g1, beta1,
              W_g2, att_src2, att_dst2, b_g2, g2, beta2, W_p1, b_p1, W_p2, b_p2):
    n = x.shape[0]
    loop = jnp.arange(n, dtype=edge_index.dtype)
    src = jnp.concatenate([edge_index[0], loop])  # GATConv adds self-loops by default
    dst = jnp.concatenate([edge_index[1], loop])
    h = x @ W_in + b_in
    h1 = _gat(h, src, dst, W_g1, att_src1, att_dst1, b_g1)
    h = jax.nn.relu(_layer_norm(h + h1, g1, beta1))
    h2 = _gat(h, src, dst, W_g2, att_src2, att_dst2, b_g2)
    h = jax.nn.relu(_layer_norm(h + h2, g2, beta2))
    return jax.nn.relu(h @ W_p1 + b_p1) @ W_p2 + b_p2

if __name__ == "__main__":
    import jax
    _d = setup_inputs()
    print(jax.jit(kernel)(*tuple(_d.values())))

</pallas_src>

<mosaic_0001>
#map = affine_map<(d0, d1) -> (0, 0)>
#map1 = affine_map<(d0, d1) -> (0, 0, 0)>
module attributes {stable_mosaic.version = 14 : i64} {
  func.func @_edge_call(%arg0: i32, %arg1: i32, %arg2: memref<10112x128xf32, #tpu.memory_space<hbm>>, %arg3: memref<10112x16xf32, #tpu.memory_space<hbm>>, %arg4: memref<32x90x112xi32, #tpu.memory_space<hbm>>, %arg5: memref<32x90x112xi32, #tpu.memory_space<hbm>>, %arg6: memref<10112x128xf32, #tpu.memory_space<hbm>>, %arg7: memref<10112x16xf32, #tpu.memory_space<hbm>>, %arg8: memref<2x10112x128xf32, #tpu.memory_space<hbm>>, %arg9: memref<2x10112x16xf32, #tpu.memory_space<hbm>>, %arg10: memref<10112x128xf32, #tpu.memory_space<vmem_shared>>, %arg11: memref<10112x16xf32, #tpu.memory_space<vmem_shared>>, %arg12: memref<112xi32, #tpu.memory_space<vmem>>, %arg13: memref<1x112xi32, #tpu.memory_space<vmem>>, %arg14: memref<112x128xf32, #tpu.memory_space<vmem>>, %arg15: memref<112x16xf32, #tpu.memory_space<vmem>>, %arg16: memref<112x16xf32, #tpu.memory_space<vmem>>, %arg17: memref<112x16xf32, #tpu.memory_space<vmem>>, %arg18: memref<112xi32, #tpu.memory_space<vmem>>, %arg19: memref<1x112xi32, #tpu.memory_space<vmem>>, %arg20: memref<112x128xf32, #tpu.memory_space<vmem>>, %arg21: memref<112x16xf32, #tpu.memory_space<vmem>>, %arg22: memref<112x16xf32, #tpu.memory_space<vmem>>, %arg23: memref<112x16xf32, #tpu.memory_space<vmem>>, %arg24: memref<!tpu.dma_semaphore, #tpu.memory_space<semaphore_mem>>, %arg25: memref<!tpu.dma_semaphore, #tpu.memory_space<semaphore_mem>>, %arg26: memref<!tpu.dma_semaphore, #tpu.memory_space<semaphore_mem>>, %arg27: memref<!tpu.dma_semaphore, #tpu.memory_space<semaphore_mem>>) attributes {dimension_semantics = [#tpu.dimension_semantics<core_parallel>, #tpu.dimension_semantics<subcore_parallel>], iteration_bounds = array<i64: 2, 16>, scalar_prefetch = 0 : i64, scratch_operands = 18 : i64, tpu.core_type = #tpu.core_type<sc_vector_subcore>, window_params = [{transform_indices = #map}, {transform_indices = #map}, {transform_indices = #map1}, {transform_indices = #map1}, {transform_indices = #map}, {transform_indices = #map}, {transform_indices = #map1}, {transform_indices = #map1}]} {
    %mul3A = arith.constant 2 : i32
    %mul3A_0 = arith.muli %arg1, %mul3A : i32
    %add3A = arith.addi %mul3A_0, %arg0 : i32
    %mul3A_1 = arith.constant 632 : i32
    %mul3A_2 = arith.muli %arg1, %mul3A_1 : i32
    %scan3A = arith.constant 0 : i32
    %scan3A_3 = arith.constant 0 : i32
    %scan3A_4 = arith.constant 5 : i32
    %scan3A_5 = arith.addi %scan3A_3, %scan3A_4 : i32
    %scan3A_6 = arith.constant 1 : i32
    scf.for %scan3A_83 = %scan3A_3 to %scan3A_5 step %scan3A_6  : i32 {
      %mul3A_84 = arith.constant 16 : i32
      %mul3A_85 = arith.muli %mul3A_84, %scan3A_83 : i32
      %add3A_86 = arith.addi %arg1, %mul3A_85 : i32
      %lt3A = arith.constant 79 : i32
      %lt3A_87 = arith.cmpi slt, %add3A_86, %lt3A : i32
      %convert_element_type3A = arith.extui %lt3A_87 : i1 to i32
      %cond3A = arith.constant 0 : i32
      %cond3A_88 = arith.cmpi ne, %convert_element_type3A, %cond3A : i32
      scf.if %cond3A_88 {
        %mul3A_89 = arith.constant 128 : i32
        %mul3A_90 = arith.muli %add3A_86, %mul3A_89 : i32
        "tpu.region"() ({
          %run_scoped3A_91 = tpu.sem_alloc : memref<!tpu.dma_semaphore, #tpu.memory_space<semaphore_mem>>
          %dma_start3A_92 = arith.constant 0 : i32
          %dma_start3A_93 = tpu.memref_slice %arg10[%mul3A_90, %dma_start3A_92] : memref<10112x128xf32, #tpu.memory_space<vmem_shared>> -> memref<128x128xf32, #tpu.memory_space<vmem_shared>>
          %dma_start3A_94 = arith.constant 0 : i32
          %dma_start3A_95 = tpu.memref_slice %arg6[%mul3A_90, %dma_start3A_94] : memref<10112x128xf32, #tpu.memory_space<hbm>> -> memref<128x128xf32, #tpu.memory_space<hbm>>
          tpu.enqueue_dma source(%dma_start3A_95 : memref<128x128xf32, #tpu.memory_space<hbm>>) target(%dma_start3A_93 : memref<128x128xf32, #tpu.memory_space<vmem_shared>>) target_semaphore(%run_scoped3A_91 : memref<!tpu.dma_semaphore, #tpu.memory_space<semaphore_mem>>)
          %dma_wait3A_96 = arith.constant 0 : i32
          %dma_wait3A_97 = tpu.memref_slice %arg10[%mul3A_90, %dma_wait3A_96] : memref<10112x128xf32, #tpu.memory_space<vmem_shared>> -> memref<128x128xf32, #tpu.memory_space<vmem_shared>>
          %dma_wait3A_98 = arith.constant 0 : i32
          %dma_wait3A_99 = tpu.memref_slice %arg6[%mul3A_90, %dma_wait3A_98] : memref<10112x128xf32, #tpu.memory_space<hbm>> -> memref<128x128xf32, #tpu.memory_space<hbm>>
          tpu.wait_dma2 semaphore(%run_scoped3A_91 : memref<!tpu.dma_semaphore, #tpu.memory_space<semaphore_mem>>) src(%dma_wait3A_99 : memref<128x128xf32, #tpu.memory_space<hbm>>) dst(%dma_wait3A_97 : memref<128x128xf32, #tpu.memory_space<vmem_shared>>)
          tpu.yield
        }) : () -> ()
      } else {
      }
    }
    %scan3A_7 = arith.constant 5 : i32
    "tpu.region"() ({
      %run_scoped3A_83 = tpu.sem_alloc : memref<!tpu.dma_semaphore, #tpu.memory_space<semaphore_mem>>
      %dma_start3A_84 = arith.constant 0 : i32
      %dma_start3A_85 = tpu.memref_slice %arg11[%mul3A_2, %dma_start3A_84] : memref<10112x16xf32, #tpu.memory_space<vmem_shared>> -> memref<632x16xf32, #tpu.memory_space<vmem_shared>>
      %dma_start3A_86 = arith.constant 0 : i32
      %dma_start3A_87 = tpu.memref_slice %arg7[%mul3A_2, %dma_start3A_86] : memref<10112x16xf32, #tpu.memory_space<hbm>> -> memref<632x16xf32, #tpu.memory_space<hbm>>
      tpu.enqueue_dma source(%dma_start3A_87 : memref<632x16xf32, #tpu.memory_space<hbm>>) target(%dma_start3A_85 : memref<632x16xf32, #tpu.memory_space<vmem_shared>>) target_semaphore(%run_scoped3A_83 : memref<!tpu.dma_semaphore, #tpu.memory_space<semaphore_mem>>)
      %dma_wait3A_88 = arith.constant 0 : i32
      %dma_wait3A_89 = tpu.memref_slice %arg11[%mul3A_2, %dma_wait3A_88] : memref<10112x16xf32, #tpu.memory_space<vmem_shared>> -> memref<632x16xf32, #tpu.memory_space<vmem_shared>>
      %dma_wait3A_90 = arith.constant 0 : i32
      %dma_wait3A_91 = tpu.memref_slice %arg7[%mul3A_2, %dma_wait3A_90] : memref<10112x16xf32, #tpu.memory_space<hbm>> -> memref<632x16xf32, #tpu.memory_space<hbm>>
      tpu.wait_dma2 semaphore(%run_scoped3A_83 : memref<!tpu.dma_semaphore, #tpu.memory_space<semaphore_mem>>) src(%dma_wait3A_91 : memref<632x16xf32, #tpu.memory_space<hbm>>) dst(%dma_wait3A_89 : memref<632x16xf32, #tpu.memory_space<vmem_shared>>)
      tpu.yield
    }) : () -> ()
    %iota3A = tpu.iota {dimensions = array<i32: 0>} : vector<16xi32>
    %broadcast_in_dim3A = arith.constant 0 : i32
    %broadcast_in_dim3A_8 = vector.broadcast %broadcast_in_dim3A : i32 to vector<16xi32>
    %broadcast_in_dim3A_9 = arith.constant 1 : i32
    %broadcast_in_dim3A_10 = vector.broadcast %broadcast_in_dim3A_9 : i32 to vector<16xi32>
    %broadcast_in_dim3A_11 = arith.constant 2 : i32
    %broadcast_in_dim3A_12 = vector.broadcast %broadcast_in_dim3A_11 : i32 to vector<16xi32>
    %broadcast_in_dim3A_13 = arith.constant 3 : i32
    %broadcast_in_dim3A_14 = vector.broadcast %broadcast_in_dim3A_13 : i32 to vector<16xi32>
    %broadcast_in_dim3A_15 = arith.constant 4 : i32
    %broadcast_in_dim3A_16 = vector.broadcast %broadcast_in_dim3A_15 : i32 to vector<16xi32>
    %broadcast_in_dim3A_17 = arith.constant 5 : i32
    %broadcast_in_dim3A_18 = vector.broadcast %broadcast_in_dim3A_17 : i32 to vector<16xi32>
    %broadcast_in_dim3A_19 = arith.constant 6 : i32
    %broadcast_in_dim3A_20 = vector.broadcast %broadcast_in_dim3A_19 : i32 to vector<16xi32>
    %broadcast_in_dim3A_21 = arith.constant 7 : i32
    %broadcast_in_dim3A_22 = vector.broadcast %broadcast_in_dim3A_21 : i32 to vector<16xi32>
    %broadcast_in_dim3A_23 = arith.constant 0.000000e+00 : f32
    %broadcast_in_dim3A_24 = vector.broadcast %broadcast_in_dim3A_23 : f32 to vector<16xf32>
    %scan3A_25 = arith.constant 0 : i32
    %scan3A_26 = arith.constant 0 : i32
    %scan3A_27 = arith.constant 112 : i32
    %scan3A_28 = arith.addi %scan3A_26, %scan3A_27 : i32
    %scan3A_29 = arith.constant 1 : i32
    scf.for %scan3A_83 = %scan3A_26 to %scan3A_28 step %scan3A_29  : i32 {
      %swap3A = arith.index_cast %scan3A_83 : i32 to index
      %swap3A_84 = arith.constant 0 : index
      %swap3A_85 = tpu.vector_load %arg17[%swap3A, %swap3A_84] {strides = array<i32>} : memref<112x16xf32, #tpu.memory_space<vmem>>, vector<16xf32>,
      tpu.vector_store %arg17[%swap3A, %swap3A_84], %broadcast_in_dim3A_24 {strides = array<i32>} : memref<112x16xf32, #tpu.memory_space<vmem>>, vector<16xf32>,
      %swap3A_86 = arith.index_cast %scan3A_83 : i32 to index
      %swap3A_87 = arith.constant 0 : index
      %swap3A_88 = tpu.vector_load %arg23[%swap3A_86, %swap3A_87] {strides = array<i32>} : memref<112x16xf32, #tpu.memory_space<vmem>>, vector<16xf32>,
      tpu.vector_store %arg23[%swap3A_86, %swap3A_87], %broadcast_in_dim3A_24 {strides = array<i32>} : memref<112x16xf32, #tpu.memory_space<vmem>>, vector<16xf32>,
    }
    %scan3A_30 = arith.constant 112 : i32
    %run_scoped3A = arith.constant 0 : i32
    "tpu.region"() ({
      %run_scoped3A_83 = tpu.sem_alloc : memref<!tpu.dma_semaphore, #tpu.memory_space<semaphore_mem>>
      %dma_start3A_84 = arith.constant 0 : i32
      %dma_start3A_85 = tpu.memref_slice %arg4[%add3A, %run_scoped3A, %dma_start3A_84] : memref<32x90x112xi32, #tpu.memory_space<hbm>> -> memref<1x1x112xi32, #tpu.memory_space<hbm>>
      %dma_start3A_86 = tpu.memref_squeeze %dma_start3A_85 : memref<1x1x112xi32, #tpu.memory_space<hbm>> -> memref<112xi32, #tpu.memory_space<hbm>>
      %dma_start3A_87 = arith.constant 0 : i32
      %dma_start3A_88 = tpu.memref_slice %arg4[%add3A, %run_scoped3A, %dma_start3A_87] : memref<32x90x112xi32, #tpu.memory_space<hbm>> -> memref<1x1x112xi32, #tpu.memory_space<hbm>>
      %dma_start3A_89 = tpu.memref_squeeze %dma_start3A_88 : memref<1x1x112xi32, #tpu.memory_space<hbm>> -> memref<112xi32, #tpu.memory_space<hbm>>
      tpu.enqueue_dma source(%dma_start3A_89 : memref<112xi32, #tpu.memory_space<hbm>>) target(%arg12 : memref<112xi32, #tpu.memory_space<vmem>>) target_semaphore(%run_scoped3A_83 : memref<!tpu.dma_semaphore, #tpu.memory_space<semaphore_mem>>)
      %dma_wait3A_90 = arith.constant 0 : i32
      %dma_wait3A_91 = tpu.memref_slice %arg4[%add3A, %run_scoped3A, %dma_wait3A_90] : memref<32x90x112xi32, #tpu.memory_space<hbm>> -> memref<1x1x112xi32, #tpu.memory_space<hbm>>
      %dma_wait3A_92 = tpu.memref_squeeze %dma_wait3A_91 : memref<1x1x112xi32, #tpu.memory_space<hbm>> -> memref<112xi32, #tpu.memory_space<hbm>>
      %dma_wait3A_93 = arith.constant 0 : i32
      %dma_wait3A_94 = tpu.memref_slice %arg4[%add3A, %run_scoped3A, %dma_wait3A_93] : memref<32x90x112xi32, #tpu.memory_space<hbm>> -> memref<1x1x112xi32, #tpu.memory_space<hbm>>
      %dma_wait3A_95 = tpu.memref_squeeze %dma_wait3A_94 : memref<1x1x112xi32, #tpu.memory_space<hbm>> -> memref<112xi32, #tpu.memory_space<hbm>>
      tpu.wait_dma2 semaphore(%run_scoped3A_83 : memref<!tpu.dma_semaphore, #tpu.memory_space<semaphore_mem>>) src(%dma_wait3A_95 : memref<112xi32, #tpu.memory_space<hbm>>) dst(%arg12 : memref<112xi32, #tpu.memory_space<vmem>>)
      tpu.yield
    }) : () -> ()
    "tpu.region"() ({
      %run_scoped3A_83 = tpu.sem_alloc : memref<!tpu.dma_semaphore, #tpu.memory_space<semaphore_mem>>
      %dma_start3A_84 = arith.constant 0 : i32
      %dma_start3A_85 = arith.constant 0 : i32
      %dma_start3A_86 = tpu.memref_slice %arg5[%add3A, %dma_start3A_84, %dma_start3A_85] : memref<32x90x112xi32, #tpu.memory_space<hbm>> -> memref<1x1x112xi32, #tpu.memory_space<hbm>>
      %dma_start3A_87 = tpu.memref_squeeze %dma_start3A_86 : memref<1x1x112xi32, #tpu.memory_space<hbm>> -> memref<1x112xi32, #tpu.memory_space<hbm>>
      %dma_start3A_88 = arith.constant 0 : i32
      %dma_start3A_89 = arith.constant 0 : i32
      %dma_start3A_90 = tpu.memref_slice %arg5[%add3A, %dma_start3A_88, %dma_start3A_89] : memref<32x90x112xi32, #tpu.memory_space<hbm>> -> memref<1x1x112xi32, #tpu.memory_space<hbm>>
      %dma_start3A_91 = tpu.memref_squeeze %dma_start3A_90 : memref<1x1x112xi32, #tpu.memory_space<hbm>> -> memref<1x112xi32, #tpu.memory_space<hbm>>
      tpu.enqueue_dma source(%dma_start3A_91 : memref<1x112xi32, #tpu.memory_space<hbm>>) target(%arg13 : memref<1x112xi32, #tpu.memory_space<vmem>>) target_semaphore(%run_scoped3A_83 : memref<!tpu.dma_semaphore, #tpu.memory_space<semaphore_mem>>)
      %dma_wait3A_92 = arith.constant 0 : i32
      %dma_wait3A_93 = arith.constant 0 : i32
      %dma_wait3A_94 = tpu.memref_slice %arg5[%add3A, %dma_wait3A_92, %dma_wait3A_93] : memref<32x90x112xi32, #tpu.memory_space<hbm>> -> memref<1x1x112xi32, #tpu.memory_space<hbm>>
      %dma_wait3A_95 = tpu.memref_squeeze %dma_wait3A_94 : memref<1x1x112xi32, #tpu.memory_space<hbm>> -> memref<1x112xi32, #tpu.memory_space<hbm>>
      %dma_wait3A_96 = arith.constant 0 : i32
      %dma_wait3A_97 = arith.constant 0 : i32
      %dma_wait3A_98 = tpu.memref_slice %arg5[%add3A, %dma_wait3A_96, %dma_wait3A_97] : memref<32x90x112xi32, #tpu.memory_space<hbm>> -> memref<1x1x112xi32, #tpu.memory_space<hbm>>
      %dma_wait3A_99 = tpu.memref_squeeze %dma_wait3A_98 : memref<1x1x112xi32, #tpu.memory_space<hbm>> -> memref<1x112xi32, #tpu.memory_space<hbm>>
      tpu.wait_dma2 semaphore(%run_scoped3A_83 : memref<!tpu.dma_semaphore, #tpu.memory_space<semaphore_mem>>) src(%dma_wait3A_99 : memref<1x112xi32, #tpu.memory_space<hbm>>) dst(%arg13 : memref<1x112xi32, #tpu.memory_space<vmem>>)
      tpu.yield
    }) : () -> ()
    %dma_start3A = arith.constant 0 : i32
    %dma_start3A_31 = arith.constant 0 : i32
    %dma_start3A_32 = tpu.memref_slice %arg2[%dma_start3A, %dma_start3A_31] : memref<10112x128xf32, #tpu.memory_space<hbm>> -> memref<10112x128xf32, #tpu.memory_space<hbm>>
    tpu.enqueue_indirect_dma source(%dma_start3A_32 : memref<10112x128xf32, #tpu.memory_space<hbm>>) target(%arg14 : memref<112x128xf32, #tpu.memory_space<vmem>>) offsets(%arg12 : memref<112xi32, #tpu.memory_space<vmem>>) semaphore(%arg24 : memref<!tpu.dma_semaphore, #tpu.memory_space<semaphore_mem>>)
    %dma_start3A_33 = arith.constant 0 : i32
    %dma_start3A_34 = arith.constant 0 : i32
    %dma_start3A_35 = tpu.memref_slice %arg3[%dma_start3A_33, %dma_start3A_34] : memref<10112x16xf32, #tpu.memory_space<hbm>> -> memref<10112x16xf32, #tpu.memory_space<hbm>>
    tpu.enqueue_indirect_dma source(%dma_start3A_35 : memref<10112x16xf32, #tpu.memory_space<hbm>>) target(%arg15 : memref<112x16xf32, #tpu.memory_space<vmem>>) offsets(%arg12 : memref<112xi32, #tpu.memory_space<vmem>>) semaphore(%arg24 : memref<!tpu.dma_semaphore, #tpu.memory_space<semaphore_mem>>)
    %dma_start3A_36 = arith.constant 0 : i32
    %dma_start3A_37 = arith.constant 0 : i32
    %dma_start3A_38 = tpu.memref_slice %arg13[%dma_start3A_36, %dma_start3A_37] : memref<1x112xi32, #tpu.memory_space<vmem>> -> memref<1x112xi32, #tpu.memory_space<vmem>>
    %dma_start3A_39 = tpu.memref_squeeze %dma_start3A_38 : memref<1x112xi32, #tpu.memory_space<vmem>> -> memref<112xi32, #tpu.memory_space<vmem>>
    %dma_start3A_40 = arith.constant 0 : i32
    %dma_start3A_41 = arith.constant 0 : i32
    %dma_start3A_42 = tpu.memref_slice %arg3[%dma_start3A_40, %dma_start3A_41] : memref<10112x16xf32, #tpu.memory_space<hbm>> -> memref<10112x16xf32, #tpu.memory_space<hbm>>
    tpu.enqueue_indirect_dma source(%dma_start3A_42 : memref<10112x16xf32, #tpu.memory_space<hbm>>) target(%arg16 : memref<112x16xf32, #tpu.memory_space<vmem>>) offsets(%dma_start3A_39 : memref<112xi32, #tpu.memory_space<vmem>>) semaphore(%arg24 : memref<!tpu.dma_semaphore, #tpu.memory_space<semaphore_mem>>)
    %barrier3A = arith.constant 0 : index
    tpu.barrier barrier_id(%barrier3A)
    %scan3A_43 = arith.constant 0 : i32
    %scan3A_44 = arith.constant 0 : i32
    %scan3A_45 = arith.constant 45 : i32
    %scan3A_46 = arith.addi %scan3A_44, %scan3A_45 : i32
    %scan3A_47 = arith.constant 1 : i32
    scf.for %scan3A_83 = %scan3A_44 to %scan3A_46 step %scan3A_47  : i32 {
      %mul3A_84 = arith.constant 2 : i32
      %mul3A_85 = arith.muli %mul3A_84, %scan3A_83 : i32
      %dma_wait3A_86 = arith.constant 0 : i32
      %dma_wait3A_87 = arith.constant 0 : i32
      %dma_wait3A_88 = tpu.memref_slice %arg2[%dma_wait3A_86, %dma_wait3A_87] : memref<10112x128xf32, #tpu.memory_space<hbm>> -> memref<10112x128xf32, #tpu.memory_space<hbm>>
      tpu.wait_indirect_dma semaphore(%arg24 : memref<!tpu.dma_semaphore, #tpu.memory_space<semaphore_mem>>) src(%dma_wait3A_88 : memref<10112x128xf32, #tpu.memory_space<hbm>>) dst(%arg14 : memref<112x128xf32, #tpu.memory_space<vmem>>)
      %dma_wait3A_89 = arith.constant 0 : i32
      %dma_wait3A_90 = arith.constant 0 : i32
      %dma_wait3A_91 = tpu.memref_slice %arg3[%dma_wait3A_89, %dma_wait3A_90] : memref<10112x16xf32, #tpu.memory_space<hbm>> -> memref<10112x16xf32, #tpu.memory_space<hbm>>
      tpu.wait_indirect_dma semaphore(%arg24 : memref<!tpu.dma_semaphore, #tpu.memory_space<semaphore_mem>>) src(%dma_wait3A_91 : memref<10112x16xf32, #tpu.memory_space<hbm>>) dst(%arg15 : memref<112x16xf32, #tpu.memory_space<vmem>>)
      %dma_wait3A_92 = arith.constant 0 : i32
      %dma_wait3A_93 = arith.constant 0 : i32
      %dma_wait3A_94 = tpu.memref_slice %arg13[%dma_wait3A_92, %dma_wait3A_93] : memref<1x112xi32, #tpu.memory_space<vmem>> -> memref<1x112xi32, #tpu.memory_space<vmem>>
      %dma_wait3A_95 = tpu.memref_squeeze %dma_wait3A_94 : memref<1x112xi32, #tpu.memory_space<vmem>> -> memref<112xi32, #tpu.memory_space<vmem>>
      %dma_wait3A_96 = arith.constant 0 : i32
      %dma_wait3A_97 = arith.constant 0 : i32
      %dma_wait3A_98 = tpu.memref_slice %arg3[%dma_wait3A_96, %dma_wait3A_97] : memref<10112x16xf32, #tpu.memory_space<hbm>> -> memref<10112x16xf32, #tpu.memory_space<hbm>>
      tpu.wait_indirect_dma semaphore(%arg24 : memref<!tpu.dma_semaphore, #tpu.memory_space<semaphore_mem>>) src(%dma_wait3A_98 : memref<10112x16xf32, #tpu.memory_space<hbm>>) dst(%arg16 : memref<112x16xf32, #tpu.memory_space<vmem>>)
      %add3A_99 = arith.constant 1 : i32
      %add3A_100 = arith.addi %mul3A_85, %add3A_99 : i32
      %lt3A = arith.constant 90 : i32
      %lt3A_101 = arith.cmpi slt, %add3A_100, %lt3A : i32
      %convert_element_type3A = arith.extui %lt3A_101 : i1 to i32
      %cond3A = arith.constant 0 : i32
      %cond3A_102 = arith.cmpi ne, %convert_element_type3A, %cond3A : i32
      scf.if %cond3A_102 {
        %ge3A = arith.constant 1 : i32
        %ge3A_179 = arith.cmpi sge, %mul3A_85, %ge3A : i32
        %convert_element_type3A_180 = arith.extui %ge3A_179 : i1 to i32
        %cond3A_181 = arith.constant 0 : i32
        %cond3A_182 = arith.cmpi ne, %convert_element_type3A_180, %cond3A_181 : i32
        scf.if %cond3A_182 {
          %dma_wait3A_198 = arith.constant 0 : i32
          %dma_wait3A_199 = arith.constant 0 : i32
          %dma_wait3A_200 = tpu.memref_slice %arg19[%dma_wait3A_198, %dma_wait3A_199] : memref<1x112xi32, #tpu.memory_space<vmem>> -> memref<1x112xi32, #tpu.memory_space<vmem>>
          %dma_wait3A_201 = tpu.memref_squeeze %dma_wait3A_200 : memref<1x112xi32, #tpu.memory_space<vmem>> -> memref<112xi32, #tpu.memory_space<vmem>>
          %dma_wait3A_202 = arith.constant 0 : i32
          %dma_wait3A_203 = arith.constant 0 : i32
          %dma_wait3A_204 = tpu.memref_slice %arg10[%dma_wait3A_202, %dma_wait3A_203] : memref<10112x128xf32, #tpu.memory_space<vmem_shared>> -> memref<10112x128xf32, #tpu.memory_space<vmem_shared>>
          tpu.wait_indirect_dma semaphore(%arg27 : memref<!tpu.dma_semaphore, #tpu.memory_space<semaphore_mem>>) src(%arg20 : memref<112x128xf32, #tpu.memory_space<vmem>>) dst(%dma_wait3A_204 : memref<10112x128xf32, #tpu.memory_space<vmem_shared>>)
          %dma_wait3A_205 = arith.constant 0 : i32
          %dma_wait3A_206 = arith.constant 0 : i32
          %dma_wait3A_207 = tpu.memref_slice %arg19[%dma_wait3A_205, %dma_wait3A_206] : memref<1x112xi32, #tpu.memory_space<vmem>> -> memref<1x112xi32, #tpu.memory_space<vmem>>
          %dma_wait3A_208 = tpu.memref_squeeze %dma_wait3A_207 : memref<1x112xi32, #tpu.memory_space<vmem>> -> memref<112xi32, #tpu.memory_space<vmem>>
          %dma_wait3A_209 = arith.constant 0 : i32
          %dma_wait3A_210 = arith.constant 0 : i32
          %dma_wait3A_211 = tpu.memref_slice %arg11[%dma_wait3A_209, %dma_wait3A_210] : memref<10112x16xf32, #tpu.memory_space<vmem_shared>> -> memref<10112x16xf32, #tpu.memory_space<vmem_shared>>
          tpu.wait_indirect_dma semaphore(%arg27 : memref<!tpu.dma_semaphore, #tpu.memory_space<semaphore_mem>>) src(%arg23 : memref<112x16xf32, #tpu.memory_space<vmem>>) dst(%dma_wait3A_211 : memref<10112x16xf32, #tpu.memory_space<vmem_shared>>)
        } else {
        }
        %add3A_183 = arith.constant 1 : i32
        %add3A_184 = arith.addi %mul3A_85, %add3A_183 : i32
        "tpu.region"() ({
          %run_scoped3A_198 = tpu.sem_alloc : memref<!tpu.dma_semaphore, #tpu.memory_space<semaphore_mem>>
          %dma_start3A_199 = arith.constant 0 : i32
          %dma_start3A_200 = tpu.memref_slice %arg4[%add3A, %add3A_184, %dma_start3A_199] : memref<32x90x112xi32, #tpu.memory_space<hbm>> -> memref<1x1x112xi32, #tpu.memory_space<hbm>>
          %dma_start3A_201 = tpu.memref_squeeze %dma_start3A_200 : memref<1x1x112xi32, #tpu.memory_space<hbm>> -> memref<112xi32, #tpu.memory_space<hbm>>
          %dma_start3A_202 = arith.constant 0 : i32
          %dma_start3A_203 = tpu.memref_slice %arg4[%add3A, %add3A_184, %dma_start3A_202] : memref<32x90x112xi32, #tpu.memory_space<hbm>> -> memref<1x1x112xi32, #tpu.memory_space<hbm>>
          %dma_start3A_204 = tpu.memref_squeeze %dma_start3A_203 : memref<1x1x112xi32, #tpu.memory_space<hbm>> -> memref<112xi32, #tpu.memory_space<hbm>>
          tpu.enqueue_dma source(%dma_start3A_204 : memref<112xi32, #tpu.memory_space<hbm>>) target(%arg18 : memref<112xi32, #tpu.memory_space<vmem>>) target_semaphore(%run_scoped3A_198 : memref<!tpu.dma_semaphore, #tpu.memory_space<semaphore_mem>>)
          %dma_wait3A_205 = arith.constant 0 : i32
          %dma_wait3A_206 = tpu.memref_slice %arg4[%add3A, %add3A_184, %dma_wait3A_205] : memref<32x90x112xi32, #tpu.memory_space<hbm>> -> memref<1x1x112xi32, #tpu.memory_space<hbm>>
          %dma_wait3A_207 = tpu.memref_squeeze %dma_wait3A_206 : memref<1x1x112xi32, #tpu.memory_space<hbm>> -> memref<112xi32, #tpu.memory_space<hbm>>
          %dma_wait3A_208 = arith.constant 0 : i32
          %dma_wait3A_209 = tpu.memref_slice %arg4[%add3A, %add3A_184, %dma_wait3A_208] : memref<32x90x112xi32, #tpu.memory_space<hbm>> -> memref<1x1x112xi32, #tpu.memory_space<hbm>>
          %dma_wait3A_210 = tpu.memref_squeeze %dma_wait3A_209 : memref<1x1x112xi32, #tpu.memory_space<hbm>> -> memref<112xi32, #tpu.memory_space<hbm>>
          tpu.wait_dma2 semaphore(%run_scoped3A_198 : memref<!tpu.dma_semaphore, #tpu.memory_space<semaphore_mem>>) src(%dma_wait3A_210 : memref<112xi32, #tpu.memory_space<hbm>>) dst(%arg18 : memref<112xi32, #tpu.memory_space<vmem>>)
          tpu.yield
        }) : () -> ()
        "tpu.region"() ({
          %run_scoped3A_198 = tpu.sem_alloc : memref<!tpu.dma_semaphore, #tpu.memory_space<semaphore_mem>>
          %dma_start3A_199 = arith.constant 0 : i32
          %dma_start3A_200 = tpu.memref_slice %arg5[%add3A, %add3A_184, %dma_start3A_199] : memref<32x90x112xi32, #tpu.memory_space<hbm>> -> memref<1x1x112xi32, #tpu.memory_space<hbm>>
          %dma_start3A_201 = tpu.memref_squeeze %dma_start3A_200 : memref<1x1x112xi32, #tpu.memory_space<hbm>> -> memref<1x112xi32, #tpu.memory_space<hbm>>
          %dma_start3A_202 = arith.constant 0 : i32
          %dma_start3A_203 = tpu.memref_slice %arg5[%add3A, %add3A_184, %dma_start3A_202] : memref<32x90x112xi32, #tpu.memory_space<hbm>> -> memref<1x1x112xi32, #tpu.memory_space<hbm>>
          %dma_start3A_204 = tpu.memref_squeeze %dma_start3A_203 : memref<1x1x112xi32, #tpu.memory_space<hbm>> -> memref<1x112xi32, #tpu.memory_space<hbm>>
          tpu.enqueue_dma source(%dma_start3A_204 : memref<1x112xi32, #tpu.memory_space<hbm>>) target(%arg19 : memref<1x112xi32, #tpu.memory_space<vmem>>) target_semaphore(%run_scoped3A_198 : memref<!tpu.dma_semaphore, #tpu.memory_space<semaphore_mem>>)
          %dma_wait3A_205 = arith.constant 0 : i32
          %dma_wait3A_206 = tpu.memref_slice %arg5[%add3A, %add3A_184, %dma_wait3A_205] : memref<32x90x112xi32, #tpu.memory_space<hbm>> -> memref<1x1x112xi32, #tpu.memory_space<hbm>>
          %dma_wait3A_207 = tpu.memref_squeeze %dma_wait3A_206 : memref<1x1x112xi32, #tpu.memory_space<hbm>> -> memref<1x112xi32, #tpu.memory_space<hbm>>
          %dma_wait3A_208 = arith.constant 0 : i32
          %dma_wait3A_209 = tpu.memref_slice %arg5[%add3A, %add3A_184, %dma_wait3A_208] : memref<32x90x112xi32, #tpu.memory_space<hbm>> -> memref<1x1x112xi32, #tpu.memory_space<hbm>>
          %dma_wait3A_210 = tpu.memref_squeeze %dma_wait3A_209 : memref<1x1x112xi32, #tpu.memory_space<hbm>> -> memref<1x112xi32, #tpu.memory_space<hbm>>
          tpu.wait_dma2 semaphore(%run_scoped3A_198 : memref<!tpu.dma_semaphore, #tpu.memory_space<semaphore_mem>>) src(%dma_wait3A_210 : memref<1x112xi32, #tpu.memory_space<hbm>>) dst(%arg19 : memref<1x112xi32, #tpu.memory_space<vmem>>)
          tpu.yield
        }) : () -> ()
        %dma_start3A_185 = arith.constant 0 : i32
        %dma_start3A_186 = arith.constant 0 : i32
        %dma_start3A_187 = tpu.memref_slice %arg2[%dma_start3A_185, %dma_start3A_186] : memref<10112x128xf32, #tpu.memory_space<hbm>> -> memref<10112x128xf32, #tpu.memory_space<hbm>>
        tpu.enqueue_indirect_dma source(%dma_start3A_187 : memref<10112x128xf32, #tpu.memory_space<hbm>>) target(%arg20 : memref<112x128xf32, #tpu.memory_space<vmem>>) offsets(%arg18 : memref<112xi32, #tpu.memory_space<vmem>>) semaphore(%arg25 : memref<!tpu.dma_semaphore, #tpu.memory_space<semaphore_mem>>)
        %dma_start3A_188 = arith.constant 0 : i32
        %dma_start3A_189 = arith.constant 0 : i32
        %dma_start3A_190 = tpu.memref_slice %arg3[%dma_start3A_188, %dma_start3A_189] : memref<10112x16xf32, #tpu.memory_space<hbm>> -> memref<10112x16xf32, #tpu.memory_space<hbm>>
        tpu.enqueue_indirect_dma source(%dma_start3A_190 : memref<10112x16xf32, #tpu.memory_space<hbm>>) target(%arg21 : memref<112x16xf32, #tpu.memory_space<vmem>>) offsets(%arg18 : memref<112xi32, #tpu.memory_space<vmem>>) semaphore(%arg25 : memref<!tpu.dma_semaphore, #tpu.memory_space<semaphore_mem>>)
        %dma_start3A_191 = arith.constant 0 : i32
        %dma_start3A_192 = arith.constant 0 : i32
        %dma_start3A_193 = tpu.memref_slice %arg19[%dma_start3A_191, %dma_start3A_192] : memref<1x112xi32, #tpu.memory_space<vmem>> -> memref<1x112xi32, #tpu.memory_space<vmem>>
        %dma_start3A_194 = tpu.memref_squeeze %dma_start3A_193 : memref<1x112xi32, #tpu.memory_space<vmem>> -> memref<112xi32, #tpu.memory_space<vmem>>
        %dma_start3A_195 = arith.constant 0 : i32
        %dma_start3A_196 = arith.constant 0 : i32
        %dma_start3A_197 = tpu.memref_slice %arg3[%dma_start3A_195, %dma_start3A_196] : memref<10112x16xf32, #tpu.memory_space<hbm>> -> memref<10112x16xf32, #tpu.memory_space<hbm>>
        tpu.enqueue_indirect_dma source(%dma_start3A_197 : memref<10112x16xf32, #tpu.memory_space<hbm>>) target(%arg22 : memref<112x16xf32, #tpu.memory_space<vmem>>) offsets(%dma_start3A_194 : memref<112xi32, #tpu.memory_space<vmem>>) semaphore(%arg25 : memref<!tpu.dma_semaphore, #tpu.memory_space<semaphore_mem>>)
      } else {
      }
      %scan3A_103 = arith.constant 0 : i32
      %scan3A_104 = arith.constant 0 : i32
      %scan3A_105 = arith.constant 7 : i32
      %scan3A_106 = arith.addi %scan3A_104, %scan3A_105 : i32
      %scan3A_107 = arith.constant 1 : i32
      scf.for %scan3A_179 = %scan3A_104 to %scan3A_106 step %scan3A_107  : i32 {
        %mul3A_180 = arith.constant 16 : i32
        %mul3A_181 = arith.muli %scan3A_179, %mul3A_180 : i32
        %broadcast_in_dim3A_182 = vector.broadcast %mul3A_181 : i32 to vector<16xi32>
        %add3A_183 = arith.addi %broadcast_in_dim3A_182, %iota3A : vector<16xi32>
        %gather3A = tpu.vector_load_idx %arg15[%add3A_183, %broadcast_in_dim3A_8] : memref<112x16xf32, #tpu.memory_space<vmem>>[vector<16xi32>, vector<16xi32>], vector<16xf32>,
        %gather3A_184 = tpu.vector_load_idx %arg16[%add3A_183, %broadcast_in_dim3A_16] : memref<112x16xf32, #tpu.memory_space<vmem>>[vector<16xi32>, vector<16xi32>], vector<16xf32>,
        %add3A_185 = arith.addf %gather3A, %gather3A_184 : vector<16xf32>
        %mul3A_186 = arith.constant 2.000000e-01 : f32
        %mul3A_187 = vector.broadcast %mul3A_186 : f32 to vector<16xf32>
        %mul3A_188 = arith.mulf %mul3A_187, %add3A_185 : vector<16xf32>
        %max3A = arith.maximumf %add3A_185, %mul3A_188 : vector<16xf32>
        %exp3A = math.exp %max3A : vector<16xf32>
        tpu.vector_store_idx %arg17[%add3A_183, %broadcast_in_dim3A_8], %exp3A : memref<112x16xf32, #tpu.memory_space<vmem>>[vector<16xi32>, vector<16xi32>], vector<16xf32>,
        %gather3A_189 = tpu.vector_load_idx %arg15[%add3A_183, %broadcast_in_dim3A_10] : memref<112x16xf32, #tpu.memory_space<vmem>>[vector<16xi32>, vector<16xi32>], vector<16xf32>,
        %gather3A_190 = tpu.vector_load_idx %arg16[%add3A_183, %broadcast_in_dim3A_18] : memref<112x16xf32, #tpu.memory_space<vmem>>[vector<16xi32>, vector<16xi32>], vector<16xf32>,
        %add3A_191 = arith.addf %gather3A_189, %gather3A_190 : vector<16xf32>
        %mul3A_192 = arith.constant 2.000000e-01 : f32
        %mul3A_193 = vector.broadcast %mul3A_192 : f32 to vector<16xf32>
        %mul3A_194 = arith.mulf %mul3A_193, %add3A_191 : vector<16xf32>
        %max3A_195 = arith.maximumf %add3A_191, %mul3A_194 : vector<16xf32>
        %exp3A_196 = math.exp %max3A_195 : vector<16xf32>
        tpu.vector_store_idx %arg17[%add3A_183, %broadcast_in_dim3A_10], %exp3A_196 : memref<112x16xf32, #tpu.memory_space<vmem>>[vector<16xi32>, vector<16xi32>], vector<16xf32>,
        %gather3A_197 = tpu.vector_load_idx %arg15[%add3A_183, %broadcast_in_dim3A_12] : memref<112x16xf32, #tpu.memory_space<vmem>>[vector<16xi32>, vector<16xi32>], vector<16xf32>,
        %gather3A_198 = tpu.vector_load_idx %arg16[%add3A_183, %broadcast_in_dim3A_20] : memref<112x16xf32, #tpu.memory_space<vmem>>[vector<16xi32>, vector<16xi32>], vector<16xf32>,
        %add3A_199 = arith.addf %gather3A_197, %gather3A_198 : vector<16xf32>
        %mul3A_200 = arith.constant 2.000000e-01 : f32
        %mul3A_201 = vector.broadcast %mul3A_200 : f32 to vector<16xf32>
        %mul3A_202 = arith.mulf %mul3A_201, %add3A_199 : vector<16xf32>
        %max3A_203 = arith.maximumf %add3A_199, %mul3A_202 : vector<16xf32>
        %exp3A_204 = math.exp %max3A_203 : vector<16xf32>
        tpu.vector_store_idx %arg17[%add3A_183, %broadcast_in_dim3A_12], %exp3A_204 : memref<112x16xf32, #tpu.memory_space<vmem>>[vector<16xi32>, vector<16xi32>], vector<16xf32>,
        %gather3A_205 = tpu.vector_load_idx %arg15[%add3A_183, %broadcast_in_dim3A_14] : memref<112x16xf32, #tpu.memory_space<vmem>>[vector<16xi32>, vector<16xi32>], vector<16xf32>,
        %gather3A_206 = tpu.vector_load_idx %arg16[%add3A_183, %broadcast_in_dim3A_22] : memref<112x16xf32, #tpu.memory_space<vmem>>[vector<16xi32>, vector<16xi32>], vector<16xf32>,
        %add3A_207 = arith.addf %gather3A_205, %gather3A_206 : vector<16xf32>
        %mul3A_208 = arith.constant 2.000000e-01 : f32
        %mul3A_209 = vector.broadcast %mul3A_208 : f32 to vector<16xf32>
        %mul3A_210 = arith.mulf %mul3A_209, %add3A_207 : vector<16xf32>
        %max3A_211 = arith.maximumf %add3A_207, %mul3A_210 : vector<16xf32>
        %exp3A_212 = math.exp %max3A_211 : vector<16xf32>
        tpu.vector_store_idx %arg17[%add3A_183, %broadcast_in_dim3A_14], %exp3A_212 : memref<112x16xf32, #tpu.memory_space<vmem>>[vector<16xi32>, vector<16xi32>], vector<16xf32>,
      }
      %scan3A_108 = arith.constant 7 : i32
      %scan3A_109 = arith.constant 0 : i32
      %scan3A_110 = arith.constant 0 : i32
      %scan3A_111 = arith.constant 112 : i32
      %scan3A_112 = arith.addi %scan3A_110, %scan3A_111 : i32
      %scan3A_113 = arith.constant 1 : i32
      scf.for %scan3A_179 = %scan3A_110 to %scan3A_112 step %scan3A_113  : i32 {
        %broadcast_in_dim3A_180 = vector.broadcast %scan3A_179 : i32 to vector<16xi32>
        %gather3A = tpu.vector_load_idx %arg17[%broadcast_in_dim3A_180, %broadcast_in_dim3A_8] : memref<112x16xf32, #tpu.memory_space<vmem>>[vector<16xi32>, vector<16xi32>], vector<16xf32>,
        %gather3A_181 = tpu.vector_load_idx %arg17[%broadcast_in_dim3A_180, %broadcast_in_dim3A_10] : memref<112x16xf32, #tpu.memory_space<vmem>>[vector<16xi32>, vector<16xi32>], vector<16xf32>,
        %gather3A_182 = tpu.vector_load_idx %arg17[%broadcast_in_dim3A_180, %broadcast_in_dim3A_12] : memref<112x16xf32, #tpu.memory_space<vmem>>[vector<16xi32>, vector<16xi32>], vector<16xf32>,
        %gather3A_183 = tpu.vector_load_idx %arg17[%broadcast_in_dim3A_180, %broadcast_in_dim3A_14] : memref<112x16xf32, #tpu.memory_space<vmem>>[vector<16xi32>, vector<16xi32>], vector<16xf32>,
        %get3A = arith.index_cast %scan3A_179 : i32 to index
        %get3A_184 = arith.constant 0 : index
        %get3A_185 = tpu.vector_load %arg14[%get3A, %get3A_184] {strides = array<i32>} : memref<112x128xf32, #tpu.memory_space<vmem>>, vector<16xf32>,
        %mul3A_186 = arith.mulf %get3A_185, %gather3A : vector<16xf32>
        %swap3A = arith.index_cast %scan3A_179 : i32 to index
        %swap3A_187 = arith.constant 0 : index
        %swap3A_188 = tpu.vector_load %arg14[%swap3A, %swap3A_187] {strides = array<i32>} : memref<112x128xf32, #tpu.memory_space<vmem>>, vector<16xf32>,
        tpu.vector_store %arg14[%swap3A, %swap3A_187], %mul3A_186 {strides = array<i32>} : memref<112x128xf32, #tpu.memory_space<vmem>>, vector<16xf32>,
        %get3A_189 = arith.index_cast %scan3A_179 : i32 to index
        %get3A_190 = arith.constant 16 : index
        %get3A_191 = tpu.vector_load %arg14[%get3A_189, %get3A_190] {strides = array<i32>} : memref<112x128xf32, #tpu.memory_space<vmem>>, vector<16xf32>,
        %mul3A_192 = arith.mulf %get3A_191, %gather3A : vector<16xf32>
        %swap3A_193 = arith.index_cast %scan3A_179 : i32 to index
        %swap3A_194 = arith.constant 16 : index
        %swap3A_195 = tpu.vector_load %arg14[%swap3A_193, %swap3A_194] {strides = array<i32>} : memref<112x128xf32, #tpu.memory_space<vmem>>, vector<16xf32>,
        tpu.vector_store %arg14[%swap3A_193, %swap3A_194], %mul3A_192 {strides = array<i32>} : memref<112x128xf32, #tpu.memory_space<vmem>>, vector<16xf32>,
        %get3A_196 = arith.index_cast %scan3A_179 : i32 to index
        %get3A_197 = arith.constant 32 : index
        %get3A_198 = tpu.vector_load %arg14[%get3A_196, %get3A_197] {strides = array<i32>} : memref<112x128xf32, #tpu.memory_space<vmem>>, vector<16xf32>,
        %mul3A_199 = arith.mulf %get3A_198, %gather3A_181 : vector<16xf32>
        %swap3A_200 = arith.index_cast %scan3A_179 : i32 to index
        %swap3A_201 = arith.constant 32 : index
        %swap3A_202 = tpu.vector_load %arg14[%swap3A_200, %swap3A_201] {strides = array<i32>} : memref<112x128xf32, #tpu.memory_space<vmem>>, vector<16xf32>,
        tpu.vector_store %arg14[%swap3A_200, %swap3A_201], %mul3A_199 {strides = array<i32>} : memref<112x128xf32, #tpu.memory_space<vmem>>, vector<16xf32>,
        %get3A_203 = arith.index_cast %scan3A_179 : i32 to index
        %get3A_204 = arith.constant 48 : index
        %get3A_205 = tpu.vector_load %arg14[%get3A_203, %get3A_204] {strides = array<i32>} : memref<112x128xf32, #tpu.memory_space<vmem>>, vector<16xf32>,
        %mul3A_206 = arith.mulf %get3A_205, %gather3A_181 : vector<16xf32>
        %swap3A_207 = arith.index_cast %scan3A_179 : i32 to index
        %swap3A_208 = arith.constant 48 : index
        %swap3A_209 = tpu.vector_load %arg14[%swap3A_207, %swap3A_208] {strides = array<i32>} : memref<112x128xf32, #tpu.memory_space<vmem>>, vector<16xf32>,
        tpu.vector_store %arg14[%swap3A_207, %swap3A_208], %mul3A_206 {strides = array<i32>} : memref<112x128xf32, #tpu.memory_space<vmem>>, vector<16xf32>,
        %get3A_210 = arith.index_cast %scan3A_179 : i32 to index
        %get3A_211 = arith.constant 64 : index
        %get3A_212 = tpu.vector_load %arg14[%get3A_210, %get3A_211] {strides = array<i32>} : memref<112x128xf32, #tpu.memory_space<vmem>>, vector<16xf32>,
        %mul3A_213 = arith.mulf %get3A_212, %gather3A_182 : vector<16xf32>
        %swap3A_214 = arith.index_cast %scan3A_179 : i32 to index
        %swap3A_215 = arith.constant 64 : index
        %swap3A_216 = tpu.vector_load %arg14[%swap3A_214, %swap3A_215] {strides = array<i32>} : memref<112x128xf32, #tpu.memory_space<vmem>>, vector<16xf32>,
        tpu.vector_store %arg14[%swap3A_214, %swap3A_215], %mul3A_213 {strides = array<i32>} : memref<112x128xf32, #tpu.memory_space<vmem>>, vector<16xf32>,
        %get3A_217 = arith.index_cast %scan3A_179 : i32 to index
        %get3A_218 = arith.constant 80 : index
        %get3A_219 = tpu.vector_load %arg14[%get3A_217, %get3A_218] {strides = array<i32>} : memref<112x128xf32, #tpu.memory_space<vmem>>, vector<16xf32>,
        %mul3A_220 = arith.mulf %get3A_219, %gather3A_182 : vector<16xf32>
        %swap3A_221 = arith.index_cast %scan3A_179 : i32 to index
        %swap3A_222 = arith.constant 80 : index
        %swap3A_223 = tpu.vector_load %arg14[%swap3A_221, %swap3A_222] {strides = array<i32>} : memref<112x128xf32, #tpu.memory_space<vmem>>, vector<16xf32>,
        tpu.vector_store %arg14[%swap3A_221, %swap3A_222], %mul3A_220 {strides = array<i32>} : memref<112x128xf32, #tpu.memory_space<vmem>>, vector<16xf32>,
        %get3A_224 = arith.index_cast %scan3A_179 : i32 to index
        %get3A_225 = arith.constant 96 : index
        %get3A_226 = tpu.vector_load %arg14[%get3A_224, %get3A_225] {strides = array<i32>} : memref<112x128xf32, #tpu.memory_space<vmem>>, vector<16xf32>,
        %mul3A_227 = arith.mulf %get3A_226, %gather3A_183 : vector<16xf32>
        %swap3A_228 = arith.index_cast %scan3A_179 : i32 to index
        %swap3A_229 = arith.constant 96 : index
        %swap3A_230 = tpu.vector_load %arg14[%swap3A_228, %swap3A_229] {strides = array<i32>} : memref<112x128xf32, #tpu.memory_space<vmem>>, vector<16xf32>,
        tpu.vector_store %arg14[%swap3A_228, %swap3A_229], %mul3A_227 {strides = array<i32>} : memref<112x128xf32, #tpu.memory_space<vmem>>, vector<16xf32>,
        %get3A_231 = arith.index_cast %scan3A_179 : i32 to index
        %get3A_232 = arith.constant 112 : index
        %get3A_233 = tpu.vector_load %arg14[%get3A_231, %get3A_232] {strides = array<i32>} : memref<112x128xf32, #tpu.memory_space<vmem>>, vector<16xf32>,
        %mul3A_234 = arith.mulf %get3A_233, %gather3A_183 : vector<16xf32>
        %swap3A_235 = arith.index_cast %scan3A_179 : i32 to index
        %swap3A_236 = arith.constant 112 : index
        %swap3A_237 = tpu.vector_load %arg14[%swap3A_235, %swap3A_236] {strides = array<i32>} : memref<112x128xf32, #tpu.memory_space<vmem>>, vector<16xf32>,
        tpu.vector_store %arg14[%swap3A_235, %swap3A_236], %mul3A_234 {strides = array<i32>} : memref<112x128xf32, #tpu.memory_space<vmem>>, vector<16xf32>,
      }
      %scan3A_114 = arith.constant 112 : i32
      %dma_start3A_115 = arith.constant 0 : i32
      %dma_start3A_116 = arith.constant 0 : i32
      %dma_start3A_117 = tpu.memref_slice %arg13[%dma_start3A_115, %dma_start3A_116] : memref<1x112xi32, #tpu.memory_space<vmem>> -> memref<1x112xi32, #tpu.memory_space<vmem>>
      %dma_start3A_118 = tpu.memref_squeeze %dma_start3A_117 : memref<1x112xi32, #tpu.memory_space<vmem>> -> memref<112xi32, #tpu.memory_space<vmem>>
      %dma_start3A_119 = arith.constant 0 : i32
      %dma_start3A_120 = arith.constant 0 : i32
      %dma_start3A_121 = tpu.memref_slice %arg10[%dma_start3A_119, %dma_start3A_120] : memref<10112x128xf32, #tpu.memory_space<vmem_shared>> -> memref<10112x128xf32, #tpu.memory_space<vmem_shared>>
      tpu.enqueue_indirect_dma source(%arg14 : memref<112x128xf32, #tpu.memory_space<vmem>>) target(%dma_start3A_121 : memref<10112x128xf32, #tpu.memory_space<vmem_shared>>) offsets(%dma_start3A_118 : memref<112xi32, #tpu.memory_space<vmem>>) semaphore(%arg26 : memref<!tpu.dma_semaphore, #tpu.memory_space<semaphore_mem>>) {add = true}
      %dma_start3A_122 = arith.constant 0 : i32
      %dma_start3A_123 = arith.constant 0 : i32
      %dma_start3A_124 = tpu.memref_slice %arg13[%dma_start3A_122, %dma_start3A_123] : memref<1x112xi32, #tpu.memory_space<vmem>> -> memref<1x112xi32, #tpu.memory_space<vmem>>
      %dma_start3A_125 = tpu.memref_squeeze %dma_start3A_124 : memref<1x112xi32, #tpu.memory_space<vmem>> -> memref<112xi32, #tpu.memory_space<vmem>>
      %dma_start3A_126 = arith.constant 0 : i32
      %dma_start3A_127 = arith.constant 0 : i32
      %dma_start3A_128 = tpu.memref_slice %arg11[%dma_start3A_126, %dma_start3A_127] : memref<10112x16xf32, #tpu.memory_space<vmem_shared>> -> memref<10112x16xf32, #tpu.memory_space<vmem_shared>>
      tpu.enqueue_indirect_dma source(%arg17 : memref<112x16xf32, #tpu.memory_space<vmem>>) target(%dma_start3A_128 : memref<10112x16xf32, #tpu.memory_space<vmem_shared>>) offsets(%dma_start3A_125 : memref<112xi32, #tpu.memory_space<vmem>>) semaphore(%arg26 : memref<!tpu.dma_semaphore, #tpu.memory_space<semaphore_mem>>) {add = true}
      %mul3A_129 = arith.constant 2 : i32
      %mul3A_130 = arith.muli %mul3A_129, %scan3A_83 : i32
      %add3A_131 = arith.constant 1 : i32
      %add3A_132 = arith.addi %mul3A_130, %add3A_131 : i32
      %dma_wait3A_133 = arith.constant 0 : i32
      %dma_wait3A_134 = arith.constant 0 : i32
      %dma_wait3A_135 = tpu.memref_slice %arg2[%dma_wait3A_133, %dma_wait3A_134] : memref<10112x128xf32, #tpu.memory_space<hbm>> -> memref<10112x128xf32, #tpu.memory_space<hbm>>
      tpu.wait_indirect_dma semaphore(%arg25 : memref<!tpu.dma_semaphore, #tpu.memory_space<semaphore_mem>>) src(%dma_wait3A_135 : memref<10112x128xf32, #tpu.memory_space<hbm>>) dst(%arg20 : memref<112x128xf32, #tpu.memory_space<vmem>>)
      %dma_wait3A_136 = arith.constant 0 : i32
      %dma_wait3A_137 = arith.constant 0 : i32
      %dma_wait3A_138 = tpu.memref_slice %arg3[%dma_wait3A_136, %dma_wait3A_137] : memref<10112x16xf32, #tpu.memory_space<hbm>> -> memref<10112x16xf32, #tpu.memory_space<hbm>>
      tpu.wait_indirect_dma semaphore(%arg25 : memref<!tpu.dma_semaphore, #tpu.memory_space<semaphore_mem>>) src(%dma_wait3A_138 : memref<10112x16xf32, #tpu.memory_space<hbm>>) dst(%arg21 : memref<112x16xf32, #tpu.memory_space<vmem>>)
      %dma_wait3A_139 = arith.constant 0 : i32
      %dma_wait3A_140 = arith.constant 0 : i32
      %dma_wait3A_141 = tpu.memref_slice %arg19[%dma_wait3A_139, %dma_wait3A_140] : memref<1x112xi32, #tpu.memory_space<vmem>> -> memref<1x112xi32, #tpu.memory_space<vmem>>
      %dma_wait3A_142 = tpu.memref_squeeze %dma_wait3A_141 : memref<1x112xi32, #tpu.memory_space<vmem>> -> memref<112xi32, #tpu.memory_space<vmem>>
      %dma_wait3A_143 = arith.constant 0 : i32
      %dma_wait3A_144 = arith.constant 0 : i32
      %dma_wait3A_145 = tpu.memref_slice %arg3[%dma_wait3A_143, %dma_wait3A_144] : memref<10112x16xf32, #tpu.memory_space<hbm>> -> memref<10112x16xf32, #tpu.memory_space<hbm>>
      tpu.wait_indirect_dma semaphore(%arg25 : memref<!tpu.dma_semaphore, #tpu.memory_space<semaphore_mem>>) src(%dma_wait3A_145 : memref<10112x16xf32, #tpu.memory_space<hbm>>) dst(%arg22 : memref<112x16xf32, #tpu.memory_space<vmem>>)
      %add3A_146 = arith.constant 1 : i32
      %add3A_147 = arith.addi %add3A_132, %add3A_146 : i32
      %lt3A_148 = arith.constant 90 : i32
      %lt3A_149 = arith.cmpi slt, %add3A_147, %lt3A_148 : i32
      %convert_element_type3A_150 = arith.extui %lt3A_149 : i1 to i32
      %cond3A_151 = arith.constant 0 : i32
      %cond3A_152 = arith.cmpi ne, %convert_element_type3A_150, %cond3A_151 : i32
      scf.if %cond3A_152 {
        %ge3A = arith.constant 1 : i32
        %ge3A_179 = arith.cmpi sge, %add3A_132, %ge3A : i32
        %convert_element_type3A_180 = arith.extui %ge3A_179 : i1 to i32
        %cond3A_181 = arith.constant 0 : i32
        %cond3A_182 = arith.cmpi ne, %convert_element_type3A_180, %cond3A_181 : i32
        scf.if %cond3A_182 {
          %dma_wait3A_198 = arith.constant 0 : i32
          %dma_wait3A_199 = arith.constant 0 : i32
          %dma_wait3A_200 = tpu.memref_slice %arg13[%dma_wait3A_198, %dma_wait3A_199] : memref<1x112xi32, #tpu.memory_space<vmem>> -> memref<1x112xi32, #tpu.memory_space<vmem>>
          %dma_wait3A_201 = tpu.memref_squeeze %dma_wait3A_200 : memref<1x112xi32, #tpu.memory_space<vmem>> -> memref<112xi32, #tpu.memory_space<vmem>>
          %dma_wait3A_202 = arith.constant 0 : i32
          %dma_wait3A_203 = arith.constant 0 : i32
          %dma_wait3A_204 = tpu.memref_slice %arg10[%dma_wait3A_202, %dma_wait3A_203] : memref<10112x128xf32, #tpu.memory_space<vmem_shared>> -> memref<10112x128xf32, #tpu.memory_space<vmem_shared>>
          tpu.wait_indirect_dma semaphore(%arg26 : memref<!tpu.dma_semaphore, #tpu.memory_space<semaphore_mem>>) src(%arg14 : memref<112x128xf32, #tpu.memory_space<vmem>>) dst(%dma_wait3A_204 : memref<10112x128xf32, #tpu.memory_space<vmem_shared>>)
          %dma_wait3A_205 = arith.constant 0 : i32
          %dma_wait3A_206 = arith.constant 0 : i32
          %dma_wait3A_207 = tpu.memref_slice %arg13[%dma_wait3A_205, %dma_wait3A_206] : memref<1x112xi32, #tpu.memory_space<vmem>> -> memref<1x112xi32, #tpu.memory_space<vmem>>
          %dma_wait3A_208 = tpu.memref_squeeze %dma_wait3A_207 : memref<1x112xi32, #tpu.memory_space<vmem>> -> memref<112xi32, #tpu.memory_space<vmem>>
          %dma_wait3A_209 = arith.constant 0 : i32
          %dma_wait3A_210 = arith.constant 0 : i32
          %dma_wait3A_211 = tpu.memref_slice %arg11[%dma_wait3A_209, %dma_wait3A_210] : memref<10112x16xf32, #tpu.memory_space<vmem_shared>> -> memref<10112x16xf32, #tpu.memory_space<vmem_shared>>
          tpu.wait_indirect_dma semaphore(%arg26 : memref<!tpu.dma_semaphore, #tpu.memory_space<semaphore_mem>>) src(%arg17 : memref<112x16xf32, #tpu.memory_space<vmem>>) dst(%dma_wait3A_211 : memref<10112x16xf32, #tpu.memory_space<vmem_shared>>)
        } else {
        }
        %add3A_183 = arith.constant 1 : i32
        %add3A_184 = arith.addi %add3A_132, %add3A_183 : i32
        "tpu.region"() ({
          %run_scoped3A_198 = tpu.sem_alloc : memref<!tpu.dma_semaphore, #tpu.memory_space<semaphore_mem>>
          %dma_start3A_199 = arith.constant 0 : i32
          %dma_start3A_200 = tpu.memref_slice %arg4[%add3A, %add3A_184, %dma_start3A_199] : memref<32x90x112xi32, #tpu.memory_space<hbm>> -> memref<1x1x112xi32, #tpu.memory_space<hbm>>
          %dma_start3A_201 = tpu.memref_squeeze %dma_start3A_200 : memref<1x1x112xi32, #tpu.memory_space<hbm>> -> memref<112xi32, #tpu.memory_space<hbm>>
          %dma_start3A_202 = arith.constant 0 : i32
          %dma_start3A_203 = tpu.memref_slice %arg4[%add3A, %add3A_184, %dma_start3A_202] : memref<32x90x112xi32, #tpu.memory_space<hbm>> -> memref<1x1x112xi32, #tpu.memory_space<hbm>>
          %dma_start3A_204 = tpu.memref_squeeze %dma_start3A_203 : memref<1x1x112xi32, #tpu.memory_space<hbm>> -> memref<112xi32, #tpu.memory_space<hbm>>
          tpu.enqueue_dma source(%dma_start3A_204 : memref<112xi32, #tpu.memory_space<hbm>>) target(%arg12 : memref<112xi32, #tpu.memory_space<vmem>>) target_semaphore(%run_scoped3A_198 : memref<!tpu.dma_semaphore, #tpu.memory_space<semaphore_mem>>)
          %dma_wait3A_205 = arith.constant 0 : i32
          %dma_wait3A_206 = tpu.memref_slice %arg4[%add3A, %add3A_184, %dma_wait3A_205] : memref<32x90x112xi32, #tpu.memory_space<hbm>> -> memref<1x1x112xi32, #tpu.memory_space<hbm>>
          %dma_wait3A_207 = tpu.memref_squeeze %dma_wait3A_206 : memref<1x1x112xi32, #tpu.memory_space<hbm>> -> memref<112xi32, #tpu.memory_space<hbm>>
          %dma_wait3A_208 = arith.constant 0 : i32
          %dma_wait3A_209 = tpu.memref_slice %arg4[%add3A, %add3A_184, %dma_wait3A_208] : memref<32x90x112xi32, #tpu.memory_space<hbm>> -> memref<1x1x112xi32, #tpu.memory_space<hbm>>
          %dma_wait3A_210 = tpu.memref_squeeze %dma_wait3A_209 : memref<1x1x112xi32, #tpu.memory_space<hbm>> -> memref<112xi32, #tpu.memory_space<hbm>>
          tpu.wait_dma2 semaphore(%run_scoped3A_198 : memref<!tpu.dma_semaphore, #tpu.memory_space<semaphore_mem>>) src(%dma_wait3A_210 : memref<112xi32, #tpu.memory_space<hbm>>) dst(%arg12 : memref<112xi32, #tpu.memory_space<vmem>>)
          tpu.yield
        }) : () -> ()
        "tpu.region"() ({
          %run_scoped3A_198 = tpu.sem_alloc : memref<!tpu.dma_semaphore, #tpu.memory_space<semaphore_mem>>
          %dma_start3A_199 = arith.constant 0 : i32
          %dma_start3A_200 = tpu.memref_slice %arg5[%add3A, %add3A_184, %dma_start3A_199] : memref<32x90x112xi32, #tpu.memory_space<hbm>> -> memref<1x1x112xi32, #tpu.memory_space<hbm>>
          %dma_start3A_201 = tpu.memref_squeeze %dma_start3A_200 : memref<1x1x112xi32, #tpu.memory_space<hbm>> -> memref<1x112xi32, #tpu.memory_space<hbm>>
          %dma_start3A_202 = arith.constant 0 : i32
          %dma_start3A_203 = tpu.memref_slice %arg5[%add3A, %add3A_184, %dma_start3A_202] : memref<32x90x112xi32, #tpu.memory_space<hbm>> -> memref<1x1x112xi32, #tpu.memory_space<hbm>>
          %dma_start3A_204 = tpu.memref_squeeze %dma_start3A_203 : memref<1x1x112xi32, #tpu.memory_space<hbm>> -> memref<1x112xi32, #tpu.memory_space<hbm>>
          tpu.enqueue_dma source(%dma_start3A_204 : memref<1x112xi32, #tpu.memory_space<hbm>>) target(%arg13 : memref<1x112xi32, #tpu.memory_space<vmem>>) target_semaphore(%run_scoped3A_198 : memref<!tpu.dma_semaphore, #tpu.memory_space<semaphore_mem>>)
          %dma_wait3A_205 = arith.constant 0 : i32
          %dma_wait3A_206 = tpu.memref_slice %arg5[%add3A, %add3A_184, %dma_wait3A_205] : memref<32x90x112xi32, #tpu.memory_space<hbm>> -> memref<1x1x112xi32, #tpu.memory_space<hbm>>
          %dma_wait3A_207 = tpu.memref_squeeze %dma_wait3A_206 : memref<1x1x112xi32, #tpu.memory_space<hbm>> -> memref<1x112xi32, #tpu.memory_space<hbm>>
          %dma_wait3A_208 = arith.constant 0 : i32
          %dma_wait3A_209 = tpu.memref_slice %arg5[%add3A, %add3A_184, %dma_wait3A_208] : memref<32x90x112xi32, #tpu.memory_space<hbm>> -> memref<1x1x112xi32, #tpu.memory_space<hbm>>
          %dma_wait3A_210 = tpu.memref_squeeze %dma_wait3A_209 : memref<1x1x112xi32, #tpu.memory_space<hbm>> -> memref<1x112xi32, #tpu.memory_space<hbm>>
          tpu.wait_dma2 semaphore(%run_scoped3A_198 : memref<!tpu.dma_semaphore, #tpu.memory_space<semaphore_mem>>) src(%dma_wait3A_210 : memref<1x112xi32, #tpu.memory_space<hbm>>) dst(%arg13 : memref<1x112xi32, #tpu.memory_space<vmem>>)
          tpu.yield
        }) : () -> ()
        %dma_start3A_185 = arith.constant 0 : i32
        %dma_start3A_186 = arith.constant 0 : i32
        %dma_start3A_187 = tpu.memref_slice %arg2[%dma_start3A_185, %dma_start3A_186] : memref<10112x128xf32, #tpu.memory_space<hbm>> -> memref<10112x128xf32, #tpu.memory_space<hbm>>
        tpu.enqueue_indirect_dma source(%dma_start3A_187 : memref<10112x128xf32, #tpu.memory_space<hbm>>) target(%arg14 : memref<112x128xf32, #tpu.memory_space<vmem>>) offsets(%arg12 : memref<112xi32, #tpu.memory_space<vmem>>) semaphore(%arg24 : memref<!tpu.dma_semaphore, #tpu.memory_space<semaphore_mem>>)
        %dma_start3A_188 = arith.constant 0 : i32
        %dma_start3A_189 = arith.constant 0 : i32
        %dma_start3A_190 = tpu.memref_slice %arg3[%dma_start3A_188, %dma_start3A_189] : memref<10112x16xf32, #tpu.memory_space<hbm>> -> memref<10112x16xf32, #tpu.memory_space<hbm>>
        tpu.enqueue_indirect_dma source(%dma_start3A_190 : memref<10112x16xf32, #tpu.memory_space<hbm>>) target(%arg15 : memref<112x16xf32, #tpu.memory_space<vmem>>) offsets(%arg12 : memref<112xi32, #tpu.memory_space<vmem>>) semaphore(%arg24 : memref<!tpu.dma_semaphore, #tpu.memory_space<semaphore_mem>>)
        %dma_start3A_191 = arith.constant 0 : i32
        %dma_start3A_192 = arith.constant 0 : i32
        %dma_start3A_193 = tpu.memref_slice %arg13[%dma_start3A_191, %dma_start3A_192] : memref<1x112xi32, #tpu.memory_space<vmem>> -> memref<1x112xi32, #tpu.memory_space<vmem>>
        %dma_start3A_194 = tpu.memref_squeeze %dma_start3A_193 : memref<1x112xi32, #tpu.memory_space<vmem>> -> memref<112xi32, #tpu.memory_space<vmem>>
        %dma_start3A_195 = arith.constant 0 : i32
        %dma_start3A_196 = arith.constant 0 : i32
        %dma_start3A_197 = tpu.memref_slice %arg3[%dma_start3A_195, %dma_start3A_196] : memref<10112x16xf32, #tpu.memory_space<hbm>> -> memref<10112x16xf32, #tpu.memory_space<hbm>>
        tpu.enqueue_indirect_dma source(%dma_start3A_197 : memref<10112x16xf32, #tpu.memory_space<hbm>>) target(%arg16 : memref<112x16xf32, #tpu.memory_space<vmem>>) offsets(%dma_start3A_194 : memref<112xi32, #tpu.memory_space<vmem>>) semaphore(%arg24 : memref<!tpu.dma_semaphore, #tpu.memory_space<semaphore_mem>>)
      } else {
      }
      %scan3A_153 = arith.constant 0 : i32
      %scan3A_154 = arith.constant 0 : i32
      %scan3A_155 = arith.constant 7 : i32
      %scan3A_156 = arith.addi %scan3A_154, %scan3A_155 : i32
      %scan3A_157 = arith.constant 1 : i32
      scf.for %scan3A_179 = %scan3A_154 to %scan3A_156 step %scan3A_157  : i32 {
        %mul3A_180 = arith.constant 16 : i32
        %mul3A_181 = arith.muli %scan3A_179, %mul3A_180 : i32
        %broadcast_in_dim3A_182 = vector.broadcast %mul3A_181 : i32 to vector<16xi32>
        %add3A_183 = arith.addi %broadcast_in_dim3A_182, %iota3A : vector<16xi32>
        %gather3A = tpu.vector_load_idx %arg21[%add3A_183, %broadcast_in_dim3A_8] : memref<112x16xf32, #tpu.memory_space<vmem>>[vector<16xi32>, vector<16xi32>], vector<16xf32>,
        %gather3A_184 = tpu.vector_load_idx %arg22[%add3A_183, %broadcast_in_dim3A_16] : memref<112x16xf32, #tpu.memory_space<vmem>>[vector<16xi32>, vector<16xi32>], vector<16xf32>,
        %add3A_185 = arith.addf %gather3A, %gather3A_184 : vector<16xf32>
        %mul3A_186 = arith.constant 2.000000e-01 : f32
        %mul3A_187 = vector.broadcast %mul3A_186 : f32 to vector<16xf32>
        %mul3A_188 = arith.mulf %mul3A_187, %add3A_185 : vector<16xf32>
        %max3A = arith.maximumf %add3A_185, %mul3A_188 : vector<16xf32>
        %exp3A = math.exp %max3A : vector<16xf32>
        tpu.vector_store_idx %arg23[%add3A_183, %broadcast_in_dim3A_8], %exp3A : memref<112x16xf32, #tpu.memory_space<vmem>>[vector<16xi32>, vector<16xi32>], vector<16xf32>,
        %gather3A_189 = tpu.vector_load_idx %arg21[%add3A_183, %broadcast_in_dim3A_10] : memref<112x16xf32, #tpu.memory_space<vmem>>[vector<16xi32>, vector<16xi32>], vector<16xf32>,
        %gather3A_190 = tpu.vector_load_idx %arg22[%add3A_183, %broadcast_in_dim3A_18] : memref<112x16xf32, #tpu.memory_space<vmem>>[vector<16xi32>, vector<16xi32>], vector<16xf32>,
        %add3A_191 = arith.addf %gather3A_189, %gather3A_190 : vector<16xf32>
        %mul3A_192 = arith.constant 2.000000e-01 : f32
        %mul3A_193 = vector.broadcast %mul3A_192 : f32 to vector<16xf32>
        %mul3A_194 = arith.mulf %mul3A_193, %add3A_191 : vector<16xf32>
        %max3A_195 = arith.maximumf %add3A_191, %mul3A_194 : vector<16xf32>
        %exp3A_196 = math.exp %max3A_195 : vector<16xf32>
        tpu.vector_store_idx %arg23[%add3A_183, %broadcast_in_dim3A_10], %exp3A_196 : memref<112x16xf32, #tpu.memory_space<vmem>>[vector<16xi32>, vector<16xi32>], vector<16xf32>,
        %gather3A_197 = tpu.vector_load_idx %arg21[%add3A_183, %broadcast_in_dim3A_12] : memref<112x16xf32, #tpu.memory_space<vmem>>[vector<16xi32>, vector<16xi32>], vector<16xf32>,
        %gather3A_198 = tpu.vector_load_idx %arg22[%add3A_183, %broadcast_in_dim3A_20] : memref<112x16xf32, #tpu.memory_space<vmem>>[vector<16xi32>, vector<16xi32>], vector<16xf32>,
        %add3A_199 = arith.addf %gather3A_197, %gather3A_198 : vector<16xf32>
        %mul3A_200 = arith.constant 2.000000e-01 : f32
        %mul3A_201 = vector.broadcast %mul3A_200 : f32 to vector<16xf32>
        %mul3A_202 = arith.mulf %mul3A_201, %add3A_199 : vector<16xf32>
        %max3A_203 = arith.maximumf %add3A_199, %mul3A_202 : vector<16xf32>
        %exp3A_204 = math.exp %max3A_203 : vector<16xf32>
        tpu.vector_store_idx %arg23[%add3A_183, %broadcast_in_dim3A_12], %exp3A_204 : memref<112x16xf32, #tpu.memory_space<vmem>>[vector<16xi32>, vector<16xi32>], vector<16xf32>,
        %gather3A_205 = tpu.vector_load_idx %arg21[%add3A_183, %broadcast_in_dim3A_14] : memref<112x16xf32, #tpu.memory_space<vmem>>[vector<16xi32>, vector<16xi32>], vector<16xf32>,
        %gather3A_206 = tpu.vector_load_idx %arg22[%add3A_183, %broadcast_in_dim3A_22] : memref<112x16xf32, #tpu.memory_space<vmem>>[vector<16xi32>, vector<16xi32>], vector<16xf32>,
        %add3A_207 = arith.addf %gather3A_205, %gather3A_206 : vector<16xf32>
        %mul3A_208 = arith.constant 2.000000e-01 : f32
        %mul3A_209 = vector.broadcast %mul3A_208 : f32 to vector<16xf32>
        %mul3A_210 = arith.mulf %mul3A_209, %add3A_207 : vector<16xf32>
        %max3A_211 = arith.maximumf %add3A_207, %mul3A_210 : vector<16xf32>
        %exp3A_212 = math.exp %max3A_211 : vector<16xf32>
        tpu.vector_store_idx %arg23[%add3A_183, %broadcast_in_dim3A_14], %exp3A_212 : memref<112x16xf32, #tpu.memory_space<vmem>>[vector<16xi32>, vector<16xi32>], vector<16xf32>,
      }
      %scan3A_158 = arith.constant 7 : i32
      %scan3A_159 = arith.constant 0 : i32
      %scan3A_160 = arith.constant 0 : i32
      %scan3A_161 = arith.constant 112 : i32
      %scan3A_162 = arith.addi %scan3A_160, %scan3A_161 : i32
      %scan3A_163 = arith.constant 1 : i32
      scf.for %scan3A_179 = %scan3A_160 to %scan3A_162 step %scan3A_163  : i32 {
        %broadcast_in_dim3A_180 = vector.broadcast %scan3A_179 : i32 to vector<16xi32>
        %gather3A = tpu.vector_load_idx %arg23[%broadcast_in_dim3A_180, %broadcast_in_dim3A_8] : memref<112x16xf32, #tpu.memory_space<vmem>>[vector<16xi32>, vector<16xi32>], vector<16xf32>,
        %gather3A_181 = tpu.vector_load_idx %arg23[%broadcast_in_dim3A_180, %broadcast_in_dim3A_10] : memref<112x16xf32, #tpu.memory_space<vmem>>[vector<16xi32>, vector<16xi32>], vector<16xf32>,
        %gather3A_182 = tpu.vector_load_idx %arg23[%broadcast_in_dim3A_180, %broadcast_in_dim3A_12] : memref<112x16xf32, #tpu.memory_space<vmem>>[vector<16xi32>, vector<16xi32>], vector<16xf32>,
        %gather3A_183 = tpu.vector_load_idx %arg23[%broadcast_in_dim3A_180, %broadcast_in_dim3A_14] : memref<112x16xf32, #tpu.memory_space<vmem>>[vector<16xi32>, vector<16xi32>], vector<16xf32>,
        %get3A = arith.index_cast %scan3A_179 : i32 to index
        %get3A_184 = arith.constant 0 : index
        %get3A_185 = tpu.vector_load %arg20[%get3A, %get3A_184] {strides = array<i32>} : memref<112x128xf32, #tpu.memory_space<vmem>>, vector<16xf32>,
        %mul3A_186 = arith.mulf %get3A_185, %gather3A : vector<16xf32>
        %swap3A = arith.index_cast %scan3A_179 : i32 to index
        %swap3A_187 = arith.constant 0 : index
        %swap3A_188 = tpu.vector_load %arg20[%swap3A, %swap3A_187] {strides = array<i32>} : memref<112x128xf32, #tpu.memory_space<vmem>>, vector<16xf32>,
        tpu.vector_store %arg20[%swap3A, %swap3A_187], %mul3A_186 {strides = array<i32>} : memref<112x128xf32, #tpu.memory_space<vmem>>, vector<16xf32>,
        %get3A_189 = arith.index_cast %scan3A_179 : i32 to index
        %get3A_190 = arith.constant 16 : index
        %get3A_191 = tpu.vector_load %arg20[%get3A_189, %get3A_190] {strides = array<i32>} : memref<112x128xf32, #tpu.memory_space<vmem>>, vector<16xf32>,
        %mul3A_192 = arith.mulf %get3A_191, %gather3A : vector<16xf32>
        %swap3A_193 = arith.index_cast %scan3A_179 : i32 to index
        %swap3A_194 = arith.constant 16 : index
        %swap3A_195 = tpu.vector_load %arg20[%swap3A_193, %swap3A_194] {strides = array<i32>} : memref<112x128xf32, #tpu.memory_space<vmem>>, vector<16xf32>,
        tpu.vector_store %arg20[%swap3A_193, %swap3A_194], %mul3A_192 {strides = array<i32>} : memref<112x128xf32, #tpu.memory_space<vmem>>, vector<16xf32>,
        %get3A_196 = arith.index_cast %scan3A_179 : i32 to index
        %get3A_197 = arith.constant 32 : index
        %get3A_198 = tpu.vector_load %arg20[%get3A_196, %get3A_197] {strides = array<i32>} : memref<112x128xf32, #tpu.memory_space<vmem>>, vector<16xf32>,
        %mul3A_199 = arith.mulf %get3A_198, %gather3A_181 : vector<16xf32>
        %swap3A_200 = arith.index_cast %scan3A_179 : i32 to index
        %swap3A_201 = arith.constant 32 : index
        %swap3A_202 = tpu.vector_load %arg20[%swap3A_200, %swap3A_201] {strides = array<i32>} : memref<112x128xf32, #tpu.memory_space<vmem>>, vector<16xf32>,
        tpu.vector_store %arg20[%swap3A_200, %swap3A_201], %mul3A_199 {strides = array<i32>} : memref<112x128xf32, #tpu.memory_space<vmem>>, vector<16xf32>,
        %get3A_203 = arith.index_cast %scan3A_179 : i32 to index
        %get3A_204 = arith.constant 48 : index
        %get3A_205 = tpu.vector_load %arg20[%get3A_203, %get3A_204] {strides = array<i32>} : memref<112x128xf32, #tpu.memory_space<vmem>>, vector<16xf32>,
        %mul3A_206 = arith.mulf %get3A_205, %gather3A_181 : vector<16xf32>
        %swap3A_207 = arith.index_cast %scan3A_179 : i32 to index
        %swap3A_208 = arith.constant 48 : index
        %swap3A_209 = tpu.vector_load %arg20[%swap3A_207, %swap3A_208] {strides = array<i32>} : memref<112x128xf32, #tpu.memory_space<vmem>>, vector<16xf32>,
        tpu.vector_store %arg20[%swap3A_207, %swap3A_208], %mul3A_206 {strides = array<i32>} : memref<112x128xf32, #tpu.memory_space<vmem>>, vector<16xf32>,
        %get3A_210 = arith.index_cast %scan3A_179 : i32 to index
        %get3A_211 = arith.constant 64 : index
        %get3A_212 = tpu.vector_load %arg20[%get3A_210, %get3A_211] {strides = array<i32>} : memref<112x128xf32, #tpu.memory_space<vmem>>, vector<16xf32>,
        %mul3A_213 = arith.mulf %get3A_212, %gather3A_182 : vector<16xf32>
        %swap3A_214 = arith.index_cast %scan3A_179 : i32 to index
        %swap3A_215 = arith.constant 64 : index
        %swap3A_216 = tpu.vector_load %arg20[%swap3A_214, %swap3A_215] {strides = array<i32>} : memref<112x128xf32, #tpu.memory_space<vmem>>, vector<16xf32>,
        tpu.vector_store %arg20[%swap3A_214, %swap3A_215], %mul3A_213 {strides = array<i32>} : memref<112x128xf32, #tpu.memory_space<vmem>>, vector<16xf32>,
        %get3A_217 = arith.index_cast %scan3A_179 : i32 to index
        %get3A_218 = arith.constant 80 : index
        %get3A_219 = tpu.vector_load %arg20[%get3A_217, %get3A_218] {strides = array<i32>} : memref<112x128xf32, #tpu.memory_space<vmem>>, vector<16xf32>,
        %mul3A_220 = arith.mulf %get3A_219, %gather3A_182 : vector<16xf32>
        %swap3A_221 = arith.index_cast %scan3A_179 : i32 to index
        %swap3A_222 = arith.constant 80 : index
        %swap3A_223 = tpu.vector_load %arg20[%swap3A_221, %swap3A_222] {strides = array<i32>} : memref<112x128xf32, #tpu.memory_space<vmem>>, vector<16xf32>,
        tpu.vector_store %arg20[%swap3A_221, %swap3A_222], %mul3A_220 {strides = array<i32>} : memref<112x128xf32, #tpu.memory_space<vmem>>, vector<16xf32>,
        %get3A_224 = arith.index_cast %scan3A_179 : i32 to index
        %get3A_225 = arith.constant 96 : index
        %get3A_226 = tpu.vector_load %arg20[%get3A_224, %get3A_225] {strides = array<i32>} : memref<112x128xf32, #tpu.memory_space<vmem>>, vector<16xf32>,
        %mul3A_227 = arith.mulf %get3A_226, %gather3A_183 : vector<16xf32>
        %swap3A_228 = arith.index_cast %scan3A_179 : i32 to index
        %swap3A_229 = arith.constant 96 : index
        %swap3A_230 = tpu.vector_load %arg20[%swap3A_228, %swap3A_229] {strides = array<i32>} : memref<112x128xf32, #tpu.memory_space<vmem>>, vector<16xf32>,
        tpu.vector_store %arg20[%swap3A_228, %swap3A_229], %mul3A_227 {strides = array<i32>} : memref<112x128xf32, #tpu.memory_space<vmem>>, vector<16xf32>,
        %get3A_231 = arith.index_cast %scan3A_179 : i32 to index
        %get3A_232 = arith.constant 112 : index
        %get3A_233 = tpu.vector_load %arg20[%get3A_231, %get3A_232] {strides = array<i32>} : memref<112x128xf32, #tpu.memory_space<vmem>>, vector<16xf32>,
        %mul3A_234 = arith.mulf %get3A_233, %gather3A_183 : vector<16xf32>
        %swap3A_235 = arith.index_cast %scan3A_179 : i32 to index
        %swap3A_236 = arith.constant 112 : index
        %swap3A_237 = tpu.vector_load %arg20[%swap3A_235, %swap3A_236] {strides = array<i32>} : memref<112x128xf32, #tpu.memory_space<vmem>>, vector<16xf32>,
        tpu.vector_store %arg20[%swap3A_235, %swap3A_236], %mul3A_234 {strides = array<i32>} : memref<112x128xf32, #tpu.memory_space<vmem>>, vector<16xf32>,
      }
      %scan3A_164 = arith.constant 112 : i32
      %dma_start3A_165 = arith.constant 0 : i32
      %dma_start3A_166 = arith.constant 0 : i32
      %dma_start3A_167 = tpu.memref_slice %arg19[%dma_start3A_165, %dma_start3A_166] : memref<1x112xi32, #tpu.memory_space<vmem>> -> memref<1x112xi32, #tpu.memory_space<vmem>>
      %dma_start3A_168 = tpu.memref_squeeze %dma_start3A_167 : memref<1x112xi32, #tpu.memory_space<vmem>> -> memref<112xi32, #tpu.memory_space<vmem>>
      %dma_start3A_169 = arith.constant 0 : i32
      %dma_start3A_170 = arith.constant 0 : i32
      %dma_start3A_171 = tpu.memref_slice %arg10[%dma_start3A_169, %dma_start3A_170] : memref<10112x128xf32, #tpu.memory_space<vmem_shared>> -> memref<10112x128xf32, #tpu.memory_space<vmem_shared>>
      tpu.enqueue_indirect_dma source(%arg20 : memref<112x128xf32, #tpu.memory_space<vmem>>) target(%dma_start3A_171 : memref<10112x128xf32, #tpu.memory_space<vmem_shared>>) offsets(%dma_start3A_168 : memref<112xi32, #tpu.memory_space<vmem>>) semaphore(%arg27 : memref<!tpu.dma_semaphore, #tpu.memory_space<semaphore_mem>>) {add = true}
      %dma_start3A_172 = arith.constant 0 : i32
      %dma_start3A_173 = arith.constant 0 : i32
      %dma_start3A_174 = tpu.memref_slice %arg19[%dma_start3A_172, %dma_start3A_173] : memref<1x112xi32, #tpu.memory_space<vmem>> -> memref<1x112xi32, #tpu.memory_space<vmem>>
      %dma_start3A_175 = tpu.memref_squeeze %dma_start3A_174 : memref<1x112xi32, #tpu.memory_space<vmem>> -> memref<112xi32, #tpu.memory_space<vmem>>
      %dma_start3A_176 = arith.constant 0 : i32
      %dma_start3A_177 = arith.constant 0 : i32
      %dma_start3A_178 = tpu.memref_slice %arg11[%dma_start3A_176, %dma_start3A_177] : memref<10112x16xf32, #tpu.memory_space<vmem_shared>> -> memref<10112x16xf32, #tpu.memory_space<vmem_shared>>
      tpu.enqueue_indirect_dma source(%arg23 : memref<112x16xf32, #tpu.memory_space<vmem>>) target(%dma_start3A_178 : memref<10112x16xf32, #tpu.memory_space<vmem_shared>>) offsets(%dma_start3A_175 : memref<112xi32, #tpu.memory_space<vmem>>) semaphore(%arg27 : memref<!tpu.dma_semaphore, #tpu.memory_space<semaphore_mem>>) {add = true}
    }
    %scan3A_48 = arith.constant 45 : i32
    %dma_wait3A = arith.constant 0 : i32
    %dma_wait3A_49 = arith.constant 0 : i32
    %dma_wait3A_50 = tpu.memref_slice %arg13[%dma_wait3A, %dma_wait3A_49] : memref<1x112xi32, #tpu.memory_space<vmem>> -> memref<1x112xi32, #tpu.memory_space<vmem>>
    %dma_wait3A_51 = tpu.memref_squeeze %dma_wait3A_50 : memref<1x112xi32, #tpu.memory_space<vmem>> -> memref<112xi32, #tpu.memory_space<vmem>>
    %dma_wait3A_52 = arith.constant 0 : i32
    %dma_wait3A_53 = arith.constant 0 : i32
    %dma_wait3A_54 = tpu.memref_slice %arg10[%dma_wait3A_52, %dma_wait3A_53] : memref<10112x128xf32, #tpu.memory_space<vmem_shared>> -> memref<10112x128xf32, #tpu.memory_space<vmem_shared>>
    tpu.wait_indirect_dma semaphore(%arg26 : memref<!tpu.dma_semaphore, #tpu.memory_space<semaphore_mem>>) src(%arg14 : memref<112x128xf32, #tpu.memory_space<vmem>>) dst(%dma_wait3A_54 : memref<10112x128xf32, #tpu.memory_space<vmem_shared>>)
    %dma_wait3A_55 = arith.constant 0 : i32
    %dma_wait3A_56 = arith.constant 0 : i32
    %dma_wait3A_57 = tpu.memref_slice %arg13[%dma_wait3A_55, %dma_wait3A_56] : memref<1x112xi32, #tpu.memory_space<vmem>> -> memref<1x112xi32, #tpu.memory_space<vmem>>
    %dma_wait3A_58 = tpu.memref_squeeze %dma_wait3A_57 : memref<1x112xi32, #tpu.memory_space<vmem>> -> memref<112xi32, #tpu.memory_space<vmem>>
    %dma_wait3A_59 = arith.constant 0 : i32
    %dma_wait3A_60 = arith.constant 0 : i32
    %dma_wait3A_61 = tpu.memref_slice %arg11[%dma_wait3A_59, %dma_wait3A_60] : memref<10112x16xf32, #tpu.memory_space<vmem_shared>> -> memref<10112x16xf32, #tpu.memory_space<vmem_shared>>
    tpu.wait_indirect_dma semaphore(%arg26 : memref<!tpu.dma_semaphore, #tpu.memory_space<semaphore_mem>>) src(%arg17 : memref<112x16xf32, #tpu.memory_space<vmem>>) dst(%dma_wait3A_61 : memref<10112x16xf32, #tpu.memory_space<vmem_shared>>)
    %dma_wait3A_62 = arith.constant 0 : i32
    %dma_wait3A_63 = arith.constant 0 : i32
    %dma_wait3A_64 = tpu.memref_slice %arg19[%dma_wait3A_62, %dma_wait3A_63] : memref<1x112xi32, #tpu.memory_space<vmem>> -> memref<1x112xi32, #tpu.memory_space<vmem>>
    %dma_wait3A_65 = tpu.memref_squeeze %dma_wait3A_64 : memref<1x112xi32, #tpu.memory_space<vmem>> -> memref<112xi32, #tpu.memory_space<vmem>>
    %dma_wait3A_66 = arith.constant 0 : i32
    %dma_wait3A_67 = arith.constant 0 : i32
    %dma_wait3A_68 = tpu.memref_slice %arg10[%dma_wait3A_66, %dma_wait3A_67] : memref<10112x128xf32, #tpu.memory_space<vmem_shared>> -> memref<10112x128xf32, #tpu.memory_space<vmem_shared>>
    tpu.wait_indirect_dma semaphore(%arg27 : memref<!tpu.dma_semaphore, #tpu.memory_space<semaphore_mem>>) src(%arg20 : memref<112x128xf32, #tpu.memory_space<vmem>>) dst(%dma_wait3A_68 : memref<10112x128xf32, #tpu.memory_space<vmem_shared>>)
    %dma_wait3A_69 = arith.constant 0 : i32
    %dma_wait3A_70 = arith.constant 0 : i32
    %dma_wait3A_71 = tpu.memref_slice %arg19[%dma_wait3A_69, %dma_wait3A_70] : memref<1x112xi32, #tpu.memory_space<vmem>> -> memref<1x112xi32, #tpu.memory_space<vmem>>
    %dma_wait3A_72 = tpu.memref_squeeze %dma_wait3A_71 : memref<1x112xi32, #tpu.memory_space<vmem>> -> memref<112xi32, #tpu.memory_space<vmem>>
    %dma_wait3A_73 = arith.constant 0 : i32
    %dma_wait3A_74 = arith.constant 0 : i32
    %dma_wait3A_75 = tpu.memref_slice %arg11[%dma_wait3A_73, %dma_wait3A_74] : memref<10112x16xf32, #tpu.memory_space<vmem_shared>> -> memref<10112x16xf32, #tpu.memory_space<vmem_shared>>
    tpu.wait_indirect_dma semaphore(%arg27 : memref<!tpu.dma_semaphore, #tpu.memory_space<semaphore_mem>>) src(%arg23 : memref<112x16xf32, #tpu.memory_space<vmem>>) dst(%dma_wait3A_75 : memref<10112x16xf32, #tpu.memory_space<vmem_shared>>)
    %barrier3A_76 = arith.constant 0 : index
    tpu.barrier barrier_id(%barrier3A_76)
    %scan3A_77 = arith.constant 0 : i32
    %scan3A_78 = arith.constant 0 : i32
    %scan3A_79 = arith.constant 5 : i32
    %scan3A_80 = arith.addi %scan3A_78, %scan3A_79 : i32
    %scan3A_81 = arith.constant 1 : i32
    scf.for %scan3A_83 = %scan3A_78 to %scan3A_80 step %scan3A_81  : i32 {
      %mul3A_84 = arith.constant 16 : i32
      %mul3A_85 = arith.muli %mul3A_84, %scan3A_83 : i32
      %add3A_86 = arith.addi %arg1, %mul3A_85 : i32
      %lt3A = arith.constant 79 : i32
      %lt3A_87 = arith.cmpi slt, %add3A_86, %lt3A : i32
      %convert_element_type3A = arith.extui %lt3A_87 : i1 to i32
      %cond3A = arith.constant 0 : i32
      %cond3A_88 = arith.cmpi ne, %convert_element_type3A, %cond3A : i32
      scf.if %cond3A_88 {
        %mul3A_89 = arith.constant 128 : i32
        %mul3A_90 = arith.muli %add3A_86, %mul3A_89 : i32
        "tpu.region"() ({
          %run_scoped3A_91 = tpu.sem_alloc : memref<!tpu.dma_semaphore, #tpu.memory_space<semaphore_mem>>
          %dma_start3A_92 = arith.constant 0 : i32
          %dma_start3A_93 = tpu.memref_slice %arg8[%arg0, %mul3A_90, %dma_start3A_92] : memref<2x10112x128xf32, #tpu.memory_space<hbm>> -> memref<1x128x128xf32, #tpu.memory_space<hbm>>
          %dma_start3A_94 = tpu.memref_squeeze %dma_start3A_93 : memref<1x128x128xf32, #tpu.memory_space<hbm>> -> memref<128x128xf32, #tpu.memory_space<hbm>>
          %dma_start3A_95 = arith.constant 0 : i32
          %dma_start3A_96 = tpu.memref_slice %arg10[%mul3A_90, %dma_start3A_95] : memref<10112x128xf32, #tpu.memory_space<vmem_shared>> -> memref<128x128xf32, #tpu.memory_space<vmem_shared>>
          tpu.enqueue_dma source(%dma_start3A_96 : memref<128x128xf32, #tpu.memory_space<vmem_shared>>) target(%dma_start3A_94 : memref<128x128xf32, #tpu.memory_space<hbm>>) target_semaphore(%run_scoped3A_91 : memref<!tpu.dma_semaphore, #tpu.memory_space<semaphore_mem>>)
          %dma_wait3A_97 = arith.constant 0 : i32
          %dma_wait3A_98 = tpu.memref_slice %arg8[%arg0, %mul3A_90, %dma_wait3A_97] : memref<2x10112x128xf32, #tpu.memory_space<hbm>> -> memref<1x128x128xf32, #tpu.memory_space<hbm>>
          %dma_wait3A_99 = tpu.memref_squeeze %dma_wait3A_98 : memref<1x128x128xf32, #tpu.memory_space<hbm>> -> memref<128x128xf32, #tpu.memory_space<hbm>>
          %dma_wait3A_100 = arith.constant 0 : i32
          %dma_wait3A_101 = tpu.memref_slice %arg10[%mul3A_90, %dma_wait3A_100] : memref<10112x128xf32, #tpu.memory_space<vmem_shared>> -> memref<128x128xf32, #tpu.memory_space<vmem_shared>>
          tpu.wait_dma2 semaphore(%run_scoped3A_91 : memref<!tpu.dma_semaphore, #tpu.memory_space<semaphore_mem>>) src(%dma_wait3A_101 : memref<128x128xf32, #tpu.memory_space<vmem_shared>>) dst(%dma_wait3A_99 : memref<128x128xf32, #tpu.memory_space<hbm>>)
          tpu.yield
        }) : () -> ()
      } else {
      }
    }
    %scan3A_82 = arith.constant 5 : i32
    "tpu.region"() ({
      %run_scoped3A_83 = tpu.sem_alloc : memref<!tpu.dma_semaphore, #tpu.memory_space<semaphore_mem>>
      %dma_start3A_84 = arith.constant 0 : i32
      %dma_start3A_85 = tpu.memref_slice %arg9[%arg0, %mul3A_2, %dma_start3A_84] : memref<2x10112x16xf32, #tpu.memory_space<hbm>> -> memref<1x632x16xf32, #tpu.memory_space<hbm>>
      %dma_start3A_86 = tpu.memref_squeeze %dma_start3A_85 : memref<1x632x16xf32, #tpu.memory_space<hbm>> -> memref<632x16xf32, #tpu.memory_space<hbm>>
      %dma_start3A_87 = arith.constant 0 : i32
      %dma_start3A_88 = tpu.memref_slice %arg11[%mul3A_2, %dma_start3A_87] : memref<10112x16xf32, #tpu.memory_space<vmem_shared>> -> memref<632x16xf32, #tpu.memory_space<vmem_shared>>
      tpu.enqueue_dma source(%dma_start3A_88 : memref<632x16xf32, #tpu.memory_space<vmem_shared>>) target(%dma_start3A_86 : memref<632x16xf32, #tpu.memory_space<hbm>>) target_semaphore(%run_scoped3A_83 : memref<!tpu.dma_semaphore, #tpu.memory_space<semaphore_mem>>)
      %dma_wait3A_89 = arith.constant 0 : i32
      %dma_wait3A_90 = tpu.memref_slice %arg9[%arg0, %mul3A_2, %dma_wait3A_89] : memref<2x10112x16xf32, #tpu.memory_space<hbm>> -> memref<1x632x16xf32, #tpu.memory_space<hbm>>
      %dma_wait3A_91 = tpu.memref_squeeze %dma_wait3A_90 : memref<1x632x16xf32, #tpu.memory_space<hbm>> -> memref<632x16xf32, #tpu.memory_space<hbm>>
      %dma_wait3A_92 = arith.constant 0 : i32
      %dma_wait3A_93 = tpu.memref_slice %arg11[%mul3A_2, %dma_wait3A_92] : memref<10112x16xf32, #tpu.memory_space<vmem_shared>> -> memref<632x16xf32, #tpu.memory_space<vmem_shared>>
      tpu.wait_dma2 semaphore(%run_scoped3A_83 : memref<!tpu.dma_semaphore, #tpu.memory_space<semaphore_mem>>) src(%dma_wait3A_93 : memref<632x16xf32, #tpu.memory_space<vmem_shared>>) dst(%dma_wait3A_91 : memref<632x16xf32, #tpu.memory_space<hbm>>)
      tpu.yield
    }) : () -> ()
    return
  }
}

#map = affine_map<(d0, d1) -> (0, 0)>
#map1 = affine_map<(d0, d1) -> (0, 0, 0)>
module attributes {stable_mosaic.version = 14 : i64} {
  func.func @_edge_call(%arg0: i32, %arg1: i32, %arg2: memref<10112x128xf32, #tpu.memory_space<hbm>>, %arg3: memref<10112x16xf32, #tpu.memory_space<hbm>>, %arg4: memref<32x90x112xi32, #tpu.memory_space<hbm>>, %arg5: memref<32x90x112xi32, #tpu.memory_space<hbm>>, %arg6: memref<10112x128xf32, #tpu.memory_space<hbm>>, %arg7: memref<10112x16xf32, #tpu.memory_space<hbm>>, %arg8: memref<2x10112x128xf32, #tpu.memory_space<hbm>>, %arg9: memref<2x10112x16xf32, #tpu.memory_space<hbm>>, %arg10: memref<10112x128xf32, #tpu.memory_space<vmem_shared>>, %arg11: memref<10112x16xf32, #tpu.memory_space<vmem_shared>>, %arg12: memref<112xi32, #tpu.memory_space<vmem>>, %arg13: memref<1x112xi32, #tpu.memory_space<vmem>>, %arg14: memref<112x128xf32, #tpu.memory_space<vmem>>, %arg15: memref<112x16xf32, #tpu.memory_space<vmem>>, %arg16: memref<112x16xf32, #tpu.memory_space<vmem>>, %arg17: memref<112x16xf32, #tpu.memory_space<vmem>>, %arg18: memref<112xi32, #tpu.memory_space<vmem>>, %arg19: memref<1x112xi32, #tpu.memory_space<vmem>>, %arg20: memref<112x128xf32, #tpu.memory_space<vmem>>, %arg21: memref<112x16xf32, #tpu.memory_space<vmem>>, %arg22: memref<112x16xf32, #tpu.memory_space<vmem>>, %arg23: memref<112x16xf32, #tpu.memory_space<vmem>>, %arg24: memref<!tpu.dma_semaphore, #tpu.memory_space<semaphore_mem>>, %arg25: memref<!tpu.dma_semaphore, #tpu.memory_space<semaphore_mem>>, %arg26: memref<!tpu.dma_semaphore, #tpu.memory_space<semaphore_mem>>, %arg27: memref<!tpu.dma_semaphore, #tpu.memory_space<semaphore_mem>>) attributes {dimension_semantics = [#tpu.dimension_semantics<core_parallel>, #tpu.dimension_semantics<subcore_parallel>], iteration_bounds = array<i64: 2, 16>, scalar_prefetch = 0 : i64, scratch_operands = 18 : i64, tpu.core_type = #tpu.core_type<sc_vector_subcore>, window_params = [{transform_indices = #map}, {transform_indices = #map}, {transform_indices = #map1}, {transform_indices = #map1}, {transform_indices = #map}, {transform_indices = #map}, {transform_indices = #map1}, {transform_indices = #map1}]} {
    %mul3A = arith.constant 2 : i32
    %mul3A_0 = arith.muli %arg1, %mul3A : i32
    %add3A = arith.addi %mul3A_0, %arg0 : i32
    %mul3A_1 = arith.constant 632 : i32
    %mul3A_2 = arith.muli %arg1, %mul3A_1 : i32
    %scan3A = arith.constant 0 : i32
    %scan3A_3 = arith.constant 0 : i32
    %scan3A_4 = arith.constant 5 : i32
    %scan3A_5 = arith.addi %scan3A_3, %scan3A_4 : i32
    %scan3A_6 = arith.constant 1 : i32
    scf.for %scan3A_83 = %scan3A_3 to %scan3A_5 step %scan3A_6  : i32 {
      %mul3A_84 = arith.constant 16 : i32
      %mul3A_85 = arith.muli %mul3A_84, %scan3A_83 : i32
      %add3A_86 = arith.addi %arg1, %mul3A_85 : i32
      %lt3A = arith.constant 79 : i32
      %lt3A_87 = arith.cmpi slt, %add3A_86, %lt3A : i32
      %convert_element_type3A = arith.extui %lt3A_87 : i1 to i32
      %cond3A = arith.constant 0 : i32
      %cond3A_88 = arith.cmpi ne, %convert_element_type3A, %cond3A : i32
      scf.if %cond3A_88 {
        %mul3A_89 = arith.constant 128 : i32
        %mul3A_90 = arith.muli %add3A_86, %mul3A_89 : i32
        "tpu.region"() ({
          %run_scoped3A_91 = tpu.sem_alloc : memref<!tpu.dma_semaphore, #tpu.memory_space<semaphore_mem>>
          %dma_start3A_92 = arith.constant 0 : i32
          %dma_start3A_93 = tpu.memref_slice %arg10[%mul3A_90, %dma_start3A_92] : memref<10112x128xf32, #tpu.memory_space<vmem_shared>> -> memref<128x128xf32, #tpu.memory_space<vmem_shared>>
          %dma_start3A_94 = arith.constant 0 : i32
          %dma_start3A_95 = tpu.memref_slice %arg6[%mul3A_90, %dma_start3A_94] : memref<10112x128xf32, #tpu.memory_space<hbm>> -> memref<128x128xf32, #tpu.memory_space<hbm>>
          tpu.enqueue_dma source(%dma_start3A_95 : memref<128x128xf32, #tpu.memory_space<hbm>>) target(%dma_start3A_93 : memref<128x128xf32, #tpu.memory_space<vmem_shared>>) target_semaphore(%run_scoped3A_91 : memref<!tpu.dma_semaphore, #tpu.memory_space<semaphore_mem>>)
          %dma_wait3A_96 = arith.constant 0 : i32
          %dma_wait3A_97 = tpu.memref_slice %arg10[%mul3A_90, %dma_wait3A_96] : memref<10112x128xf32, #tpu.memory_space<vmem_shared>> -> memref<128x128xf32, #tpu.memory_space<vmem_shared>>
          %dma_wait3A_98 = arith.constant 0 : i32
          %dma_wait3A_99 = tpu.memref_slice %arg6[%mul3A_90, %dma_wait3A_98] : memref<10112x128xf32, #tpu.memory_space<hbm>> -> memref<128x128xf32, #tpu.memory_space<hbm>>
          tpu.wait_dma2 semaphore(%run_scoped3A_91 : memref<!tpu.dma_semaphore, #tpu.memory_space<semaphore_mem>>) src(%dma_wait3A_99 : memref<128x128xf32, #tpu.memory_space<hbm>>) dst(%dma_wait3A_97 : memref<128x128xf32, #tpu.memory_space<vmem_shared>>)
          tpu.yield
        }) : () -> ()
      } else {
      }
    }
    %scan3A_7 = arith.constant 5 : i32
    "tpu.region"() ({
      %run_scoped3A_83 = tpu.sem_alloc : memref<!tpu.dma_semaphore, #tpu.memory_space<semaphore_mem>>
      %dma_start3A_84 = arith.constant 0 : i32
      %dma_start3A_85 = tpu.memref_slice %arg11[%mul3A_2, %dma_start3A_84] : memref<10112x16xf32, #tpu.memory_space<vmem_shared>> -> memref<632x16xf32, #tpu.memory_space<vmem_shared>>
      %dma_start3A_86 = arith.constant 0 : i32
      %dma_start3A_87 = tpu.memref_slice %arg7[%mul3A_2, %dma_start3A_86] : memref<10112x16xf32, #tpu.memory_space<hbm>> -> memref<632x16xf32, #tpu.memory_space<hbm>>
      tpu.enqueue_dma source(%dma_start3A_87 : memref<632x16xf32, #tpu.memory_space<hbm>>) target(%dma_start3A_85 : memref<632x16xf32, #tpu.memory_space<vmem_shared>>) target_semaphore(%run_scoped3A_83 : memref<!tpu.dma_semaphore, #tpu.memory_space<semaphore_mem>>)
      %dma_wait3A_88 = arith.constant 0 : i32
      %dma_wait3A_89 = tpu.memref_slice %arg11[%mul3A_2, %dma_wait3A_88] : memref<10112x16xf32, #tpu.memory_space<vmem_shared>> -> memref<632x16xf32, #tpu.memory_space<vmem_shared>>
      %dma_wait3A_90 = arith.constant 0 : i32
      %dma_wait3A_91 = tpu.memref_slice %arg7[%mul3A_2, %dma_wait3A_90] : memref<10112x16xf32, #tpu.memory_space<hbm>> -> memref<632x16xf32, #tpu.memory_space<hbm>>
      tpu.wait_dma2 semaphore(%run_scoped3A_83 : memref<!tpu.dma_semaphore, #tpu.memory_space<semaphore_mem>>) src(%dma_wait3A_91 : memref<632x16xf32, #tpu.memory_space<hbm>>) dst(%dma_wait3A_89 : memref<632x16xf32, #tpu.memory_space<vmem_shared>>)
      tpu.yield
    }) : () -> ()
    %iota3A = tpu.iota {dimensions = array<i32: 0>} : vector<16xi32>
    %broadcast_in_dim3A = arith.constant 0 : i32
    %broadcast_in_dim3A_8 = vector.broadcast %broadcast_in_dim3A : i32 to vector<16xi32>
    %broadcast_in_dim3A_9 = arith.constant 1 : i32
    %broadcast_in_dim3A_10 = vector.broadcast %broadcast_in_dim3A_9 : i32 to vector<16xi32>
    %broadcast_in_dim3A_11 = arith.constant 2 : i32
    %broadcast_in_dim3A_12 = vector.broadcast %broadcast_in_dim3A_11 : i32 to vector<16xi32>
    %broadcast_in_dim3A_13 = arith.constant 3 : i32
    %broadcast_in_dim3A_14 = vector.broadcast %broadcast_in_dim3A_13 : i32 to vector<16xi32>
    %broadcast_in_dim3A_15 = arith.constant 4 : i32
    %broadcast_in_dim3A_16 = vector.broadcast %broadcast_in_dim3A_15 : i32 to vector<16xi32>
    %broadcast_in_dim3A_17 = arith.constant 5 : i32
    %broadcast_in_dim3A_18 = vector.broadcast %broadcast_in_dim3A_17 : i32 to vector<16xi32>
    %broadcast_in_dim3A_19 = arith.constant 6 : i32
    %broadcast_in_dim3A_20 = vector.broadcast %broadcast_in_dim3A_19 : i32 to vector<16xi32>
    %broadcast_in_dim3A_21 = arith.constant 7 : i32
    %broadcast_in_dim3A_22 = vector.broadcast %broadcast_in_dim3A_21 : i32 to vector<16xi32>
    %broadcast_in_dim3A_23 = arith.constant 0.000000e+00 : f32
    %broadcast_in_dim3A_24 = vector.broadcast %broadcast_in_dim3A_23 : f32 to vector<16xf32>
    %scan3A_25 = arith.constant 0 : i32
    %scan3A_26 = arith.constant 0 : i32
    %scan3A_27 = arith.constant 112 : i32
    %scan3A_28 = arith.addi %scan3A_26, %scan3A_27 : i32
    %scan3A_29 = arith.constant 1 : i32
    scf.for %scan3A_83 = %scan3A_26 to %scan3A_28 step %scan3A_29  : i32 {
      %swap3A = arith.index_cast %scan3A_83 : i32 to index
      %swap3A_84 = arith.constant 0 : index
      %swap3A_85 = tpu.vector_load %arg17[%swap3A, %swap3A_84] {strides = array<i32>} : memref<112x16xf32, #tpu.memory_space<vmem>>, vector<16xf32>,
      tpu.vector_store %arg17[%swap3A, %swap3A_84], %broadcast_in_dim3A_24 {strides = array<i32>} : memref<112x16xf32, #tpu.memory_space<vmem>>, vector<16xf32>,
      %swap3A_86 = arith.index_cast %scan3A_83 : i32 to index
      %swap3A_87 = arith.constant 0 : index
      %swap3A_88 = tpu.vector_load %arg23[%swap3A_86, %swap3A_87] {strides = array<i32>} : memref<112x16xf32, #tpu.memory_space<vmem>>, vector<16xf32>,
      tpu.vector_store %arg23[%swap3A_86, %swap3A_87], %broadcast_in_dim3A_24 {strides = array<i32>} : memref<112x16xf32, #tpu.memory_space<vmem>>, vector<16xf32>,
    }
    %scan3A_30 = arith.constant 112 : i32
    %run_scoped3A = arith.constant 0 : i32
    "tpu.region"() ({
      %run_scoped3A_83 = tpu.sem_alloc : memref<!tpu.dma_semaphore, #tpu.memory_space<semaphore_mem>>
      %dma_start3A_84 = arith.constant 0 : i32
      %dma_start3A_85 = tpu.memref_slice %arg4[%add3A, %run_scoped3A, %dma_start3A_84] : memref<32x90x112xi32, #tpu.memory_space<hbm>> -> memref<1x1x112xi32, #tpu.memory_space<hbm>>
      %dma_start3A_86 = tpu.memref_squeeze %dma_start3A_85 : memref<1x1x112xi32, #tpu.memory_space<hbm>> -> memref<112xi32, #tpu.memory_space<hbm>>
      %dma_start3A_87 = arith.constant 0 : i32
      %dma_start3A_88 = tpu.memref_slice %arg4[%add3A, %run_scoped3A, %dma_start3A_87] : memref<32x90x112xi32, #tpu.memory_space<hbm>> -> memref<1x1x112xi32, #tpu.memory_space<hbm>>
      %dma_start3A_89 = tpu.memref_squeeze %dma_start3A_88 : memref<1x1x112xi32, #tpu.memory_space<hbm>> -> memref<112xi32, #tpu.memory_space<hbm>>
      tpu.enqueue_dma source(%dma_start3A_89 : memref<112xi32, #tpu.memory_space<hbm>>) target(%arg12 : memref<112xi32, #tpu.memory_space<vmem>>) target_semaphore(%run_scoped3A_83 : memref<!tpu.dma_semaphore, #tpu.memory_space<semaphore_mem>>)
      %dma_wait3A_90 = arith.constant 0 : i32
      %dma_wait3A_91 = tpu.memref_slice %arg4[%add3A, %run_scoped3A, %dma_wait3A_90] : memref<32x90x112xi32, #tpu.memory_space<hbm>> -> memref<1x1x112xi32, #tpu.memory_space<hbm>>
      %dma_wait3A_92 = tpu.memref_squeeze %dma_wait3A_91 : memref<1x1x112xi32, #tpu.memory_space<hbm>> -> memref<112xi32, #tpu.memory_space<hbm>>
      %dma_wait3A_93 = arith.constant 0 : i32
      %dma_wait3A_94 = tpu.memref_slice %arg4[%add3A, %run_scoped3A, %dma_wait3A_93] : memref<32x90x112xi32, #tpu.memory_space<hbm>> -> memref<1x1x112xi32, #tpu.memory_space<hbm>>
      %dma_wait3A_95 = tpu.memref_squeeze %dma_wait3A_94 : memref<1x1x112xi32, #tpu.memory_space<hbm>> -> memref<112xi32, #tpu.memory_space<hbm>>
      tpu.wait_dma2 semaphore(%run_scoped3A_83 : memref<!tpu.dma_semaphore, #tpu.memory_space<semaphore_mem>>) src(%dma_wait3A_95 : memref<112xi32, #tpu.memory_space<hbm>>) dst(%arg12 : memref<112xi32, #tpu.memory_space<vmem>>)
      tpu.yield
    }) : () -> ()
    "tpu.region"() ({
      %run_scoped3A_83 = tpu.sem_alloc : memref<!tpu.dma_semaphore, #tpu.memory_space<semaphore_mem>>
      %dma_start3A_84 = arith.constant 0 : i32
      %dma_start3A_85 = arith.constant 0 : i32
      %dma_start3A_86 = tpu.memref_slice %arg5[%add3A, %dma_start3A_84, %dma_start3A_85] : memref<32x90x112xi32, #tpu.memory_space<hbm>> -> memref<1x1x112xi32, #tpu.memory_space<hbm>>
      %dma_start3A_87 = tpu.memref_squeeze %dma_start3A_86 : memref<1x1x112xi32, #tpu.memory_space<hbm>> -> memref<1x112xi32, #tpu.memory_space<hbm>>
      %dma_start3A_88 = arith.constant 0 : i32
      %dma_start3A_89 = arith.constant 0 : i32
      %dma_start3A_90 = tpu.memref_slice %arg5[%add3A, %dma_start3A_88, %dma_start3A_89] : memref<32x90x112xi32, #tpu.memory_space<hbm>> -> memref<1x1x112xi32, #tpu.memory_space<hbm>>
      %dma_start3A_91 = tpu.memref_squeeze %dma_start3A_90 : memref<1x1x112xi32, #tpu.memory_space<hbm>> -> memref<1x112xi32, #tpu.memory_space<hbm>>
      tpu.enqueue_dma source(%dma_start3A_91 : memref<1x112xi32, #tpu.memory_space<hbm>>) target(%arg13 : memref<1x112xi32, #tpu.memory_space<vmem>>) target_semaphore(%run_scoped3A_83 : memref<!tpu.dma_semaphore, #tpu.memory_space<semaphore_mem>>)
      %dma_wait3A_92 = arith.constant 0 : i32
      %dma_wait3A_93 = arith.constant 0 : i32
      %dma_wait3A_94 = tpu.memref_slice %arg5[%add3A, %dma_wait3A_92, %dma_wait3A_93] : memref<32x90x112xi32, #tpu.memory_space<hbm>> -> memref<1x1x112xi32, #tpu.memory_space<hbm>>
      %dma_wait3A_95 = tpu.memref_squeeze %dma_wait3A_94 : memref<1x1x112xi32, #tpu.memory_space<hbm>> -> memref<1x112xi32, #tpu.memory_space<hbm>>
      %dma_wait3A_96 = arith.constant 0 : i32
      %dma_wait3A_97 = arith.constant 0 : i32
      %dma_wait3A_98 = tpu.memref_slice %arg5[%add3A, %dma_wait3A_96, %dma_wait3A_97] : memref<32x90x112xi32, #tpu.memory_space<hbm>> -> memref<1x1x112xi32, #tpu.memory_space<hbm>>
      %dma_wait3A_99 = tpu.memref_squeeze %dma_wait3A_98 : memref<1x1x112xi32, #tpu.memory_space<hbm>> -> memref<1x112xi32, #tpu.memory_space<hbm>>
      tpu.wait_dma2 semaphore(%run_scoped3A_83 : memref<!tpu.dma_semaphore, #tpu.memory_space<semaphore_mem>>) src(%dma_wait3A_99 : memref<1x112xi32, #tpu.memory_space<hbm>>) dst(%arg13 : memref<1x112xi32, #tpu.memory_space<vmem>>)
      tpu.yield
    }) : () -> ()
    %dma_start3A = arith.constant 0 : i32
    %dma_start3A_31 = arith.constant 0 : i32
    %dma_start3A_32 = tpu.memref_slice %arg2[%dma_start3A, %dma_start3A_31] : memref<10112x128xf32, #tpu.memory_space<hbm>> -> memref<10112x128xf32, #tpu.memory_space<hbm>>
    tpu.enqueue_indirect_dma source(%dma_start3A_32 : memref<10112x128xf32, #tpu.memory_space<hbm>>) target(%arg14 : memref<112x128xf32, #tpu.memory_space<vmem>>) offsets(%arg12 : memref<112xi32, #tpu.memory_space<vmem>>) semaphore(%arg24 : memref<!tpu.dma_semaphore, #tpu.memory_space<semaphore_mem>>)
    %dma_start3A_33 = arith.constant 0 : i32
    %dma_start3A_34 = arith.constant 0 : i32
    %dma_start3A_35 = tpu.memref_slice %arg3[%dma_start3A_33, %dma_start3A_34] : memref<10112x16xf32, #tpu.memory_space<hbm>> -> memref<10112x16xf32, #tpu.memory_space<hbm>>
    tpu.enqueue_indirect_dma source(%dma_start3A_35 : memref<10112x16xf32, #tpu.memory_space<hbm>>) target(%arg15 : memref<112x16xf32, #tpu.memory_space<vmem>>) offsets(%arg12 : memref<112xi32, #tpu.memory_space<vmem>>) semaphore(%arg24 : memref<!tpu.dma_semaphore, #tpu.memory_space<semaphore_mem>>)
    %dma_start3A_36 = arith.constant 0 : i32
    %dma_start3A_37 = arith.constant 0 : i32
    %dma_start3A_38 = tpu.memref_slice %arg13[%dma_start3A_36, %dma_start3A_37] : memref<1x112xi32, #tpu.memory_space<vmem>> -> memref<1x112xi32, #tpu.memory_space<vmem>>
    %dma_start3A_39 = tpu.memref_squeeze %dma_start3A_38 : memref<1x112xi32, #tpu.memory_space<vmem>> -> memref<112xi32, #tpu.memory_space<vmem>>
    %dma_start3A_40 = arith.constant 0 : i32
    %dma_start3A_41 = arith.constant 0 : i32
    %dma_start3A_42 = tpu.memref_slice %arg3[%dma_start3A_40, %dma_start3A_41] : memref<10112x16xf32, #tpu.memory_space<hbm>> -> memref<10112x16xf32, #tpu.memory_space<hbm>>
    tpu.enqueue_indirect_dma source(%dma_start3A_42 : memref<10112x16xf32, #tpu.memory_space<hbm>>) target(%arg16 : memref<112x16xf32, #tpu.memory_space<vmem>>) offsets(%dma_start3A_39 : memref<112xi32, #tpu.memory_space<vmem>>) semaphore(%arg24 : memref<!tpu.dma_semaphore, #tpu.memory_space<semaphore_mem>>)
    %barrier3A = arith.constant 0 : index
    tpu.barrier barrier_id(%barrier3A)
    %scan3A_43 = arith.constant 0 : i32
    %scan3A_44 = arith.constant 0 : i32
    %scan3A_45 = arith.constant 45 : i32
    %scan3A_46 = arith.addi %scan3A_44, %scan3A_45 : i32
    %scan3A_47 = arith.constant 1 : i32
    scf.for %scan3A_83 = %scan3A_44 to %scan3A_46 step %scan3A_47  : i32 {
      %mul3A_84 = arith.constant 2 : i32
      %mul3A_85 = arith.muli %mul3A_84, %scan3A_83 : i32
      %dma_wait3A_86 = arith.constant 0 : i32
      %dma_wait3A_87 = arith.constant 0 : i32
      %dma_wait3A_88 = tpu.memref_slice %arg2[%dma_wait3A_86, %dma_wait3A_87] : memref<10112x128xf32, #tpu.memory_space<hbm>> -> memref<10112x128xf32, #tpu.memory_space<hbm>>
      tpu.wait_indirect_dma semaphore(%arg24 : memref<!tpu.dma_semaphore, #tpu.memory_space<semaphore_mem>>) src(%dma_wait3A_88 : memref<10112x128xf32, #tpu.memory_space<hbm>>) dst(%arg14 : memref<112x128xf32, #tpu.memory_space<vmem>>)
      %dma_wait3A_89 = arith.constant 0 : i32
      %dma_wait3A_90 = arith.constant 0 : i32
      %dma_wait3A_91 = tpu.memref_slice %arg3[%dma_wait3A_89, %dma_wait3A_90] : memref<10112x16xf32, #tpu.memory_space<hbm>> -> memref<10112x16xf32, #tpu.memory_space<hbm>>
      tpu.wait_indirect_dma semaphore(%arg24 : memref<!tpu.dma_semaphore, #tpu.memory_space<semaphore_mem>>) src(%dma_wait3A_91 : memref<10112x16xf32, #tpu.memory_space<hbm>>) dst(%arg15 : memref<112x16xf32, #tpu.memory_space<vmem>>)
      %dma_wait3A_92 = arith.constant 0 : i32
      %dma_wait3A_93 = arith.constant 0 : i32
      %dma_wait3A_94 = tpu.memref_slice %arg13[%dma_wait3A_92, %dma_wait3A_93] : memref<1x112xi32, #tpu.memory_space<vmem>> -> memref<1x112xi32, #tpu.memory_space<vmem>>
      %dma_wait3A_95 = tpu.memref_squeeze %dma_wait3A_94 : memref<1x112xi32, #tpu.memory_space<vmem>> -> memref<112xi32, #tpu.memory_space<vmem>>
      %dma_wait3A_96 = arith.constant 0 : i32
      %dma_wait3A_97 = arith.constant 0 : i32
      %dma_wait3A_98 = tpu.memref_slice %arg3[%dma_wait3A_96, %dma_wait3A_97] : memref<10112x16xf32, #tpu.memory_space<hbm>> -> memref<10112x16xf32, #tpu.memory_space<hbm>>
      tpu.wait_indirect_dma semaphore(%arg24 : memref<!tpu.dma_semaphore, #tpu.memory_space<semaphore_mem>>) src(%dma_wait3A_98 : memref<10112x16xf32, #tpu.memory_space<hbm>>) dst(%arg16 : memref<112x16xf32, #tpu.memory_space<vmem>>)
      %add3A_99 = arith.constant 1 : i32
      %add3A_100 = arith.addi %mul3A_85, %add3A_99 : i32
      %lt3A = arith.constant 90 : i32
      %lt3A_101 = arith.cmpi slt, %add3A_100, %lt3A : i32
      %convert_element_type3A = arith.extui %lt3A_101 : i1 to i32
      %cond3A = arith.constant 0 : i32
      %cond3A_102 = arith.cmpi ne, %convert_element_type3A, %cond3A : i32
      scf.if %cond3A_102 {
        %ge3A = arith.constant 1 : i32
        %ge3A_179 = arith.cmpi sge, %mul3A_85, %ge3A : i32
        %convert_element_type3A_180 = arith.extui %ge3A_179 : i1 to i32
        %cond3A_181 = arith.constant 0 : i32
        %cond3A_182 = arith.cmpi ne, %convert_element_type3A_180, %cond3A_181 : i32
        scf.if %cond3A_182 {
          %dma_wait3A_198 = arith.constant 0 : i32
          %dma_wait3A_199 = arith.constant 0 : i32
          %dma_wait3A_200 = tpu.memref_slice %arg19[%dma_wait3A_198, %dma_wait3A_199] : memref<1x112xi32, #tpu.memory_space<vmem>> -> memref<1x112xi32, #tpu.memory_space<vmem>>
          %dma_wait3A_201 = tpu.memref_squeeze %dma_wait3A_200 : memref<1x112xi32, #tpu.memory_space<vmem>> -> memref<112xi32, #tpu.memory_space<vmem>>
          %dma_wait3A_202 = arith.constant 0 : i32
          %dma_wait3A_203 = arith.constant 0 : i32
          %dma_wait3A_204 = tpu.memref_slice %arg10[%dma_wait3A_202, %dma_wait3A_203] : memref<10112x128xf32, #tpu.memory_space<vmem_shared>> -> memref<10112x128xf32, #tpu.memory_space<vmem_shared>>
          tpu.wait_indirect_dma semaphore(%arg27 : memref<!tpu.dma_semaphore, #tpu.memory_space<semaphore_mem>>) src(%arg20 : memref<112x128xf32, #tpu.memory_space<vmem>>) dst(%dma_wait3A_204 : memref<10112x128xf32, #tpu.memory_space<vmem_shared>>)
          %dma_wait3A_205 = arith.constant 0 : i32
          %dma_wait3A_206 = arith.constant 0 : i32
          %dma_wait3A_207 = tpu.memref_slice %arg19[%dma_wait3A_205, %dma_wait3A_206] : memref<1x112xi32, #tpu.memory_space<vmem>> -> memref<1x112xi32, #tpu.memory_space<vmem>>
          %dma_wait3A_208 = tpu.memref_squeeze %dma_wait3A_207 : memref<1x112xi32, #tpu.memory_space<vmem>> -> memref<112xi32, #tpu.memory_space<vmem>>
          %dma_wait3A_209 = arith.constant 0 : i32
          %dma_wait3A_210 = arith.constant 0 : i32
          %dma_wait3A_211 = tpu.memref_slice %arg11[%dma_wait3A_209, %dma_wait3A_210] : memref<10112x16xf32, #tpu.memory_space<vmem_shared>> -> memref<10112x16xf32, #tpu.memory_space<vmem_shared>>
          tpu.wait_indirect_dma semaphore(%arg27 : memref<!tpu.dma_semaphore, #tpu.memory_space<semaphore_mem>>) src(%arg23 : memref<112x16xf32, #tpu.memory_space<vmem>>) dst(%dma_wait3A_211 : memref<10112x16xf32, #tpu.memory_space<vmem_shared>>)
        } else {
        }
        %add3A_183 = arith.constant 1 : i32
        %add3A_184 = arith.addi %mul3A_85, %add3A_183 : i32
        "tpu.region"() ({
          %run_scoped3A_198 = tpu.sem_alloc : memref<!tpu.dma_semaphore, #tpu.memory_space<semaphore_mem>>
          %dma_start3A_199 = arith.constant 0 : i32
          %dma_start3A_200 = tpu.memref_slice %arg4[%add3A, %add3A_184, %dma_start3A_199] : memref<32x90x112xi32, #tpu.memory_space<hbm>> -> memref<1x1x112xi32, #tpu.memory_space<hbm>>
          %dma_start3A_201 = tpu.memref_squeeze %dma_start3A_200 : memref<1x1x112xi32, #tpu.memory_space<hbm>> -> memref<112xi32, #tpu.memory_space<hbm>>
          %dma_start3A_202 = arith.constant 0 : i32
          %dma_start3A_203 = tpu.memref_slice %arg4[%add3A, %add3A_184, %dma_start3A_202] : memref<32x90x112xi32, #tpu.memory_space<hbm>> -> memref<1x1x112xi32, #tpu.memory_space<hbm>>
          %dma_start3A_204 = tpu.memref_squeeze %dma_start3A_203 : memref<1x1x112xi32, #tpu.memory_space<hbm>> -> memref<112xi32, #tpu.memory_space<hbm>>
          tpu.enqueue_dma source(%dma_start3A_204 : memref<112xi32, #tpu.memory_space<hbm>>) target(%arg18 : memref<112xi32, #tpu.memory_space<vmem>>) target_semaphore(%run_scoped3A_198 : memref<!tpu.dma_semaphore, #tpu.memory_space<semaphore_mem>>)
          %dma_wait3A_205 = arith.constant 0 : i32
          %dma_wait3A_206 = tpu.memref_slice %arg4[%add3A, %add3A_184, %dma_wait3A_205] : memref<32x90x112xi32, #tpu.memory_space<hbm>> -> memref<1x1x112xi32, #tpu.memory_space<hbm>>
          %dma_wait3A_207 = tpu.memref_squeeze %dma_wait3A_206 : memref<1x1x112xi32, #tpu.memory_space<hbm>> -> memref<112xi32, #tpu.memory_space<hbm>>
          %dma_wait3A_208 = arith.constant 0 : i32
          %dma_wait3A_209 = tpu.memref_slice %arg4[%add3A, %add3A_184, %dma_wait3A_208] : memref<32x90x112xi32, #tpu.memory_space<hbm>> -> memref<1x1x112xi32, #tpu.memory_space<hbm>>
          %dma_wait3A_210 = tpu.memref_squeeze %dma_wait3A_209 : memref<1x1x112xi32, #tpu.memory_space<hbm>> -> memref<112xi32, #tpu.memory_space<hbm>>
          tpu.wait_dma2 semaphore(%run_scoped3A_198 : memref<!tpu.dma_semaphore, #tpu.memory_space<semaphore_mem>>) src(%dma_wait3A_210 : memref<112xi32, #tpu.memory_space<hbm>>) dst(%arg18 : memref<112xi32, #tpu.memory_space<vmem>>)
          tpu.yield
        }) : () -> ()
        "tpu.region"() ({
          %run_scoped3A_198 = tpu.sem_alloc : memref<!tpu.dma_semaphore, #tpu.memory_space<semaphore_mem>>
          %dma_start3A_199 = arith.constant 0 : i32
          %dma_start3A_200 = tpu.memref_slice %arg5[%add3A, %add3A_184, %dma_start3A_199] : memref<32x90x112xi32, #tpu.memory_space<hbm>> -> memref<1x1x112xi32, #tpu.memory_space<hbm>>
          %dma_start3A_201 = tpu.memref_squeeze %dma_start3A_200 : memref<1x1x112xi32, #tpu.memory_space<hbm>> -> memref<1x112xi32, #tpu.memory_space<hbm>>
          %dma_start3A_202 = arith.constant 0 : i32
          %dma_start3A_203 = tpu.memref_slice %arg5[%add3A, %add3A_184, %dma_start3A_202] : memref<32x90x112xi32, #tpu.memory_space<hbm>> -> memref<1x1x112xi32, #tpu.memory_space<hbm>>
          %dma_start3A_204 = tpu.memref_squeeze %dma_start3A_203 : memref<1x1x112xi32, #tpu.memory_space<hbm>> -> memref<1x112xi32, #tpu.memory_space<hbm>>
          tpu.enqueue_dma source(%dma_start3A_204 : memref<1x112xi32, #tpu.memory_space<hbm>>) target(%arg19 : memref<1x112xi32, #tpu.memory_space<vmem>>) target_semaphore(%run_scoped3A_198 : memref<!tpu.dma_semaphore, #tpu.memory_space<semaphore_mem>>)
          %dma_wait3A_205 = arith.constant 0 : i32
          %dma_wait3A_206 = tpu.memref_slice %arg5[%add3A, %add3A_184, %dma_wait3A_205] : memref<32x90x112xi32, #tpu.memory_space<hbm>> -> memref<1x1x112xi32, #tpu.memory_space<hbm>>
          %dma_wait3A_207 = tpu.memref_squeeze %dma_wait3A_206 : memref<1x1x112xi32, #tpu.memory_space<hbm>> -> memref<1x112xi32, #tpu.memory_space<hbm>>
          %dma_wait3A_208 = arith.constant 0 : i32
          %dma_wait3A_209 = tpu.memref_slice %arg5[%add3A, %add3A_184, %dma_wait3A_208] : memref<32x90x112xi32, #tpu.memory_space<hbm>> -> memref<1x1x112xi32, #tpu.memory_space<hbm>>
          %dma_wait3A_210 = tpu.memref_squeeze %dma_wait3A_209 : memref<1x1x112xi32, #tpu.memory_space<hbm>> -> memref<1x112xi32, #tpu.memory_space<hbm>>
          tpu.wait_dma2 semaphore(%run_scoped3A_198 : memref<!tpu.dma_semaphore, #tpu.memory_space<semaphore_mem>>) src(%dma_wait3A_210 : memref<1x112xi32, #tpu.memory_space<hbm>>) dst(%arg19 : memref<1x112xi32, #tpu.memory_space<vmem>>)
          tpu.yield
        }) : () -> ()
        %dma_start3A_185 = arith.constant 0 : i32
        %dma_start3A_186 = arith.constant 0 : i32
        %dma_start3A_187 = tpu.memref_slice %arg2[%dma_start3A_185, %dma_start3A_186] : memref<10112x128xf32, #tpu.memory_space<hbm>> -> memref<10112x128xf32, #tpu.memory_space<hbm>>
        tpu.enqueue_indirect_dma source(%dma_start3A_187 : memref<10112x128xf32, #tpu.memory_space<hbm>>) target(%arg20 : memref<112x128xf32, #tpu.memory_space<vmem>>) offsets(%arg18 : memref<112xi32, #tpu.memory_space<vmem>>) semaphore(%arg25 : memref<!tpu.dma_semaphore, #tpu.memory_space<semaphore_mem>>)
        %dma_start3A_188 = arith.constant 0 : i32
        %dma_start3A_189 = arith.constant 0 : i32
        %dma_start3A_190 = tpu.memref_slice %arg3[%dma_start3A_188, %dma_start3A_189] : memref<10112x16xf32, #tpu.memory_space<hbm>> -> memref<10112x16xf32, #tpu.memory_space<hbm>>
        tpu.enqueue_indirect_dma source(%dma_start3A_190 : memref<10112x16xf32, #tpu.memory_space<hbm>>) target(%arg21 : memref<112x16xf32, #tpu.memory_space<vmem>>) offsets(%arg18 : memref<112xi32, #tpu.memory_space<vmem>>) semaphore(%arg25 : memref<!tpu.dma_semaphore, #tpu.memory_space<semaphore_mem>>)
        %dma_start3A_191 = arith.constant 0 : i32
        %dma_start3A_192 = arith.constant 0 : i32
        %dma_start3A_193 = tpu.memref_slice %arg19[%dma_start3A_191, %dma_start3A_192] : memref<1x112xi32, #tpu.memory_space<vmem>> -> memref<1x112xi32, #tpu.memory_space<vmem>>
        %dma_start3A_194 = tpu.memref_squeeze %dma_start3A_193 : memref<1x112xi32, #tpu.memory_space<vmem>> -> memref<112xi32, #tpu.memory_space<vmem>>
        %dma_start3A_195 = arith.constant 0 : i32
        %dma_start3A_196 = arith.constant 0 : i32
        %dma_start3A_197 = tpu.memref_slice %arg3[%dma_start3A_195, %dma_start3A_196] : memref<10112x16xf32, #tpu.memory_space<hbm>> -> memref<10112x16xf32, #tpu.memory_space<hbm>>
        tpu.enqueue_indirect_dma source(%dma_start3A_197 : memref<10112x16xf32, #tpu.memory_space<hbm>>) target(%arg22 : memref<112x16xf32, #tpu.memory_space<vmem>>) offsets(%dma_start3A_194 : memref<112xi32, #tpu.memory_space<vmem>>) semaphore(%arg25 : memref<!tpu.dma_semaphore, #tpu.memory_space<semaphore_mem>>)
      } else {
      }
      %scan3A_103 = arith.constant 0 : i32
      %scan3A_104 = arith.constant 0 : i32
      %scan3A_105 = arith.constant 7 : i32
      %scan3A_106 = arith.addi %scan3A_104, %scan3A_105 : i32
      %scan3A_107 = arith.constant 1 : i32
      scf.for %scan3A_179 = %scan3A_104 to %scan3A_106 step %scan3A_107  : i32 {
        %mul3A_180 = arith.constant 16 : i32
        %mul3A_181 = arith.muli %scan3A_179, %mul3A_180 : i32
        %broadcast_in_dim3A_182 = vector.broadcast %mul3A_181 : i32 to vector<16xi32>
        %add3A_183 = arith.addi %broadcast_in_dim3A_182, %iota3A : vector<16xi32>
        %gather3A = tpu.vector_load_idx %arg15[%add3A_183, %broadcast_in_dim3A_8] : memref<112x16xf32, #tpu.memory_space<vmem>>[vector<16xi32>, vector<16xi32>], vector<16xf32>,
        %gather3A_184 = tpu.vector_load_idx %arg16[%add3A_183, %broadcast_in_dim3A_16] : memref<112x16xf32, #tpu.memory_space<vmem>>[vector<16xi32>, vector<16xi32>], vector<16xf32>,
        %add3A_185 = arith.addf %gather3A, %gather3A_184 : vector<16xf32>
        %mul3A_186 = arith.constant 2.000000e-01 : f32
        %mul3A_187 = vector.broadcast %mul3A_186 : f32 to vector<16xf32>
        %mul3A_188 = arith.mulf %mul3A_187, %add3A_185 : vector<16xf32>
        %max3A = arith.maximumf %add3A_185, %mul3A_188 : vector<16xf32>
        %exp3A = math.exp %max3A : vector<16xf32>
        tpu.vector_store_idx %arg17[%add3A_183, %broadcast_in_dim3A_8], %exp3A : memref<112x16xf32, #tpu.memory_space<vmem>>[vector<16xi32>, vector<16xi32>], vector<16xf32>,
        %gather3A_189 = tpu.vector_load_idx %arg15[%add3A_183, %broadcast_in_dim3A_10] : memref<112x16xf32, #tpu.memory_space<vmem>>[vector<16xi32>, vector<16xi32>], vector<16xf32>,
        %gather3A_190 = tpu.vector_load_idx %arg16[%add3A_183, %broadcast_in_dim3A_18] : memref<112x16xf32, #tpu.memory_space<vmem>>[vector<16xi32>, vector<16xi32>], vector<16xf32>,
        %add3A_191 = arith.addf %gather3A_189, %gather3A_190 : vector<16xf32>
        %mul3A_192 = arith.constant 2.000000e-01 : f32
        %mul3A_193 = vector.broadcast %mul3A_192 : f32 to vector<16xf32>
        %mul3A_194 = arith.mulf %mul3A_193, %add3A_191 : vector<16xf32>
        %max3A_195 = arith.maximumf %add3A_191, %mul3A_194 : vector<16xf32>
        %exp3A_196 = math.exp %max3A_195 : vector<16xf32>
        tpu.vector_store_idx %arg17[%add3A_183, %broadcast_in_dim3A_10], %exp3A_196 : memref<112x16xf32, #tpu.memory_space<vmem>>[vector<16xi32>, vector<16xi32>], vector<16xf32>,
        %gather3A_197 = tpu.vector_load_idx %arg15[%add3A_183, %broadcast_in_dim3A_12] : memref<112x16xf32, #tpu.memory_space<vmem>>[vector<16xi32>, vector<16xi32>], vector<16xf32>,
        %gather3A_198 = tpu.vector_load_idx %arg16[%add3A_183, %broadcast_in_dim3A_20] : memref<112x16xf32, #tpu.memory_space<vmem>>[vector<16xi32>, vector<16xi32>], vector<16xf32>,
        %add3A_199 = arith.addf %gather3A_197, %gather3A_198 : vector<16xf32>
        %mul3A_200 = arith.constant 2.000000e-01 : f32
        %mul3A_201 = vector.broadcast %mul3A_200 : f32 to vector<16xf32>
        %mul3A_202 = arith.mulf %mul3A_201, %add3A_199 : vector<16xf32>
        %max3A_203 = arith.maximumf %add3A_199, %mul3A_202 : vector<16xf32>
        %exp3A_204 = math.exp %max3A_203 : vector<16xf32>
        tpu.vector_store_idx %arg17[%add3A_183, %broadcast_in_dim3A_12], %exp3A_204 : memref<112x16xf32, #tpu.memory_space<vmem>>[vector<16xi32>, vector<16xi32>], vector<16xf32>,
        %gather3A_205 = tpu.vector_load_idx %arg15[%add3A_183, %broadcast_in_dim3A_14] : memref<112x16xf32, #tpu.memory_space<vmem>>[vector<16xi32>, vector<16xi32>], vector<16xf32>,
        %gather3A_206 = tpu.vector_load_idx %arg16[%add3A_183, %broadcast_in_dim3A_22] : memref<112x16xf32, #tpu.memory_space<vmem>>[vector<16xi32>, vector<16xi32>], vector<16xf32>,
        %add3A_207 = arith.addf %gather3A_205, %gather3A_206 : vector<16xf32>
        %mul3A_208 = arith.constant 2.000000e-01 : f32
        %mul3A_209 = vector.broadcast %mul3A_208 : f32 to vector<16xf32>
        %mul3A_210 = arith.mulf %mul3A_209, %add3A_207 : vector<16xf32>
        %max3A_211 = arith.maximumf %add3A_207, %mul3A_210 : vector<16xf32>
        %exp3A_212 = math.exp %max3A_211 : vector<16xf32>
        tpu.vector_store_idx %arg17[%add3A_183, %broadcast_in_dim3A_14], %exp3A_212 : memref<112x16xf32, #tpu.memory_space<vmem>>[vector<16xi32>, vector<16xi32>], vector<16xf32>,
      }
      %scan3A_108 = arith.constant 7 : i32
      %scan3A_109 = arith.constant 0 : i32
      %scan3A_110 = arith.constant 0 : i32
      %scan3A_111 = arith.constant 112 : i32
      %scan3A_112 = arith.addi %scan3A_110, %scan3A_111 : i32
      %scan3A_113 = arith.constant 1 : i32
      scf.for %scan3A_179 = %scan3A_110 to %scan3A_112 step %scan3A_113  : i32 {
        %broadcast_in_dim3A_180 = vector.broadcast %scan3A_179 : i32 to vector<16xi32>
        %gather3A = tpu.vector_load_idx %arg17[%broadcast_in_dim3A_180, %broadcast_in_dim3A_8] : memref<112x16xf32, #tpu.memory_space<vmem>>[vector<16xi32>, vector<16xi32>], vector<16xf32>,
        %gather3A_181 = tpu.vector_load_idx %arg17[%broadcast_in_dim3A_180, %broadcast_in_dim3A_10] : memref<112x16xf32, #tpu.memory_space<vmem>>[vector<16xi32>, vector<16xi32>], vector<16xf32>,
        %gather3A_182 = tpu.vector_load_idx %arg17[%broadcast_in_dim3A_180, %broadcast_in_dim3A_12] : memref<112x16xf32, #tpu.memory_space<vmem>>[vector<16xi32>, vector<16xi32>], vector<16xf32>,
        %gather3A_183 = tpu.vector_load_idx %arg17[%broadcast_in_dim3A_180, %broadcast_in_dim3A_14] : memref<112x16xf32, #tpu.memory_space<vmem>>[vector<16xi32>, vector<16xi32>], vector<16xf32>,
        %get3A = arith.index_cast %scan3A_179 : i32 to index
        %get3A_184 = arith.constant 0 : index
        %get3A_185 = tpu.vector_load %arg14[%get3A, %get3A_184] {strides = array<i32>} : memref<112x128xf32, #tpu.memory_space<vmem>>, vector<16xf32>,
        %mul3A_186 = arith.mulf %get3A_185, %gather3A : vector<16xf32>
        %swap3A = arith.index_cast %scan3A_179 : i32 to index
        %swap3A_187 = arith.constant 0 : index
        %swap3A_188 = tpu.vector_load %arg14[%swap3A, %swap3A_187] {strides = array<i32>} : memref<112x128xf32, #tpu.memory_space<vmem>>, vector<16xf32>,
        tpu.vector_store %arg14[%swap3A, %swap3A_187], %mul3A_186 {strides = array<i32>} : memref<112x128xf32, #tpu.memory_space<vmem>>, vector<16xf32>,
        %get3A_189 = arith.index_cast %scan3A_179 : i32 to index
        %get3A_190 = arith.constant 16 : index
        %get3A_191 = tpu.vector_load %arg14[%get3A_189, %get3A_190] {strides = array<i32>} : memref<112x128xf32, #tpu.memory_space<vmem>>, vector<16xf32>,
        %mul3A_192 = arith.mulf %get3A_191, %gather3A : vector<16xf32>
        %swap3A_193 = arith.index_cast %scan3A_179 : i32 to index
        %swap3A_194 = arith.constant 16 : index
        %swap3A_195 = tpu.vector_load %arg14[%swap3A_193, %swap3A_194] {strides = array<i32>} : memref<112x128xf32, #tpu.memory_space<vmem>>, vector<16xf32>,
        tpu.vector_store %arg14[%swap3A_193, %swap3A_194], %mul3A_192 {strides = array<i32>} : memref<112x128xf32, #tpu.memory_space<vmem>>, vector<16xf32>,
        %get3A_196 = arith.index_cast %scan3A_179 : i32 to index
        %get3A_197 = arith.constant 32 : index
        %get3A_198 = tpu.vector_load %arg14[%get3A_196, %get3A_197] {strides = array<i32>} : memref<112x128xf32, #tpu.memory_space<vmem>>, vector<16xf32>,
        %mul3A_199 = arith.mulf %get3A_198, %gather3A_181 : vector<16xf32>
        %swap3A_200 = arith.index_cast %scan3A_179 : i32 to index
        %swap3A_201 = arith.constant 32 : index
        %swap3A_202 = tpu.vector_load %arg14[%swap3A_200, %swap3A_201] {strides = array<i32>} : memref<112x128xf32, #tpu.memory_space<vmem>>, vector<16xf32>,
        tpu.vector_store %arg14[%swap3A_200, %swap3A_201], %mul3A_199 {strides = array<i32>} : memref<112x128xf32, #tpu.memory_space<vmem>>, vector<16xf32>,
        %get3A_203 = arith.index_cast %scan3A_179 : i32 to index
        %get3A_204 = arith.constant 48 : index
        %get3A_205 = tpu.vector_load %arg14[%get3A_203, %get3A_204] {strides = array<i32>} : memref<112x128xf32, #tpu.memory_space<vmem>>, vector<16xf32>,
        %mul3A_206 = arith.mulf %get3A_205, %gather3A_181 : vector<16xf32>
        %swap3A_207 = arith.index_cast %scan3A_179 : i32 to index
        %swap3A_208 = arith.constant 48 : index
        %swap3A_209 = tpu.vector_load %arg14[%swap3A_207, %swap3A_208] {strides = array<i32>} : memref<112x128xf32, #tpu.memory_space<vmem>>, vector<16xf32>,
        tpu.vector_store %arg14[%swap3A_207, %swap3A_208], %mul3A_206 {strides = array<i32>} : memref<112x128xf32, #tpu.memory_space<vmem>>, vector<16xf32>,
        %get3A_210 = arith.index_cast %scan3A_179 : i32 to index
        %get3A_211 = arith.constant 64 : index
        %get3A_212 = tpu.vector_load %arg14[%get3A_210, %get3A_211] {strides = array<i32>} : memref<112x128xf32, #tpu.memory_space<vmem>>, vector<16xf32>,
        %mul3A_213 = arith.mulf %get3A_212, %gather3A_182 : vector<16xf32>
        %swap3A_214 = arith.index_cast %scan3A_179 : i32 to index
        %swap3A_215 = arith.constant 64 : index
        %swap3A_216 = tpu.vector_load %arg14[%swap3A_214, %swap3A_215] {strides = array<i32>} : memref<112x128xf32, #tpu.memory_space<vmem>>, vector<16xf32>,
        tpu.vector_store %arg14[%swap3A_214, %swap3A_215], %mul3A_213 {strides = array<i32>} : memref<112x128xf32, #tpu.memory_space<vmem>>, vector<16xf32>,
        %get3A_217 = arith.index_cast %scan3A_179 : i32 to index
        %get3A_218 = arith.constant 80 : index
        %get3A_219 = tpu.vector_load %arg14[%get3A_217, %get3A_218] {strides = array<i32>} : memref<112x128xf32, #tpu.memory_space<vmem>>, vector<16xf32>,
        %mul3A_220 = arith.mulf %get3A_219, %gather3A_182 : vector<16xf32>
        %swap3A_221 = arith.index_cast %scan3A_179 : i32 to index
        %swap3A_222 = arith.constant 80 : index
        %swap3A_223 = tpu.vector_load %arg14[%swap3A_221, %swap3A_222] {strides = array<i32>} : memref<112x128xf32, #tpu.memory_space<vmem>>, vector<16xf32>,
        tpu.vector_store %arg14[%swap3A_221, %swap3A_222], %mul3A_220 {strides = array<i32>} : memref<112x128xf32, #tpu.memory_space<vmem>>, vector<16xf32>,
        %get3A_224 = arith.index_cast %scan3A_179 : i32 to index
        %get3A_225 = arith.constant 96 : index
        %get3A_226 = tpu.vector_load %arg14[%get3A_224, %get3A_225] {strides = array<i32>} : memref<112x128xf32, #tpu.memory_space<vmem>>, vector<16xf32>,
        %mul3A_227 = arith.mulf %get3A_226, %gather3A_183 : vector<16xf32>
        %swap3A_228 = arith.index_cast %scan3A_179 : i32 to index
        %swap3A_229 = arith.constant 96 : index
        %swap3A_230 = tpu.vector_load %arg14[%swap3A_228, %swap3A_229] {strides = array<i32>} : memref<112x128xf32, #tpu.memory_space<vmem>>, vector<16xf32>,
        tpu.vector_store %arg14[%swap3A_228, %swap3A_229], %mul3A_227 {strides = array<i32>} : memref<112x128xf32, #tpu.memory_space<vmem>>, vector<16xf32>,
        %get3A_231 = arith.index_cast %scan3A_179 : i32 to index
        %get3A_232 = arith.constant 112 : index
        %get3A_233 = tpu.vector_load %arg14[%get3A_231, %get3A_232] {strides = array<i32>} : memref<112x128xf32, #tpu.memory_space<vmem>>, vector<16xf32>,
        %mul3A_234 = arith.mulf %get3A_233, %gather3A_183 : vector<16xf32>
        %swap3A_235 = arith.index_cast %scan3A_179 : i32 to index
        %swap3A_236 = arith.constant 112 : index
        %swap3A_237 = tpu.vector_load %arg14[%swap3A_235, %swap3A_236] {strides = array<i32>} : memref<112x128xf32, #tpu.memory_space<vmem>>, vector<16xf32>,
        tpu.vector_store %arg14[%swap3A_235, %swap3A_236], %mul3A_234 {strides = array<i32>} : memref<112x128xf32, #tpu.memory_space<vmem>>, vector<16xf32>,
      }
      %scan3A_114 = arith.constant 112 : i32
      %dma_start3A_115 = arith.constant 0 : i32
      %dma_start3A_116 = arith.constant 0 : i32
      %dma_start3A_117 = tpu.memref_slice %arg13[%dma_start3A_115, %dma_start3A_116] : memref<1x112xi32, #tpu.memory_space<vmem>> -> memref<1x112xi32, #tpu.memory_space<vmem>>
      %dma_start3A_118 = tpu.memref_squeeze %dma_start3A_117 : memref<1x112xi32, #tpu.memory_space<vmem>> -> memref<112xi32, #tpu.memory_space<vmem>>
      %dma_start3A_119 = arith.constant 0 : i32
      %dma_start3A_120 = arith.constant 0 : i32
      %dma_start3A_121 = tpu.memref_slice %arg10[%dma_start3A_119, %dma_start3A_120] : memref<10112x128xf32, #tpu.memory_space<vmem_shared>> -> memref<10112x128xf32, #tpu.memory_space<vmem_shared>>
      tpu.enqueue_indirect_dma source(%arg14 : memref<112x128xf32, #tpu.memory_space<vmem>>) target(%dma_start3A_121 : memref<10112x128xf32, #tpu.memory_space<vmem_shared>>) offsets(%dma_start3A_118 : memref<112xi32, #tpu.memory_space<vmem>>) semaphore(%arg26 : memref<!tpu.dma_semaphore, #tpu.memory_space<semaphore_mem>>) {add = true}
      %dma_start3A_122 = arith.constant 0 : i32
      %dma_start3A_123 = arith.constant 0 : i32
      %dma_start3A_124 = tpu.memref_slice %arg13[%dma_start3A_122, %dma_start3A_123] : memref<1x112xi32, #tpu.memory_space<vmem>> -> memref<1x112xi32, #tpu.memory_space<vmem>>
      %dma_start3A_125 = tpu.memref_squeeze %dma_start3A_124 : memref<1x112xi32, #tpu.memory_space<vmem>> -> memref<112xi32, #tpu.memory_space<vmem>>
      %dma_start3A_126 = arith.constant 0 : i32
      %dma_start3A_127 = arith.constant 0 : i32
      %dma_start3A_128 = tpu.memref_slice %arg11[%dma_start3A_126, %dma_start3A_127] : memref<10112x16xf32, #tpu.memory_space<vmem_shared>> -> memref<10112x16xf32, #tpu.memory_space<vmem_shared>>
      tpu.enqueue_indirect_dma source(%arg17 : memref<112x16xf32, #tpu.memory_space<vmem>>) target(%dma_start3A_128 : memref<10112x16xf32, #tpu.memory_space<vmem_shared>>) offsets(%dma_start3A_125 : memref<112xi32, #tpu.memory_space<vmem>>) semaphore(%arg26 : memref<!tpu.dma_semaphore, #tpu.memory_space<semaphore_mem>>) {add = true}
      %mul3A_129 = arith.constant 2 : i32
      %mul3A_130 = arith.muli %mul3A_129, %scan3A_83 : i32
      %add3A_131 = arith.constant 1 : i32
      %add3A_132 = arith.addi %mul3A_130, %add3A_131 : i32
      %dma_wait3A_133 = arith.constant 0 : i32
      %dma_wait3A_134 = arith.constant 0 : i32
      %dma_wait3A_135 = tpu.memref_slice %arg2[%dma_wait3A_133, %dma_wait3A_134] : memref<10112x128xf32, #tpu.memory_space<hbm>> -> memref<10112x128xf32, #tpu.memory_space<hbm>>
      tpu.wait_indirect_dma semaphore(%arg25 : memref<!tpu.dma_semaphore, #tpu.memory_space<semaphore_mem>>) src(%dma_wait3A_135 : memref<10112x128xf32, #tpu.memory_space<hbm>>) dst(%arg20 : memref<112x128xf32, #tpu.memory_space<vmem>>)
      %dma_wait3A_136 = arith.constant 0 : i32
      %dma_wait3A_137 = arith.constant 0 : i32
      %dma_wait3A_138 = tpu.memref_slice %arg3[%dma_wait3A_136, %dma_wait3A_137] : memref<10112x16xf32, #tpu.memory_space<hbm>> -> memref<10112x16xf32, #tpu.memory_space<hbm>>
      tpu.wait_indirect_dma semaphore(%arg25 : memref<!tpu.dma_semaphore, #tpu.memory_space<semaphore_mem>>) src(%dma_wait3A_138 : memref<10112x16xf32, #tpu.memory_space<hbm>>) dst(%arg21 : memref<112x16xf32, #tpu.memory_space<vmem>>)
      %dma_wait3A_139 = arith.constant 0 : i32
      %dma_wait3A_140 = arith.constant 0 : i32
      %dma_wait3A_141 = tpu.memref_slice %arg19[%dma_wait3A_139, %dma_wait3A_140] : memref<1x112xi32, #tpu.memory_space<vmem>> -> memref<1x112xi32, #tpu.memory_space<vmem>>
      %dma_wait3A_142 = tpu.memref_squeeze %dma_wait3A_141 : memref<1x112xi32, #tpu.memory_space<vmem>> -> memref<112xi32, #tpu.memory_space<vmem>>
      %dma_wait3A_143 = arith.constant 0 : i32
      %dma_wait3A_144 = arith.constant 0 : i32
      %dma_wait3A_145 = tpu.memref_slice %arg3[%dma_wait3A_143, %dma_wait3A_144] : memref<10112x16xf32, #tpu.memory_space<hbm>> -> memref<10112x16xf32, #tpu.memory_space<hbm>>
      tpu.wait_indirect_dma semaphore(%arg25 : memref<!tpu.dma_semaphore, #tpu.memory_space<semaphore_mem>>) src(%dma_wait3A_145 : memref<10112x16xf32, #tpu.memory_space<hbm>>) dst(%arg22 : memref<112x16xf32, #tpu.memory_space<vmem>>)
      %add3A_146 = arith.constant 1 : i32
      %add3A_147 = arith.addi %add3A_132, %add3A_146 : i32
      %lt3A_148 = arith.constant 90 : i32
      %lt3A_149 = arith.cmpi slt, %add3A_147, %lt3A_148 : i32
      %convert_element_type3A_150 = arith.extui %lt3A_149 : i1 to i32
      %cond3A_151 = arith.constant 0 : i32
      %cond3A_152 = arith.cmpi ne, %convert_element_type3A_150, %cond3A_151 : i32
      scf.if %cond3A_152 {
        %ge3A = arith.constant 1 : i32
        %ge3A_179 = arith.cmpi sge, %add3A_132, %ge3A : i32
        %convert_element_type3A_180 = arith.extui %ge3A_179 : i1 to i32
        %cond3A_181 = arith.constant 0 : i32
        %cond3A_182 = arith.cmpi ne, %convert_element_type3A_180, %cond3A_181 : i32
        scf.if %cond3A_182 {
          %dma_wait3A_198 = arith.constant 0 : i32
          %dma_wait3A_199 = arith.constant 0 : i32
          %dma_wait3A_200 = tpu.memref_slice %arg13[%dma_wait3A_198, %dma_wait3A_199] : memref<1x112xi32, #tpu.memory_space<vmem>> -> memref<1x112xi32, #tpu.memory_space<vmem>>
          %dma_wait3A_201 = tpu.memref_squeeze %dma_wait3A_200 : memref<1x112xi32, #tpu.memory_space<vmem>> -> memref<112xi32, #tpu.memory_space<vmem>>
          %dma_wait3A_202 = arith.constant 0 : i32
          %dma_wait3A_203 = arith.constant 0 : i32
          %dma_wait3A_204 = tpu.memref_slice %arg10[%dma_wait3A_202, %dma_wait3A_203] : memref<10112x128xf32, #tpu.memory_space<vmem_shared>> -> memref<10112x128xf32, #tpu.memory_space<vmem_shared>>
          tpu.wait_indirect_dma semaphore(%arg26 : memref<!tpu.dma_semaphore, #tpu.memory_space<semaphore_mem>>) src(%arg14 : memref<112x128xf32, #tpu.memory_space<vmem>>) dst(%dma_wait3A_204 : memref<10112x128xf32, #tpu.memory_space<vmem_shared>>)
          %dma_wait3A_205 = arith.constant 0 : i32
          %dma_wait3A_206 = arith.constant 0 : i32
          %dma_wait3A_207 = tpu.memref_slice %arg13[%dma_wait3A_205, %dma_wait3A_206] : memref<1x112xi32, #tpu.memory_space<vmem>> -> memref<1x112xi32, #tpu.memory_space<vmem>>
          %dma_wait3A_208 = tpu.memref_squeeze %dma_wait3A_207 : memref<1x112xi32, #tpu.memory_space<vmem>> -> memref<112xi32, #tpu.memory_space<vmem>>
          %dma_wait3A_209 = arith.constant 0 : i32
          %dma_wait3A_210 = arith.constant 0 : i32
          %dma_wait3A_211 = tpu.memref_slice %arg11[%dma_wait3A_209, %dma_wait3A_210] : memref<10112x16xf32, #tpu.memory_space<vmem_shared>> -> memref<10112x16xf32, #tpu.memory_space<vmem_shared>>
          tpu.wait_indirect_dma semaphore(%arg26 : memref<!tpu.dma_semaphore, #tpu.memory_space<semaphore_mem>>) src(%arg17 : memref<112x16xf32, #tpu.memory_space<vmem>>) dst(%dma_wait3A_211 : memref<10112x16xf32, #tpu.memory_space<vmem_shared>>)
        } else {
        }
        %add3A_183 = arith.constant 1 : i32
        %add3A_184 = arith.addi %add3A_132, %add3A_183 : i32
        "tpu.region"() ({
          %run_scoped3A_198 = tpu.sem_alloc : memref<!tpu.dma_semaphore, #tpu.memory_space<semaphore_mem>>
          %dma_start3A_199 = arith.constant 0 : i32
          %dma_start3A_200 = tpu.memref_slice %arg4[%add3A, %add3A_184, %dma_start3A_199] : memref<32x90x112xi32, #tpu.memory_space<hbm>> -> memref<1x1x112xi32, #tpu.memory_space<hbm>>
          %dma_start3A_201 = tpu.memref_squeeze %dma_start3A_200 : memref<1x1x112xi32, #tpu.memory_space<hbm>> -> memref<112xi32, #tpu.memory_space<hbm>>
          %dma_start3A_202 = arith.constant 0 : i32
          %dma_start3A_203 = tpu.memref_slice %arg4[%add3A, %add3A_184, %dma_start3A_202] : memref<32x90x112xi32, #tpu.memory_space<hbm>> -> memref<1x1x112xi32, #tpu.memory_space<hbm>>
          %dma_start3A_204 = tpu.memref_squeeze %dma_start3A_203 : memref<1x1x112xi32, #tpu.memory_space<hbm>> -> memref<112xi32, #tpu.memory_space<hbm>>
          tpu.enqueue_dma source(%dma_start3A_204 : memref<112xi32, #tpu.memory_space<hbm>>) target(%arg12 : memref<112xi32, #tpu.memory_space<vmem>>) target_semaphore(%run_scoped3A_198 : memref<!tpu.dma_semaphore, #tpu.memory_space<semaphore_mem>>)
          %dma_wait3A_205 = arith.constant 0 : i32
          %dma_wait3A_206 = tpu.memref_slice %arg4[%add3A, %add3A_184, %dma_wait3A_205] : memref<32x90x112xi32, #tpu.memory_space<hbm>> -> memref<1x1x112xi32, #tpu.memory_space<hbm>>
          %dma_wait3A_207 = tpu.memref_squeeze %dma_wait3A_206 : memref<1x1x112xi32, #tpu.memory_space<hbm>> -> memref<112xi32, #tpu.memory_space<hbm>>
          %dma_wait3A_208 = arith.constant 0 : i32
          %dma_wait3A_209 = tpu.memref_slice %arg4[%add3A, %add3A_184, %dma_wait3A_208] : memref<32x90x112xi32, #tpu.memory_space<hbm>> -> memref<1x1x112xi32, #tpu.memory_space<hbm>>
          %dma_wait3A_210 = tpu.memref_squeeze %dma_wait3A_209 : memref<1x1x112xi32, #tpu.memory_space<hbm>> -> memref<112xi32, #tpu.memory_space<hbm>>
          tpu.wait_dma2 semaphore(%run_scoped3A_198 : memref<!tpu.dma_semaphore, #tpu.memory_space<semaphore_mem>>) src(%dma_wait3A_210 : memref<112xi32, #tpu.memory_space<hbm>>) dst(%arg12 : memref<112xi32, #tpu.memory_space<vmem>>)
          tpu.yield
        }) : () -> ()
        "tpu.region"() ({
          %run_scoped3A_198 = tpu.sem_alloc : memref<!tpu.dma_semaphore, #tpu.memory_space<semaphore_mem>>
          %dma_start3A_199 = arith.constant 0 : i32
          %dma_start3A_200 = tpu.memref_slice %arg5[%add3A, %add3A_184, %dma_start3A_199] : memref<32x90x112xi32, #tpu.memory_space<hbm>> -> memref<1x1x112xi32, #tpu.memory_space<hbm>>
          %dma_start3A_201 = tpu.memref_squeeze %dma_start3A_200 : memref<1x1x112xi32, #tpu.memory_space<hbm>> -> memref<1x112xi32, #tpu.memory_space<hbm>>
          %dma_start3A_202 = arith.constant 0 : i32
          %dma_start3A_203 = tpu.memref_slice %arg5[%add3A, %add3A_184, %dma_start3A_202] : memref<32x90x112xi32, #tpu.memory_space<hbm>> -> memref<1x1x112xi32, #tpu.memory_space<hbm>>
          %dma_start3A_204 = tpu.memref_squeeze %dma_start3A_203 : memref<1x1x112xi32, #tpu.memory_space<hbm>> -> memref<1x112xi32, #tpu.memory_space<hbm>>
          tpu.enqueue_dma source(%dma_start3A_204 : memref<1x112xi32, #tpu.memory_space<hbm>>) target(%arg13 : memref<1x112xi32, #tpu.memory_space<vmem>>) target_semaphore(%run_scoped3A_198 : memref<!tpu.dma_semaphore, #tpu.memory_space<semaphore_mem>>)
          %dma_wait3A_205 = arith.constant 0 : i32
          %dma_wait3A_206 = tpu.memref_slice %arg5[%add3A, %add3A_184, %dma_wait3A_205] : memref<32x90x112xi32, #tpu.memory_space<hbm>> -> memref<1x1x112xi32, #tpu.memory_space<hbm>>
          %dma_wait3A_207 = tpu.memref_squeeze %dma_wait3A_206 : memref<1x1x112xi32, #tpu.memory_space<hbm>> -> memref<1x112xi32, #tpu.memory_space<hbm>>
          %dma_wait3A_208 = arith.constant 0 : i32
          %dma_wait3A_209 = tpu.memref_slice %arg5[%add3A, %add3A_184, %dma_wait3A_208] : memref<32x90x112xi32, #tpu.memory_space<hbm>> -> memref<1x1x112xi32, #tpu.memory_space<hbm>>
          %dma_wait3A_210 = tpu.memref_squeeze %dma_wait3A_209 : memref<1x1x112xi32, #tpu.memory_space<hbm>> -> memref<1x112xi32, #tpu.memory_space<hbm>>
          tpu.wait_dma2 semaphore(%run_scoped3A_198 : memref<!tpu.dma_semaphore, #tpu.memory_space<semaphore_mem>>) src(%dma_wait3A_210 : memref<1x112xi32, #tpu.memory_space<hbm>>) dst(%arg13 : memref<1x112xi32, #tpu.memory_space<vmem>>)
          tpu.yield
        }) : () -> ()
        %dma_start3A_185 = arith.constant 0 : i32
        %dma_start3A_186 = arith.constant 0 : i32
        %dma_start3A_187 = tpu.memref_slice %arg2[%dma_start3A_185, %dma_start3A_186] : memref<10112x128xf32, #tpu.memory_space<hbm>> -> memref<10112x128xf32, #tpu.memory_space<hbm>>
        tpu.enqueue_indirect_dma source(%dma_start3A_187 : memref<10112x128xf32, #tpu.memory_space<hbm>>) target(%arg14 : memref<112x128xf32, #tpu.memory_space<vmem>>) offsets(%arg12 : memref<112xi32, #tpu.memory_space<vmem>>) semaphore(%arg24 : memref<!tpu.dma_semaphore, #tpu.memory_space<semaphore_mem>>)
        %dma_start3A_188 = arith.constant 0 : i32
        %dma_start3A_189 = arith.constant 0 : i32
        %dma_start3A_190 = tpu.memref_slice %arg3[%dma_start3A_188, %dma_start3A_189] : memref<10112x16xf32, #tpu.memory_space<hbm>> -> memref<10112x16xf32, #tpu.memory_space<hbm>>
        tpu.enqueue_indirect_dma source(%dma_start3A_190 : memref<10112x16xf32, #tpu.memory_space<hbm>>) target(%arg15 : memref<112x16xf32, #tpu.memory_space<vmem>>) offsets(%arg12 : memref<112xi32, #tpu.memory_space<vmem>>) semaphore(%arg24 : memref<!tpu.dma_semaphore, #tpu.memory_space<semaphore_mem>>)
        %dma_start3A_191 = arith.constant 0 : i32
        %dma_start3A_192 = arith.constant 0 : i32
        %dma_start3A_193 = tpu.memref_slice %arg13[%dma_start3A_191, %dma_start3A_192] : memref<1x112xi32, #tpu.memory_space<vmem>> -> memref<1x112xi32, #tpu.memory_space<vmem>>
        %dma_start3A_194 = tpu.memref_squeeze %dma_start3A_193 : memref<1x112xi32, #tpu.memory_space<vmem>> -> memref<112xi32, #tpu.memory_space<vmem>>
        %dma_start3A_195 = arith.constant 0 : i32
        %dma_start3A_196 = arith.constant 0 : i32
        %dma_start3A_197 = tpu.memref_slice %arg3[%dma_start3A_195, %dma_start3A_196] : memref<10112x16xf32, #tpu.memory_space<hbm>> -> memref<10112x16xf32, #tpu.memory_space<hbm>>
        tpu.enqueue_indirect_dma source(%dma_start3A_197 : memref<10112x16xf32, #tpu.memory_space<hbm>>) target(%arg16 : memref<112x16xf32, #tpu.memory_space<vmem>>) offsets(%dma_start3A_194 : memref<112xi32, #tpu.memory_space<vmem>>) semaphore(%arg24 : memref<!tpu.dma_semaphore, #tpu.memory_space<semaphore_mem>>)
      } else {
      }
      %scan3A_153 = arith.constant 0 : i32
      %scan3A_154 = arith.constant 0 : i32
      %scan3A_155 = arith.constant 7 : i32
      %scan3A_156 = arith.addi %scan3A_154, %scan3A_155 : i32
      %scan3A_157 = arith.constant 1 : i32
      scf.for %scan3A_179 = %scan3A_154 to %scan3A_156 step %scan3A_157  : i32 {
        %mul3A_180 = arith.constant 16 : i32
        %mul3A_181 = arith.muli %scan3A_179, %mul3A_180 : i32
        %broadcast_in_dim3A_182 = vector.broadcast %mul3A_181 : i32 to vector<16xi32>
        %add3A_183 = arith.addi %broadcast_in_dim3A_182, %iota3A : vector<16xi32>
        %gather3A = tpu.vector_load_idx %arg21[%add3A_183, %broadcast_in_dim3A_8] : memref<112x16xf32, #tpu.memory_space<vmem>>[vector<16xi32>, vector<16xi32>], vector<16xf32>,
        %gather3A_184 = tpu.vector_load_idx %arg22[%add3A_183, %broadcast_in_dim3A_16] : memref<112x16xf32, #tpu.memory_space<vmem>>[vector<16xi32>, vector<16xi32>], vector<16xf32>,
        %add3A_185 = arith.addf %gather3A, %gather3A_184 : vector<16xf32>
        %mul3A_186 = arith.constant 2.000000e-01 : f32
        %mul3A_187 = vector.broadcast %mul3A_186 : f32 to vector<16xf32>
        %mul3A_188 = arith.mulf %mul3A_187, %add3A_185 : vector<16xf32>
        %max3A = arith.maximumf %add3A_185, %mul3A_188 : vector<16xf32>
        %exp3A = math.exp %max3A : vector<16xf32>
        tpu.vector_store_idx %arg23[%add3A_183, %broadcast_in_dim3A_8], %exp3A : memref<112x16xf32, #tpu.memory_space<vmem>>[vector<16xi32>, vector<16xi32>], vector<16xf32>,
        %gather3A_189 = tpu.vector_load_idx %arg21[%add3A_183, %broadcast_in_dim3A_10] : memref<112x16xf32, #tpu.memory_space<vmem>>[vector<16xi32>, vector<16xi32>], vector<16xf32>,
        %gather3A_190 = tpu.vector_load_idx %arg22[%add3A_183, %broadcast_in_dim3A_18] : memref<112x16xf32, #tpu.memory_space<vmem>>[vector<16xi32>, vector<16xi32>], vector<16xf32>,
        %add3A_191 = arith.addf %gather3A_189, %gather3A_190 : vector<16xf32>
        %mul3A_192 = arith.constant 2.000000e-01 : f32
        %mul3A_193 = vector.broadcast %mul3A_192 : f32 to vector<16xf32>
        %mul3A_194 = arith.mulf %mul3A_193, %add3A_191 : vector<16xf32>
        %max3A_195 = arith.maximumf %add3A_191, %mul3A_194 : vector<16xf32>
        %exp3A_196 = math.exp %max3A_195 : vector<16xf32>
        tpu.vector_store_idx %arg23[%add3A_183, %broadcast_in_dim3A_10], %exp3A_196 : memref<112x16xf32, #tpu.memory_space<vmem>>[vector<16xi32>, vector<16xi32>], vector<16xf32>,
        %gather3A_197 = tpu.vector_load_idx %arg21[%add3A_183, %broadcast_in_dim3A_12] : memref<112x16xf32, #tpu.memory_space<vmem>>[vector<16xi32>, vector<16xi32>], vector<16xf32>,
        %gather3A_198 = tpu.vector_load_idx %arg22[%add3A_183, %broadcast_in_dim3A_20] : memref<112x16xf32, #tpu.memory_space<vmem>>[vector<16xi32>, vector<16xi32>], vector<16xf32>,
        %add3A_199 = arith.addf %gather3A_197, %gather3A_198 : vector<16xf32>
        %mul3A_200 = arith.constant 2.000000e-01 : f32
        %mul3A_201 = vector.broadcast %mul3A_200 : f32 to vector<16xf32>
        %mul3A_202 = arith.mulf %mul3A_201, %add3A_199 : vector<16xf32>
        %max3A_203 = arith.maximumf %add3A_199, %mul3A_202 : vector<16xf32>
        %exp3A_204 = math.exp %max3A_203 : vector<16xf32>
        tpu.vector_store_idx %arg23[%add3A_183, %broadcast_in_dim3A_12], %exp3A_204 : memref<112x16xf32, #tpu.memory_space<vmem>>[vector<16xi32>, vector<16xi32>], vector<16xf32>,
        %gather3A_205 = tpu.vector_load_idx %arg21[%add3A_183, %broadcast_in_dim3A_14] : memref<112x16xf32, #tpu.memory_space<vmem>>[vector<16xi32>, vector<16xi32>], vector<16xf32>,
        %gather3A_206 = tpu.vector_load_idx %arg22[%add3A_183, %broadcast_in_dim3A_22] : memref<112x16xf32, #tpu.memory_space<vmem>>[vector<16xi32>, vector<16xi32>], vector<16xf32>,
        %add3A_207 = arith.addf %gather3A_205, %gather3A_206 : vector<16xf32>
        %mul3A_208 = arith.constant 2.000000e-01 : f32
        %mul3A_209 = vector.broadcast %mul3A_208 : f32 to vector<16xf32>
        %mul3A_210 = arith.mulf %mul3A_209, %add3A_207 : vector<16xf32>
        %max3A_211 = arith.maximumf %add3A_207, %mul3A_210 : vector<16xf32>
        %exp3A_212 = math.exp %max3A_211 : vector<16xf32>
        tpu.vector_store_idx %arg23[%add3A_183, %broadcast_in_dim3A_14], %exp3A_212 : memref<112x16xf32, #tpu.memory_space<vmem>>[vector<16xi32>, vector<16xi32>], vector<16xf32>,
      }
      %scan3A_158 = arith.constant 7 : i32
      %scan3A_159 = arith.constant 0 : i32
      %scan3A_160 = arith.constant 0 : i32
      %scan3A_161 = arith.constant 112 : i32
      %scan3A_162 = arith.addi %scan3A_160, %scan3A_161 : i32
      %scan3A_163 = arith.constant 1 : i32
      scf.for %scan3A_179 = %scan3A_160 to %scan3A_162 step %scan3A_163  : i32 {
        %broadcast_in_dim3A_180 = vector.broadcast %scan3A_179 : i32 to vector<16xi32>
        %gather3A = tpu.vector_load_idx %arg23[%broadcast_in_dim3A_180, %broadcast_in_dim3A_8] : memref<112x16xf32, #tpu.memory_space<vmem>>[vector<16xi32>, vector<16xi32>], vector<16xf32>,
        %gather3A_181 = tpu.vector_load_idx %arg23[%broadcast_in_dim3A_180, %broadcast_in_dim3A_10] : memref<112x16xf32, #tpu.memory_space<vmem>>[vector<16xi32>, vector<16xi32>], vector<16xf32>,
        %gather3A_182 = tpu.vector_load_idx %arg23[%broadcast_in_dim3A_180, %broadcast_in_dim3A_12] : memref<112x16xf32, #tpu.memory_space<vmem>>[vector<16xi32>, vector<16xi32>], vector<16xf32>,
        %gather3A_183 = tpu.vector_load_idx %arg23[%broadcast_in_dim3A_180, %broadcast_in_dim3A_14] : memref<112x16xf32, #tpu.memory_space<vmem>>[vector<16xi32>, vector<16xi32>], vector<16xf32>,
        %get3A = arith.index_cast %scan3A_179 : i32 to index
        %get3A_184 = arith.constant 0 : index
        %get3A_185 = tpu.vector_load %arg20[%get3A, %get3A_184] {strides = array<i32>} : memref<112x128xf32, #tpu.memory_space<vmem>>, vector<16xf32>,
        %mul3A_186 = arith.mulf %get3A_185, %gather3A : vector<16xf32>
        %swap3A = arith.index_cast %scan3A_179 : i32 to index
        %swap3A_187 = arith.constant 0 : index
        %swap3A_188 = tpu.vector_load %arg20[%swap3A, %swap3A_187] {strides = array<i32>} : memref<112x128xf32, #tpu.memory_space<vmem>>, vector<16xf32>,
        tpu.vector_store %arg20[%swap3A, %swap3A_187], %mul3A_186 {strides = array<i32>} : memref<112x128xf32, #tpu.memory_space<vmem>>, vector<16xf32>,
        %get3A_189 = arith.index_cast %scan3A_179 : i32 to index
        %get3A_190 = arith.constant 16 : index
        %get3A_191 = tpu.vector_load %arg20[%get3A_189, %get3A_190] {strides = array<i32>} : memref<112x128xf32, #tpu.memory_space<vmem>>, vector<16xf32>,
        %mul3A_192 = arith.mulf %get3A_191, %gather3A : vector<16xf32>
        %swap3A_193 = arith.index_cast %scan3A_179 : i32 to index
        %swap3A_194 = arith.constant 16 : index
        %swap3A_195 = tpu.vector_load %arg20[%swap3A_193, %swap3A_194] {strides = array<i32>} : memref<112x128xf32, #tpu.memory_space<vmem>>, vector<16xf32>,
        tpu.vector_store %arg20[%swap3A_193, %swap3A_194], %mul3A_192 {strides = array<i32>} : memref<112x128xf32, #tpu.memory_space<vmem>>, vector<16xf32>,
        %get3A_196 = arith.index_cast %scan3A_179 : i32 to index
        %get3A_197 = arith.constant 32 : index
        %get3A_198 = tpu.vector_load %arg20[%get3A_196, %get3A_197] {strides = array<i32>} : memref<112x128xf32, #tpu.memory_space<vmem>>, vector<16xf32>,
        %mul3A_199 = arith.mulf %get3A_198, %gather3A_181 : vector<16xf32>
        %swap3A_200 = arith.index_cast %scan3A_179 : i32 to index
        %swap3A_201 = arith.constant 32 : index
        %swap3A_202 = tpu.vector_load %arg20[%swap3A_200, %swap3A_201] {strides = array<i32>} : memref<112x128xf32, #tpu.memory_space<vmem>>, vector<16xf32>,
        tpu.vector_store %arg20[%swap3A_200, %swap3A_201], %mul3A_199 {strides = array<i32>} : memref<112x128xf32, #tpu.memory_space<vmem>>, vector<16xf32>,
        %get3A_203 = arith.index_cast %scan3A_179 : i32 to index
        %get3A_204 = arith.constant 48 : index
        %get3A_205 = tpu.vector_load %arg20[%get3A_203, %get3A_204] {strides = array<i32>} : memref<112x128xf32, #tpu.memory_space<vmem>>, vector<16xf32>,
        %mul3A_206 = arith.mulf %get3A_205, %gather3A_181 : vector<16xf32>
        %swap3A_207 = arith.index_cast %scan3A_179 : i32 to index
        %swap3A_208 = arith.constant 48 : index
        %swap3A_209 = tpu.vector_load %arg20[%swap3A_207, %swap3A_208] {strides = array<i32>} : memref<112x128xf32, #tpu.memory_space<vmem>>, vector<16xf32>,
        tpu.vector_store %arg20[%swap3A_207, %swap3A_208], %mul3A_206 {strides = array<i32>} : memref<112x128xf32, #tpu.memory_space<vmem>>, vector<16xf32>,
        %get3A_210 = arith.index_cast %scan3A_179 : i32 to index
        %get3A_211 = arith.constant 64 : index
        %get3A_212 = tpu.vector_load %arg20[%get3A_210, %get3A_211] {strides = array<i32>} : memref<112x128xf32, #tpu.memory_space<vmem>>, vector<16xf32>,
        %mul3A_213 = arith.mulf %get3A_212, %gather3A_182 : vector<16xf32>
        %swap3A_214 = arith.index_cast %scan3A_179 : i32 to index
        %swap3A_215 = arith.constant 64 : index
        %swap3A_216 = tpu.vector_load %arg20[%swap3A_214, %swap3A_215] {strides = array<i32>} : memref<112x128xf32, #tpu.memory_space<vmem>>, vector<16xf32>,
        tpu.vector_store %arg20[%swap3A_214, %swap3A_215], %mul3A_213 {strides = array<i32>} : memref<112x128xf32, #tpu.memory_space<vmem>>, vector<16xf32>,
        %get3A_217 = arith.index_cast %scan3A_179 : i32 to index
        %get3A_218 = arith.constant 80 : index
        %get3A_219 = tpu.vector_load %arg20[%get3A_217, %get3A_218] {strides = array<i32>} : memref<112x128xf32, #tpu.memory_space<vmem>>, vector<16xf32>,
        %mul3A_220 = arith.mulf %get3A_219, %gather3A_182 : vector<16xf32>
        %swap3A_221 = arith.index_cast %scan3A_179 : i32 to index
        %swap3A_222 = arith.constant 80 : index
        %swap3A_223 = tpu.vector_load %arg20[%swap3A_221, %swap3A_222] {strides = array<i32>} : memref<112x128xf32, #tpu.memory_space<vmem>>, vector<16xf32>,
        tpu.vector_store %arg20[%swap3A_221, %swap3A_222], %mul3A_220 {strides = array<i32>} : memref<112x128xf32, #tpu.memory_space<vmem>>, vector<16xf32>,
        %get3A_224 = arith.index_cast %scan3A_179 : i32 to index
        %get3A_225 = arith.constant 96 : index
        %get3A_226 = tpu.vector_load %arg20[%get3A_224, %get3A_225] {strides = array<i32>} : memref<112x128xf32, #tpu.memory_space<vmem>>, vector<16xf32>,
        %mul3A_227 = arith.mulf %get3A_226, %gather3A_183 : vector<16xf32>
        %swap3A_228 = arith.index_cast %scan3A_179 : i32 to index
        %swap3A_229 = arith.constant 96 : index
        %swap3A_230 = tpu.vector_load %arg20[%swap3A_228, %swap3A_229] {strides = array<i32>} : memref<112x128xf32, #tpu.memory_space<vmem>>, vector<16xf32>,
        tpu.vector_store %arg20[%swap3A_228, %swap3A_229], %mul3A_227 {strides = array<i32>} : memref<112x128xf32, #tpu.memory_space<vmem>>, vector<16xf32>,
        %get3A_231 = arith.index_cast %scan3A_179 : i32 to index
        %get3A_232 = arith.constant 112 : index
        %get3A_233 = tpu.vector_load %arg20[%get3A_231, %get3A_232] {strides = array<i32>} : memref<112x128xf32, #tpu.memory_space<vmem>>, vector<16xf32>,
        %mul3A_234 = arith.mulf %get3A_233, %gather3A_183 : vector<16xf32>
        %swap3A_235 = arith.index_cast %scan3A_179 : i32 to index
        %swap3A_236 = arith.constant 112 : index
        %swap3A_237 = tpu.vector_load %arg20[%swap3A_235, %swap3A_236] {strides = array<i32>} : memref<112x128xf32, #tpu.memory_space<vmem>>, vector<16xf32>,
        tpu.vector_store %arg20[%swap3A_235, %swap3A_236], %mul3A_234 {strides = array<i32>} : memref<112x128xf32, #tpu.memory_space<vmem>>, vector<16xf32>,
      }
      %scan3A_164 = arith.constant 112 : i32
      %dma_start3A_165 = arith.constant 0 : i32
      %dma_start3A_166 = arith.constant 0 : i32
      %dma_start3A_167 = tpu.memref_slice %arg19[%dma_start3A_165, %dma_start3A_166] : memref<1x112xi32, #tpu.memory_space<vmem>> -> memref<1x112xi32, #tpu.memory_space<vmem>>
      %dma_start3A_168 = tpu.memref_squeeze %dma_start3A_167 : memref<1x112xi32, #tpu.memory_space<vmem>> -> memref<112xi32, #tpu.memory_space<vmem>>
      %dma_start3A_169 = arith.constant 0 : i32
      %dma_start3A_170 = arith.constant 0 : i32
      %dma_start3A_171 = tpu.memref_slice %arg10[%dma_start3A_169, %dma_start3A_170] : memref<10112x128xf32, #tpu.memory_space<vmem_shared>> -> memref<10112x128xf32, #tpu.memory_space<vmem_shared>>
      tpu.enqueue_indirect_dma source(%arg20 : memref<112x128xf32, #tpu.memory_space<vmem>>) target(%dma_start3A_171 : memref<10112x128xf32, #tpu.memory_space<vmem_shared>>) offsets(%dma_start3A_168 : memref<112xi32, #tpu.memory_space<vmem>>) semaphore(%arg27 : memref<!tpu.dma_semaphore, #tpu.memory_space<semaphore_mem>>) {add = true}
      %dma_start3A_172 = arith.constant 0 : i32
      %dma_start3A_173 = arith.constant 0 : i32
      %dma_start3A_174 = tpu.memref_slice %arg19[%dma_start3A_172, %dma_start3A_173] : memref<1x112xi32, #tpu.memory_space<vmem>> -> memref<1x112xi32, #tpu.memory_space<vmem>>
      %dma_start3A_175 = tpu.memref_squeeze %dma_start3A_174 : memref<1x112xi32, #tpu.memory_space<vmem>> -> memref<112xi32, #tpu.memory_space<vmem>>
      %dma_start3A_176 = arith.constant 0 : i32
      %dma_start3A_177 = arith.constant 0 : i32
      %dma_start3A_178 = tpu.memref_slice %arg11[%dma_start3A_176, %dma_start3A_177] : memref<10112x16xf32, #tpu.memory_space<vmem_shared>> -> memref<10112x16xf32, #tpu.memory_space<vmem_shared>>
      tpu.enqueue_indirect_dma source(%arg23 : memref<112x16xf32, #tpu.memory_space<vmem>>) target(%dma_start3A_178 : memref<10112x16xf32, #tpu.memory_space<vmem_shared>>) offsets(%dma_start3A_175 : memref<112xi32, #tpu.memory_space<vmem>>) semaphore(%arg27 : memref<!tpu.dma_semaphore, #tpu.memory_space<semaphore_mem>>) {add = true}
    }
    %scan3A_48 = arith.constant 45 : i32
    %dma_wait3A = arith.constant 0 : i32
    %dma_wait3A_49 = arith.constant 0 : i32
    %dma_wait3A_50 = tpu.memref_slice %arg13[%dma_wait3A, %dma_wait3A_49] : memref<1x112xi32, #tpu.memory_space<vmem>> -> memref<1x112xi32, #tpu.memory_space<vmem>>
    %dma_wait3A_51 = tpu.memref_squeeze %dma_wait3A_50 : memref<1x112xi32, #tpu.memory_space<vmem>> -> memref<112xi32, #tpu.memory_space<vmem>>
    %dma_wait3A_52 = arith.constant 0 : i32
    %dma_wait3A_53 = arith.constant 0 : i32
    %dma_wait3A_54 = tpu.memref_slice %arg10[%dma_wait3A_52, %dma_wait3A_53] : memref<10112x128xf32, #tpu.memory_space<vmem_shared>> -> memref<10112x128xf32, #tpu.memory_space<vmem_shared>>
    tpu.wait_indirect_dma semaphore(%arg26 : memref<!tpu.dma_semaphore, #tpu.memory_space<semaphore_mem>>) src(%arg14 : memref<112x128xf32, #tpu.memory_space<vmem>>) dst(%dma_wait3A_54 : memref<10112x128xf32, #tpu.memory_space<vmem_shared>>)
    %dma_wait3A_55 = arith.constant 0 : i32
    %dma_wait3A_56 = arith.constant 0 : i32
    %dma_wait3A_57 = tpu.memref_slice %arg13[%dma_wait3A_55, %dma_wait3A_56] : memref<1x112xi32, #tpu.memory_space<vmem>> -> memref<1x112xi32, #tpu.memory_space<vmem>>
    %dma_wait3A_58 = tpu.memref_squeeze %dma_wait3A_57 : memref<1x112xi32, #tpu.memory_space<vmem>> -> memref<112xi32, #tpu.memory_space<vmem>>
    %dma_wait3A_59 = arith.constant 0 : i32
    %dma_wait3A_60 = arith.constant 0 : i32
    %dma_wait3A_61 = tpu.memref_slice %arg11[%dma_wait3A_59, %dma_wait3A_60] : memref<10112x16xf32, #tpu.memory_space<vmem_shared>> -> memref<10112x16xf32, #tpu.memory_space<vmem_shared>>
    tpu.wait_indirect_dma semaphore(%arg26 : memref<!tpu.dma_semaphore, #tpu.memory_space<semaphore_mem>>) src(%arg17 : memref<112x16xf32, #tpu.memory_space<vmem>>) dst(%dma_wait3A_61 : memref<10112x16xf32, #tpu.memory_space<vmem_shared>>)
    %dma_wait3A_62 = arith.constant 0 : i32
    %dma_wait3A_63 = arith.constant 0 : i32
    %dma_wait3A_64 = tpu.memref_slice %arg19[%dma_wait3A_62, %dma_wait3A_63] : memref<1x112xi32, #tpu.memory_space<vmem>> -> memref<1x112xi32, #tpu.memory_space<vmem>>
    %dma_wait3A_65 = tpu.memref_squeeze %dma_wait3A_64 : memref<1x112xi32, #tpu.memory_space<vmem>> -> memref<112xi32, #tpu.memory_space<vmem>>
    %dma_wait3A_66 = arith.constant 0 : i32
    %dma_wait3A_67 = arith.constant 0 : i32
    %dma_wait3A_68 = tpu.memref_slice %arg10[%dma_wait3A_66, %dma_wait3A_67] : memref<10112x128xf32, #tpu.memory_space<vmem_shared>> -> memref<10112x128xf32, #tpu.memory_space<vmem_shared>>
    tpu.wait_indirect_dma semaphore(%arg27 : memref<!tpu.dma_semaphore, #tpu.memory_space<semaphore_mem>>) src(%arg20 : memref<112x128xf32, #tpu.memory_space<vmem>>) dst(%dma_wait3A_68 : memref<10112x128xf32, #tpu.memory_space<vmem_shared>>)
    %dma_wait3A_69 = arith.constant 0 : i32
    %dma_wait3A_70 = arith.constant 0 : i32
    %dma_wait3A_71 = tpu.memref_slice %arg19[%dma_wait3A_69, %dma_wait3A_70] : memref<1x112xi32, #tpu.memory_space<vmem>> -> memref<1x112xi32, #tpu.memory_space<vmem>>
    %dma_wait3A_72 = tpu.memref_squeeze %dma_wait3A_71 : memref<1x112xi32, #tpu.memory_space<vmem>> -> memref<112xi32, #tpu.memory_space<vmem>>
    %dma_wait3A_73 = arith.constant 0 : i32
    %dma_wait3A_74 = arith.constant 0 : i32
    %dma_wait3A_75 = tpu.memref_slice %arg11[%dma_wait3A_73, %dma_wait3A_74] : memref<10112x16xf32, #tpu.memory_space<vmem_shared>> -> memref<10112x16xf32, #tpu.memory_space<vmem_shared>>
    tpu.wait_indirect_dma semaphore(%arg27 : memref<!tpu.dma_semaphore, #tpu.memory_space<semaphore_mem>>) src(%arg23 : memref<112x16xf32, #tpu.memory_space<vmem>>) dst(%dma_wait3A_75 : memref<10112x16xf32, #tpu.memory_space<vmem_shared>>)
    %barrier3A_76 = arith.constant 0 : index
    tpu.barrier barrier_id(%barrier3A_76)
    %scan3A_77 = arith.constant 0 : i32
    %scan3A_78 = arith.constant 0 : i32
    %scan3A_79 = arith.constant 5 : i32
    %scan3A_80 = arith.addi %scan3A_78, %scan3A_79 : i32
    %scan3A_81 = arith.constant 1 : i32
    scf.for %scan3A_83 = %scan3A_78 to %scan3A_80 step %scan3A_81  : i32 {
      %mul3A_84 = arith.constant 16 : i32
      %mul3A_85 = arith.muli %mul3A_84, %scan3A_83 : i32
      %add3A_86 = arith.addi %arg1, %mul3A_85 : i32
      %lt3A = arith.constant 79 : i32
      %lt3A_87 = arith.cmpi slt, %add3A_86, %lt3A : i32
      %convert_element_type3A = arith.extui %lt3A_87 : i1 to i32
      %cond3A = arith.constant 0 : i32
      %cond3A_88 = arith.cmpi ne, %convert_element_type3A, %cond3A : i32
      scf.if %cond3A_88 {
        %mul3A_89 = arith.constant 128 : i32
        %mul3A_90 = arith.muli %add3A_86, %mul3A_89 : i32
        "tpu.region"() ({
          %run_scoped3A_91 = tpu.sem_alloc : memref<!tpu.dma_semaphore, #tpu.memory_space<semaphore_mem>>
          %dma_start3A_92 = arith.constant 0 : i32
          %dma_start3A_93 = tpu.memref_slice %arg8[%arg0, %mul3A_90, %dma_start3A_92] : memref<2x10112x128xf32, #tpu.memory_space<hbm>> -> memref<1x128x128xf32, #tpu.memory_space<hbm>>
          %dma_start3A_94 = tpu.memref_squeeze %dma_start3A_93 : memref<1x128x128xf32, #tpu.memory_space<hbm>> -> memref<128x128xf32, #tpu.memory_space<hbm>>
          %dma_start3A_95 = arith.constant 0 : i32
          %dma_start3A_96 = tpu.memref_slice %arg10[%mul3A_90, %dma_start3A_95] : memref<10112x128xf32, #tpu.memory_space<vmem_shared>> -> memref<128x128xf32, #tpu.memory_space<vmem_shared>>
          tpu.enqueue_dma source(%dma_start3A_96 : memref<128x128xf32, #tpu.memory_space<vmem_shared>>) target(%dma_start3A_94 : memref<128x128xf32, #tpu.memory_space<hbm>>) target_semaphore(%run_scoped3A_91 : memref<!tpu.dma_semaphore, #tpu.memory_space<semaphore_mem>>)
          %dma_wait3A_97 = arith.constant 0 : i32
          %dma_wait3A_98 = tpu.memref_slice %arg8[%arg0, %mul3A_90, %dma_wait3A_97] : memref<2x10112x128xf32, #tpu.memory_space<hbm>> -> memref<1x128x128xf32, #tpu.memory_space<hbm>>
          %dma_wait3A_99 = tpu.memref_squeeze %dma_wait3A_98 : memref<1x128x128xf32, #tpu.memory_space<hbm>> -> memref<128x128xf32, #tpu.memory_space<hbm>>
          %dma_wait3A_100 = arith.constant 0 : i32
          %dma_wait3A_101 = tpu.memref_slice %arg10[%mul3A_90, %dma_wait3A_100] : memref<10112x128xf32, #tpu.memory_space<vmem_shared>> -> memref<128x128xf32, #tpu.memory_space<vmem_shared>>
          tpu.wait_dma2 semaphore(%run_scoped3A_91 : memref<!tpu.dma_semaphore, #tpu.memory_space<semaphore_mem>>) src(%dma_wait3A_101 : memref<128x128xf32, #tpu.memory_space<vmem_shared>>) dst(%dma_wait3A_99 : memref<128x128xf32, #tpu.memory_space<hbm>>)
          tpu.yield
        }) : () -> ()
      } else {
      }
    }
    %scan3A_82 = arith.constant 5 : i32
    "tpu.region"() ({
      %run_scoped3A_83 = tpu.sem_alloc : memref<!tpu.dma_semaphore, #tpu.memory_space<semaphore_mem>>
      %dma_start3A_84 = arith.constant 0 : i32
      %dma_start3A_85 = tpu.memref_slice %arg9[%arg0, %mul3A_2, %dma_start3A_84] : memref<2x10112x16xf32, #tpu.memory_space<hbm>> -> memref<1x632x16xf32, #tpu.memory_space<hbm>>
      %dma_start3A_86 = tpu.memref_squeeze %dma_start3A_85 : memref<1x632x16xf32, #tpu.memory_space<hbm>> -> memref<632x16xf32, #tpu.memory_space<hbm>>
      %dma_start3A_87 = arith.constant 0 : i32
      %dma_start3A_88 = tpu.memref_slice %arg11[%mul3A_2, %dma_start3A_87] : memref<10112x16xf32, #tpu.memory_space<vmem_shared>> -> memref<632x16xf32, #tpu.memory_space<vmem_shared>>
      tpu.enqueue_dma source(%dma_start3A_88 : memref<632x16xf32, #tpu.memory_space<vmem_shared>>) target(%dma_start3A_86 : memref<632x16xf32, #tpu.memory_space<hbm>>) target_semaphore(%run_scoped3A_83 : memref<!tpu.dma_semaphore, #tpu.memory_space<semaphore_mem>>)
      %dma_wait3A_89 = arith.constant 0 : i32
      %dma_wait3A_90 = tpu.memref_slice %arg9[%arg0, %mul3A_2, %dma_wait3A_89] : memref<2x10112x16xf32, #tpu.memory_space<hbm>> -> memref<1x632x16xf32, #tpu.memory_space<hbm>>
      %dma_wait3A_91 = tpu.memref_squeeze %dma_wait3A_90 : memref<1x632x16xf32, #tpu.memory_space<hbm>> -> memref<632x16xf32, #tpu.memory_space<hbm>>
      %dma_wait3A_92 = arith.constant 0 : i32
      %dma_wait3A_93 = tpu.memref_slice %arg11[%mul3A_2, %dma_wait3A_92] : memref<10112x16xf32, #tpu.memory_space<vmem_shared>> -> memref<632x16xf32, #tpu.memory_space<vmem_shared>>
      tpu.wait_dma2 semaphore(%run_scoped3A_83 : memref<!tpu.dma_semaphore, #tpu.memory_space<semaphore_mem>>) src(%dma_wait3A_93 : memref<632x16xf32, #tpu.memory_space<vmem_shared>>) dst(%dma_wait3A_91 : memref<632x16xf32, #tpu.memory_space<hbm>>)
      tpu.yield
    }) : () -> ()
    return
  }
}

module attributes {stable_mosaic.version = 14 : i64} {
  func.func @_proj_body(%arg0: i32, %arg1: memref<1264x128xf32, #tpu.memory_space<vmem>>, %arg2: memref<128x128xf32, #tpu.memory_space<vmem>>, %arg3: memref<1x128xf32, #tpu.memory_space<vmem>>, %arg4: memref<128x128xf32, #tpu.memory_space<vmem>>, %arg5: memref<128x16xf32, #tpu.memory_space<vmem>>, %arg6: memref<1264x128xf32, #tpu.memory_space<vmem>>, %arg7: memref<1264x128xf32, #tpu.memory_space<vmem>>, %arg8: memref<1264x16xf32, #tpu.memory_space<vmem>>) attributes {dimension_semantics = [#tpu.dimension_semantics<arbitrary>], iteration_bounds = array<i64: 8>, scalar_prefetch = 0 : i64, scratch_operands = 0 : i64, tpu.core_type = #tpu.core_type<tc>, window_params = [{transform_indices = @transform_0, window_bounds = array<i64: 1264, 128>}, {pipeline_mode = #tpu.pipeline_mode<synchronous>, transform_indices = @transform_1, window_bounds = array<i64: 128, 128>}, {pipeline_mode = #tpu.pipeline_mode<synchronous>, transform_indices = @transform_2, window_bounds = array<i64: 1, 128>}, {pipeline_mode = #tpu.pipeline_mode<synchronous>, transform_indices = @transform_3, window_bounds = array<i64: 128, 128>}, {pipeline_mode = #tpu.pipeline_mode<synchronous>, transform_indices = @transform_4, window_bounds = array<i64: 128, 16>}, {transform_indices = @transform_5, window_bounds = array<i64: 1264, 128>}, {transform_indices = @transform_6, window_bounds = array<i64: 1264, 128>}, {transform_indices = @transform_7, window_bounds = array<i64: 1264, 16>}]} {
    %get3A = arith.constant 0 : index
    %get3A_0 = arith.constant 0 : index
    %get3A_1 = vector.load %arg1[%get3A, %get3A_0] : memref<1264x128xf32, #tpu.memory_space<vmem>>, vector<1264x128xf32>
    %get3A_2 = arith.constant 0 : index
    %get3A_3 = arith.constant 0 : index
    %get3A_4 = vector.load %arg2[%get3A_2, %get3A_3] : memref<128x128xf32, #tpu.memory_space<vmem>>, vector<128x128xf32>
    %dot_general3A = arith.constant dense<0.000000e+00> : vector<1264x128xf32>
    %dot_general3A_5 = tpu.matmul %get3A_1, %get3A_4, %dot_general3A {dimension_numbers = #tpu.dot_dimension_numbers<[1], [0], [0], [1], [0, 0, 1, 1], [], []>, transpose_lhs_hint = false} : vector<1264x128xf32>, vector<128x128xf32>, vector<1264x128xf32> -> vector<1264x128xf32>
    %get3A_6 = arith.constant 0 : index
    %get3A_7 = arith.constant 0 : index
    %get3A_8 = vector.load %arg3[%get3A_6, %get3A_7] : memref<1x128xf32, #tpu.memory_space<vmem>>, vector<1x128xf32>
    %add3A = vector.broadcast %get3A_8 : vector<1x128xf32> to vector<1264x128xf32>
    %add3A_9 = arith.addf %dot_general3A_5, %add3A : vector<1264x128xf32>
    %get3A_10 = arith.constant 0 : index
    %get3A_11 = arith.constant 0 : index
    %get3A_12 = vector.load %arg4[%get3A_10, %get3A_11] : memref<128x128xf32, #tpu.memory_space<vmem>>, vector<128x128xf32>
    %dot_general3A_13 = arith.constant dense<0.000000e+00> : vector<1264x128xf32>
    %dot_general3A_14 = tpu.matmul %add3A_9, %get3A_12, %dot_general3A_13 {dimension_numbers = #tpu.dot_dimension_numbers<[1], [0], [0], [1], [0, 0, 1, 1], [], []>, transpose_lhs_hint = false} : vector<1264x128xf32>, vector<128x128xf32>, vector<1264x128xf32> -> vector<1264x128xf32>
    %swap3A = arith.constant 0 : index
    %swap3A_15 = arith.constant 0 : index
    %swap3A_16 = vector.load %arg6[%swap3A, %swap3A_15] : memref<1264x128xf32, #tpu.memory_space<vmem>>, vector<1264x128xf32>
    tpu.vector_store %arg6[%swap3A, %swap3A_15], %add3A_9 {strides = array<i32>} : memref<1264x128xf32, #tpu.memory_space<vmem>>, vector<1264x128xf32>,
    %swap3A_17 = arith.constant 0 : index
    %swap3A_18 = arith.constant 0 : index
    %swap3A_19 = vector.load %arg7[%swap3A_17, %swap3A_18] : memref<1264x128xf32, #tpu.memory_space<vmem>>, vector<1264x128xf32>
    tpu.vector_store %arg7[%swap3A_17, %swap3A_18], %dot_general3A_14 {strides = array<i32>} : memref<1264x128xf32, #tpu.memory_space<vmem>>, vector<1264x128xf32>,
    %get3A_20 = arith.constant 0 : index
    %get3A_21 = arith.constant 0 : index
    %get3A_22 = vector.load %arg5[%get3A_20, %get3A_21] : memref<128x16xf32, #tpu.memory_space<vmem>>, vector<128x16xf32>
    %dot_general3A_23 = arith.constant dense<0.000000e+00> : vector<1264x16xf32>
    %dot_general3A_24 = tpu.matmul %dot_general3A_14, %get3A_22, %dot_general3A_23 {dimension_numbers = #tpu.dot_dimension_numbers<[1], [0], [0], [1], [0, 0, 1, 1], [], []>, transpose_lhs_hint = false} : vector<1264x128xf32>, vector<128x16xf32>, vector<1264x16xf32> -> vector<1264x16xf32>
    %swap3A_25 = arith.constant 0 : index
    %swap3A_26 = arith.constant 0 : index
    %swap3A_27 = vector.load %arg8[%swap3A_25, %swap3A_26] : memref<1264x16xf32, #tpu.memory_space<vmem>>, vector<1264x16xf32>
    tpu.vector_store %arg8[%swap3A_25, %swap3A_26], %dot_general3A_24 {strides = array<i32>} : memref<1264x16xf32, #tpu.memory_space<vmem>>, vector<1264x16xf32>,
    return
  }
  func.func @transform_0(%arg0: i32) -> (i32, i32) {
    %c0_i32 = arith.constant 0 : i32
    %c0_i32_0 = arith.constant 0 : i32
    return %arg0, %c0_i32 : i32, i32
  }
  func.func @transform_1(%arg0: i32) -> (i32, i32) {
    %c0_i32 = arith.constant 0 : i32
    %c0_i32_0 = arith.constant 0 : i32
    %c0_i32_1 = arith.constant 0 : i32
    return %c0_i32, %c0_i32_0 : i32, i32
  }
  func.func @transform_2(%arg0: i32) -> (i32, i32) {
    %c0_i32 = arith.constant 0 : i32
    %c0_i32_0 = arith.constant 0 : i32
    %c0_i32_1 = arith.constant 0 : i32
    return %c0_i32, %c0_i32_0 : i32, i32
  }
  func.func @transform_3(%arg0: i32) -> (i32, i32) {
    %c0_i32 = arith.constant 0 : i32
    %c0_i32_0 = arith.constant 0 : i32
    %c0_i32_1 = arith.constant 0 : i32
    return %c0_i32, %c0_i32_0 : i32, i32
  }
  func.func @transform_4(%arg0: i32) -> (i32, i32) {
    %c0_i32 = arith.constant 0 : i32
    %c0_i32_0 = arith.constant 0 : i32
    %c0_i32_1 = arith.constant 0 : i32
    return %c0_i32, %c0_i32_0 : i32, i32
  }
  func.func @transform_5(%arg0: i32) -> (i32, i32) {
    %c0_i32 = arith.constant 0 : i32
    %c0_i32_0 = arith.constant 0 : i32
    return %arg0, %c0_i32 : i32, i32
  }
  func.func @transform_6(%arg0: i32) -> (i32, i32) {
    %c0_i32 = arith.constant 0 : i32
    %c0_i32_0 = arith.constant 0 : i32
    return %arg0, %c0_i32 : i32, i32
  }
  func.func @transform_7(%arg0: i32) -> (i32, i32) {
    %c0_i32 = arith.constant 0 : i32
    %c0_i32_0 = arith.constant 0 : i32
    return %arg0, %c0_i32 : i32, i32
  }
}

module attributes {stable_mosaic.version = 14 : i64} {
  func.func @_mid_body(%arg0: i32, %arg1: memref<1264x128xf32, #tpu.memory_space<vmem>>, %arg2: memref<1264x128xf32, #tpu.memory_space<vmem>>, %arg3: memref<1264x16xf32, #tpu.memory_space<vmem>>, %arg4: memref<1264x16xf32, #tpu.memory_space<vmem>>, %arg5: memref<1264x128xf32, #tpu.memory_space<vmem>>, %arg6: memref<1264x16xf32, #tpu.memory_space<vmem>>, %arg7: memref<1264x128xf32, #tpu.memory_space<vmem>>, %arg8: memref<1x128xf32, #tpu.memory_space<vmem>>, %arg9: memref<1x128xf32, #tpu.memory_space<vmem>>, %arg10: memref<1x128xf32, #tpu.memory_space<vmem>>, %arg11: memref<4x128xf32, #tpu.memory_space<vmem>>, %arg12: memref<128x128xf32, #tpu.memory_space<vmem>>, %arg13: memref<128x16xf32, #tpu.memory_space<vmem>>, %arg14: memref<1264x128xf32, #tpu.memory_space<vmem>>, %arg15: memref<1264x128xf32, #tpu.memory_space<vmem>>, %arg16: memref<1264x16xf32, #tpu.memory_space<vmem>>) attributes {dimension_semantics = [#tpu.dimension_semantics<arbitrary>], iteration_bounds = array<i64: 8>, scalar_prefetch = 0 : i64, scratch_operands = 0 : i64, tpu.core_type = #tpu.core_type<tc>, window_params = [{transform_indices = @transform_0, window_bounds = array<i64: 1264, 128>}, {transform_indices = @transform_1, window_bounds = array<i64: 1264, 128>}, {transform_indices = @transform_2, window_bounds = array<i64: 1264, 16>}, {transform_indices = @transform_3, window_bounds = array<i64: 1264, 16>}, {transform_indices = @transform_4, window_bounds = array<i64: 1264, 128>}, {transform_indices = @transform_5, window_bounds = array<i64: 1264, 16>}, {transform_indices = @transform_6, window_bounds = array<i64: 1264, 128>}, {pipeline_mode = #tpu.pipeline_mode<synchronous>, transform_indices = @transform_7, window_bounds = array<i64: 1, 128>}, {pipeline_mode = #tpu.pipeline_mode<synchronous>, transform_indices = @transform_8, window_bounds = array<i64: 1, 128>}, {pipeline_mode = #tpu.pipeline_mode<synchronous>, transform_indices = @transform_9, window_bounds = array<i64: 1, 128>}, {pipeline_mode = #tpu.pipeline_mode<synchronous>, transform_indices = @transform_10, window_bounds = array<i64: 4, 128>}, {pipeline_mode = #tpu.pipeline_mode<synchronous>, transform_indices = @transform_11, window_bounds = array<i64: 128, 128>}, {pipeline_mode = #tpu.pipeline_mode<synchronous>, transform_indices = @transform_12, window_bounds = array<i64: 128, 16>}, {transform_indices = @transform_13, window_bounds = array<i64: 1264, 128>}, {transform_indices = @transform_14, window_bounds = array<i64: 1264, 128>}, {transform_indices = @transform_15, window_bounds = array<i64: 1264, 16>}]} {
    %get3A = arith.constant 0 : index
    %get3A_0 = arith.constant 0 : index
    %get3A_1 = vector.load %arg1[%get3A, %get3A_0] : memref<1264x128xf32, #tpu.memory_space<vmem>>, vector<1264x128xf32>
    %get3A_2 = arith.constant 0 : index
    %get3A_3 = arith.constant 0 : index
    %get3A_4 = vector.load %arg2[%get3A_2, %get3A_3] : memref<1264x128xf32, #tpu.memory_space<vmem>>, vector<1264x128xf32>
    %get3A_5 = arith.constant 0 : index
    %get3A_6 = arith.constant 0 : index
    %get3A_7 = vector.load %arg3[%get3A_5, %get3A_6] : memref<1264x16xf32, #tpu.memory_space<vmem>>, vector<1264x16xf32>
    %get3A_8 = arith.constant 0 : index
    %get3A_9 = arith.constant 0 : index
    %get3A_10 = vector.load %arg4[%get3A_8, %get3A_9] : memref<1264x16xf32, #tpu.memory_space<vmem>>, vector<1264x16xf32>
    %get3A_11 = arith.constant 0 : index
    %get3A_12 = arith.constant 0 : index
    %get3A_13 = vector.load %arg5[%get3A_11, %get3A_12] : memref<1264x128xf32, #tpu.memory_space<vmem>>, vector<1264x128xf32>
    %get3A_14 = arith.constant 0 : index
    %get3A_15 = arith.constant 0 : index
    %get3A_16 = vector.load %arg6[%get3A_14, %get3A_15] : memref<1264x16xf32, #tpu.memory_space<vmem>>, vector<1264x16xf32>
    %get3A_17 = arith.constant 0 : index
    %get3A_18 = arith.constant 0 : index
    %get3A_19 = vector.load %arg7[%get3A_17, %get3A_18] : memref<1264x128xf32, #tpu.memory_space<vmem>>, vector<1264x128xf32>
    %get3A_20 = arith.constant 0 : index
    %get3A_21 = arith.constant 0 : index
    %get3A_22 = vector.load %arg8[%get3A_20, %get3A_21] : memref<1x128xf32, #tpu.memory_space<vmem>>, vector<1x128xf32>
    %get3A_23 = arith.constant 0 : index
    %get3A_24 = arith.constant 0 : index
    %get3A_25 = vector.load %arg9[%get3A_23, %get3A_24] : memref<1x128xf32, #tpu.memory_space<vmem>>, vector<1x128xf32>
    %get3A_26 = arith.constant 0 : index
    %get3A_27 = arith.constant 0 : index
    %get3A_28 = vector.load %arg10[%get3A_26, %get3A_27] : memref<1x128xf32, #tpu.memory_space<vmem>>, vector<1x128xf32>
    %get3A_29 = arith.constant 0 : index
    %get3A_30 = arith.constant 0 : index
    %get3A_31 = vector.load %arg11[%get3A_29, %get3A_30] : memref<4x128xf32, #tpu.memory_space<vmem>>, vector<4x128xf32>
    %slice3A = vector.extract_strided_slice %get3A_16 {offsets = [0, 0], sizes = [1264, 4], strides = [1, 1]} : vector<1264x16xf32> to vector<1264x4xf32>
    %slice3A_32 = vector.extract_strided_slice %get3A_16 {offsets = [0, 4], sizes = [1264, 4], strides = [1, 1]} : vector<1264x16xf32> to vector<1264x4xf32>
    %add3A = arith.addf %slice3A, %slice3A_32 : vector<1264x4xf32>
    %mul3A = arith.constant 2.000000e-01 : f32
    %mul3A_33 = vector.broadcast %mul3A : f32 to vector<1264x4xf32>
    %mul3A_34 = arith.mulf %mul3A_33, %add3A : vector<1264x4xf32>
    %max3A = arith.maximumf %add3A, %mul3A_34 : vector<1264x4xf32>
    %exp3A = math.exp %max3A : vector<1264x4xf32>
    %slice3A_35 = vector.extract_strided_slice %get3A_7 {offsets = [0, 0], sizes = [1264, 4], strides = [1, 1]} : vector<1264x16xf32> to vector<1264x4xf32>
    %slice3A_36 = vector.extract_strided_slice %get3A_10 {offsets = [0, 0], sizes = [1264, 4], strides = [1, 1]} : vector<1264x16xf32> to vector<1264x4xf32>
    %add3A_37 = arith.addf %slice3A_35, %slice3A_36 : vector<1264x4xf32>
    %add3A_38 = arith.addf %add3A_37, %exp3A : vector<1264x4xf32>
    %dot_general3A = arith.constant dense<0.000000e+00> : vector<1264x128xf32>
    %dot_general3A_39 = tpu.matmul %add3A_38, %get3A_31, %dot_general3A {dimension_numbers = #tpu.dot_dimension_numbers<[1], [0], [0], [1], [0, 0, 1, 1], [], []>, transpose_lhs_hint = false} : vector<1264x4xf32>, vector<4x128xf32>, vector<1264x128xf32> -> vector<1264x128xf32>
    %add3A_40 = arith.addf %get3A_1, %get3A_4 : vector<1264x128xf32>
    %dot_general3A_41 = arith.constant dense<0.000000e+00> : vector<1264x128xf32>
    %dot_general3A_42 = tpu.matmul %exp3A, %get3A_31, %dot_general3A_41 {dimension_numbers = #tpu.dot_dimension_numbers<[1], [0], [0], [1], [0, 0, 1, 1], [], []>, transpose_lhs_hint = false} : vector<1264x4xf32>, vector<4x128xf32>, vector<1264x128xf32> -> vector<1264x128xf32>
    %mul3A_43 = arith.mulf %dot_general3A_42, %get3A_13 : vector<1264x128xf32>
    %add3A_44 = arith.addf %add3A_40, %mul3A_43 : vector<1264x128xf32>
    %add3A_45 = arith.constant 1.000000e-16 : f32
    %add3A_46 = vector.broadcast %add3A_45 : f32 to vector<1264x128xf32>
    %add3A_47 = arith.addf %dot_general3A_39, %add3A_46 : vector<1264x128xf32>
    %div3A = arith.divf %add3A_44, %add3A_47 : vector<1264x128xf32>
    %add3A_48 = vector.broadcast %get3A_28 : vector<1x128xf32> to vector<1264x128xf32>
    %add3A_49 = arith.addf %div3A, %add3A_48 : vector<1264x128xf32>
    %add3A_50 = arith.addf %get3A_19, %add3A_49 : vector<1264x128xf32>
    %reduce_sum3A = arith.constant dense<0.000000e+00> : vector<1264xf32>
    %reduce_sum3A_51 = vector.multi_reduction <add>, %add3A_50, %reduce_sum3A [1] : vector<1264x128xf32> to vector<1264xf32>
    %broadcast_in_dim3A = vector.shape_cast %reduce_sum3A_51 : vector<1264xf32> to vector<1264x1xf32>
    %div3A_52 = arith.constant 1.280000e+02 : f32
    %div3A_53 = vector.broadcast %div3A_52 : f32 to vector<1264x1xf32>
    %div3A_54 = arith.divf %broadcast_in_dim3A, %div3A_53 : vector<1264x1xf32>
    %sub3A = vector.broadcast %div3A_54 : vector<1264x1xf32> to vector<1264x128xf32>
    %sub3A_55 = arith.subf %add3A_50, %sub3A : vector<1264x128xf32>
    %integer_pow3A = arith.mulf %sub3A_55, %sub3A_55 : vector<1264x128xf32>
    %reduce_sum3A_56 = arith.constant dense<0.000000e+00> : vector<1264xf32>
    %reduce_sum3A_57 = vector.multi_reduction <add>, %integer_pow3A, %reduce_sum3A_56 [1] : vector<1264x128xf32> to vector<1264xf32>
    %broadcast_in_dim3A_58 = vector.shape_cast %reduce_sum3A_57 : vector<1264xf32> to vector<1264x1xf32>
    %div3A_59 = arith.constant 1.280000e+02 : f32
    %div3A_60 = vector.broadcast %div3A_59 : f32 to vector<1264x1xf32>
    %div3A_61 = arith.divf %broadcast_in_dim3A_58, %div3A_60 : vector<1264x1xf32>
    %sub3A_62 = vector.broadcast %div3A_54 : vector<1264x1xf32> to vector<1264x128xf32>
    %sub3A_63 = arith.subf %add3A_50, %sub3A_62 : vector<1264x128xf32>
    %add3A_64 = arith.constant 9.99999974E-6 : f32
    %add3A_65 = vector.broadcast %add3A_64 : f32 to vector<1264x1xf32>
    %add3A_66 = arith.addf %div3A_61, %add3A_65 : vector<1264x1xf32>
    %rsqrt3A = math.rsqrt %add3A_66 : vector<1264x1xf32>
    %mul3A_67 = vector.broadcast %rsqrt3A : vector<1264x1xf32> to vector<1264x128xf32>
    %mul3A_68 = arith.mulf %sub3A_63, %mul3A_67 : vector<1264x128xf32>
    %mul3A_69 = vector.broadcast %get3A_22 : vector<1x128xf32> to vector<1264x128xf32>
    %mul3A_70 = arith.mulf %mul3A_68, %mul3A_69 : vector<1264x128xf32>
    %add3A_71 = vector.broadcast %get3A_25 : vector<1x128xf32> to vector<1264x128xf32>
    %add3A_72 = arith.addf %mul3A_70, %add3A_71 : vector<1264x128xf32>
    %max3A_73 = arith.constant 0.000000e+00 : f32
    %max3A_74 = vector.broadcast %max3A_73 : f32 to vector<1264x128xf32>
    %max3A_75 = arith.maximumf %add3A_72, %max3A_74 : vector<1264x128xf32>
    %get3A_76 = arith.constant 0 : index
    %get3A_77 = arith.constant 0 : index
    %get3A_78 = vector.load %arg12[%get3A_76, %get3A_77] : memref<128x128xf32, #tpu.memory_space<vmem>>, vector<128x128xf32>
    %dot_general3A_79 = arith.constant dense<0.000000e+00> : vector<1264x128xf32>
    %dot_general3A_80 = tpu.matmul %max3A_75, %get3A_78, %dot_general3A_79 {dimension_numbers = #tpu.dot_dimension_numbers<[1], [0], [0], [1], [0, 0, 1, 1], [], []>, transpose_lhs_hint = false} : vector<1264x128xf32>, vector<128x128xf32>, vector<1264x128xf32> -> vector<1264x128xf32>
    %swap3A = arith.constant 0 : index
    %swap3A_81 = arith.constant 0 : index
    %swap3A_82 = vector.load %arg14[%swap3A, %swap3A_81] : memref<1264x128xf32, #tpu.memory_space<vmem>>, vector<1264x128xf32>
    tpu.vector_store %arg14[%swap3A, %swap3A_81], %max3A_75 {strides = array<i32>} : memref<1264x128xf32, #tpu.memory_space<vmem>>, vector<1264x128xf32>,
    %swap3A_83 = arith.constant 0 : index
    %swap3A_84 = arith.constant 0 : index
    %swap3A_85 = vector.load %arg15[%swap3A_83, %swap3A_84] : memref<1264x128xf32, #tpu.memory_space<vmem>>, vector<1264x128xf32>
    tpu.vector_store %arg15[%swap3A_83, %swap3A_84], %dot_general3A_80 {strides = array<i32>} : memref<1264x128xf32, #tpu.memory_space<vmem>>, vector<1264x128xf32>,
    %get3A_86 = arith.constant 0 : index
    %get3A_87 = arith.constant 0 : index
    %get3A_88 = vector.load %arg13[%get3A_86, %get3A_87] : memref<128x16xf32, #tpu.memory_space<vmem>>, vector<128x16xf32>
    %dot_general3A_89 = arith.constant dense<0.000000e+00> : vector<1264x16xf32>
    %dot_general3A_90 = tpu.matmul %dot_general3A_80, %get3A_88, %dot_general3A_89 {dimension_numbers = #tpu.dot_dimension_numbers<[1], [0], [0], [1], [0, 0, 1, 1], [], []>, transpose_lhs_hint = false} : vector<1264x128xf32>, vector<128x16xf32>, vector<1264x16xf32> -> vector<1264x16xf32>
    %swap3A_91 = arith.constant 0 : index
    %swap3A_92 = arith.constant 0 : index
    %swap3A_93 = vector.load %arg16[%swap3A_91, %swap3A_92] : memref<1264x16xf32, #tpu.memory_space<vmem>>, vector<1264x16xf32>
    tpu.vector_store %arg16[%swap3A_91, %swap3A_92], %dot_general3A_90 {strides = array<i32>} : memref<1264x16xf32, #tpu.memory_space<vmem>>, vector<1264x16xf32>,
    return
  }
  func.func @transform_0(%arg0: i32) -> (i32, i32) {
    %c0_i32 = arith.constant 0 : i32
    %c0_i32_0 = arith.constant 0 : i32
    return %arg0, %c0_i32 : i32, i32
  }
  func.func @transform_1(%arg0: i32) -> (i32, i32) {
    %c0_i32 = arith.constant 0 : i32
    %c0_i32_0 = arith.constant 0 : i32
    return %arg0, %c0_i32 : i32, i32
  }
  func.func @transform_2(%arg0: i32) -> (i32, i32) {
    %c0_i32 = arith.constant 0 : i32
    %c0_i32_0 = arith.constant 0 : i32
    return %arg0, %c0_i32 : i32, i32
  }
  func.func @transform_3(%arg0: i32) -> (i32, i32) {
    %c0_i32 = arith.constant 0 : i32
    %c0_i32_0 = arith.constant 0 : i32
    return %arg0, %c0_i32 : i32, i32
  }
  func.func @transform_4(%arg0: i32) -> (i32, i32) {
    %c0_i32 = arith.constant 0 : i32
    %c0_i32_0 = arith.constant 0 : i32
    return %arg0, %c0_i32 : i32, i32
  }
  func.func @transform_5(%arg0: i32) -> (i32, i32) {
    %c0_i32 = arith.constant 0 : i32
    %c0_i32_0 = arith.constant 0 : i32
    return %arg0, %c0_i32 : i32, i32
  }
  func.func @transform_6(%arg0: i32) -> (i32, i32) {
    %c0_i32 = arith.constant 0 : i32
    %c0_i32_0 = arith.constant 0 : i32
    return %arg0, %c0_i32 : i32, i32
  }
  func.func @transform_7(%arg0: i32) -> (i32, i32) {
    %c0_i32 = arith.constant 0 : i32
    %c0_i32_0 = arith.constant 0 : i32
    %c0_i32_1 = arith.constant 0 : i32
    return %c0_i32, %c0_i32_0 : i32, i32
  }
  func.func @transform_8(%arg0: i32) -> (i32, i32) {
    %c0_i32 = arith.constant 0 : i32
    %c0_i32_0 = arith.constant 0 : i32
    %c0_i32_1 = arith.constant 0 : i32
    return %c0_i32, %c0_i32_0 : i32, i32
  }
  func.func @transform_9(%arg0: i32) -> (i32, i32) {
    %c0_i32 = arith.constant 0 : i32
    %c0_i32_0 = arith.constant 0 : i32
    %c0_i32_1 = arith.constant 0 : i32
    return %c0_i32, %c0_i32_0 : i32, i32
  }
  func.func @transform_10(%arg0: i32) -> (i32, i32) {
    %c0_i32 = arith.constant 0 : i32
    %c0_i32_0 = arith.constant 0 : i32
    %c0_i32_1 = arith.constant 0 : i32
    return %c0_i32, %c0_i32_0 : i32, i32
  }
  func.func @transform_11(%arg0: i32) -> (i32, i32) {
    %c0_i32 = arith.constant 0 : i32
    %c0_i32_0 = arith.constant 0 : i32
    %c0_i32_1 = arith.constant 0 : i32
    return %c0_i32, %c0_i32_0 : i32, i32
  }
  func.func @transform_12(%arg0: i32) -> (i32, i32) {
    %c0_i32 = arith.constant 0 : i32
    %c0_i32_0 = arith.constant 0 : i32
    %c0_i32_1 = arith.constant 0 : i32
    return %c0_i32, %c0_i32_0 : i32, i32
  }
  func.func @transform_13(%arg0: i32) -> (i32, i32) {
    %c0_i32 = arith.constant 0 : i32
    %c0_i32_0 = arith.constant 0 : i32
    return %arg0, %c0_i32 : i32, i32
  }
  func.func @transform_14(%arg0: i32) -> (i32, i32) {
    %c0_i32 = arith.constant 0 : i32
    %c0_i32_0 = arith.constant 0 : i32
    return %arg0, %c0_i32 : i32, i32
  }
  func.func @transform_15(%arg0: i32) -> (i32, i32) {
    %c0_i32 = arith.constant 0 : i32
    %c0_i32_0 = arith.constant 0 : i32
    return %arg0, %c0_i32 : i32, i32
  }
}

module attributes {stable_mosaic.version = 14 : i64} {
  func.func @_tail_body(%arg0: i32, %arg1: memref<1264x128xf32, #tpu.memory_space<vmem>>, %arg2: memref<1264x128xf32, #tpu.memory_space<vmem>>, %arg3: memref<1264x16xf32, #tpu.memory_space<vmem>>, %arg4: memref<1264x16xf32, #tpu.memory_space<vmem>>, %arg5: memref<1264x128xf32, #tpu.memory_space<vmem>>, %arg6: memref<1264x16xf32, #tpu.memory_space<vmem>>, %arg7: memref<1264x128xf32, #tpu.memory_space<vmem>>, %arg8: memref<1x128xf32, #tpu.memory_space<vmem>>, %arg9: memref<1x128xf32, #tpu.memory_space<vmem>>, %arg10: memref<1x128xf32, #tpu.memory_space<vmem>>, %arg11: memref<4x128xf32, #tpu.memory_space<vmem>>, %arg12: memref<128x16xf32, #tpu.memory_space<vmem>>, %arg13: memref<1x16xf32, #tpu.memory_space<vmem>>, %arg14: memref<16x128xf32, #tpu.memory_space<vmem>>, %arg15: memref<1x128xf32, #tpu.memory_space<vmem>>, %arg16: memref<1264x128xf32, #tpu.memory_space<vmem>>) attributes {dimension_semantics = [#tpu.dimension_semantics<arbitrary>], iteration_bounds = array<i64: 8>, scalar_prefetch = 0 : i64, scratch_operands = 0 : i64, tpu.core_type = #tpu.core_type<tc>, window_params = [{transform_indices = @transform_0, window_bounds = array<i64: 1264, 128>}, {transform_indices = @transform_1, window_bounds = array<i64: 1264, 128>}, {transform_indices = @transform_2, window_bounds = array<i64: 1264, 16>}, {transform_indices = @transform_3, window_bounds = array<i64: 1264, 16>}, {transform_indices = @transform_4, window_bounds = array<i64: 1264, 128>}, {transform_indices = @transform_5, window_bounds = array<i64: 1264, 16>}, {transform_indices = @transform_6, window_bounds = array<i64: 1264, 128>}, {pipeline_mode = #tpu.pipeline_mode<synchronous>, transform_indices = @transform_7, window_bounds = array<i64: 1, 128>}, {pipeline_mode = #tpu.pipeline_mode<synchronous>, transform_indices = @transform_8, window_bounds = array<i64: 1, 128>}, {pipeline_mode = #tpu.pipeline_mode<synchronous>, transform_indices = @transform_9, window_bounds = array<i64: 1, 128>}, {pipeline_mode = #tpu.pipeline_mode<synchronous>, transform_indices = @transform_10, window_bounds = array<i64: 4, 128>}, {pipeline_mode = #tpu.pipeline_mode<synchronous>, transform_indices = @transform_11, window_bounds = array<i64: 128, 16>}, {pipeline_mode = #tpu.pipeline_mode<synchronous>, transform_indices = @transform_12, window_bounds = array<i64: 1, 16>}, {pipeline_mode = #tpu.pipeline_mode<synchronous>, transform_indices = @transform_13, window_bounds = array<i64: 16, 128>}, {pipeline_mode = #tpu.pipeline_mode<synchronous>, transform_indices = @transform_14, window_bounds = array<i64: 1, 128>}, {transform_indices = @transform_15, window_bounds = array<i64: 1264, 128>}]} {
    %get3A = arith.constant 0 : index
    %get3A_0 = arith.constant 0 : index
    %get3A_1 = vector.load %arg1[%get3A, %get3A_0] : memref<1264x128xf32, #tpu.memory_space<vmem>>, vector<1264x128xf32>
    %get3A_2 = arith.constant 0 : index
    %get3A_3 = arith.constant 0 : index
    %get3A_4 = vector.load %arg2[%get3A_2, %get3A_3] : memref<1264x128xf32, #tpu.memory_space<vmem>>, vector<1264x128xf32>
    %get3A_5 = arith.constant 0 : index
    %get3A_6 = arith.constant 0 : index
    %get3A_7 = vector.load %arg3[%get3A_5, %get3A_6] : memref<1264x16xf32, #tpu.memory_space<vmem>>, vector<1264x16xf32>
    %get3A_8 = arith.constant 0 : index
    %get3A_9 = arith.constant 0 : index
    %get3A_10 = vector.load %arg4[%get3A_8, %get3A_9] : memref<1264x16xf32, #tpu.memory_space<vmem>>, vector<1264x16xf32>
    %get3A_11 = arith.constant 0 : index
    %get3A_12 = arith.constant 0 : index
    %get3A_13 = vector.load %arg5[%get3A_11, %get3A_12] : memref<1264x128xf32, #tpu.memory_space<vmem>>, vector<1264x128xf32>
    %get3A_14 = arith.constant 0 : index
    %get3A_15 = arith.constant 0 : index
    %get3A_16 = vector.load %arg6[%get3A_14, %get3A_15] : memref<1264x16xf32, #tpu.memory_space<vmem>>, vector<1264x16xf32>
    %get3A_17 = arith.constant 0 : index
    %get3A_18 = arith.constant 0 : index
    %get3A_19 = vector.load %arg7[%get3A_17, %get3A_18] : memref<1264x128xf32, #tpu.memory_space<vmem>>, vector<1264x128xf32>
    %get3A_20 = arith.constant 0 : index
    %get3A_21 = arith.constant 0 : index
    %get3A_22 = vector.load %arg8[%get3A_20, %get3A_21] : memref<1x128xf32, #tpu.memory_space<vmem>>, vector<1x128xf32>
    %get3A_23 = arith.constant 0 : index
    %get3A_24 = arith.constant 0 : index
    %get3A_25 = vector.load %arg9[%get3A_23, %get3A_24] : memref<1x128xf32, #tpu.memory_space<vmem>>, vector<1x128xf32>
    %get3A_26 = arith.constant 0 : index
    %get3A_27 = arith.constant 0 : index
    %get3A_28 = vector.load %arg10[%get3A_26, %get3A_27] : memref<1x128xf32, #tpu.memory_space<vmem>>, vector<1x128xf32>
    %get3A_29 = arith.constant 0 : index
    %get3A_30 = arith.constant 0 : index
    %get3A_31 = vector.load %arg11[%get3A_29, %get3A_30] : memref<4x128xf32, #tpu.memory_space<vmem>>, vector<4x128xf32>
    %slice3A = vector.extract_strided_slice %get3A_16 {offsets = [0, 0], sizes = [1264, 4], strides = [1, 1]} : vector<1264x16xf32> to vector<1264x4xf32>
    %slice3A_32 = vector.extract_strided_slice %get3A_16 {offsets = [0, 4], sizes = [1264, 4], strides = [1, 1]} : vector<1264x16xf32> to vector<1264x4xf32>
    %add3A = arith.addf %slice3A, %slice3A_32 : vector<1264x4xf32>
    %mul3A = arith.constant 2.000000e-01 : f32
    %mul3A_33 = vector.broadcast %mul3A : f32 to vector<1264x4xf32>
    %mul3A_34 = arith.mulf %mul3A_33, %add3A : vector<1264x4xf32>
    %max3A = arith.maximumf %add3A, %mul3A_34 : vector<1264x4xf32>
    %exp3A = math.exp %max3A : vector<1264x4xf32>
    %slice3A_35 = vector.extract_strided_slice %get3A_7 {offsets = [0, 0], sizes = [1264, 4], strides = [1, 1]} : vector<1264x16xf32> to vector<1264x4xf32>
    %slice3A_36 = vector.extract_strided_slice %get3A_10 {offsets = [0, 0], sizes = [1264, 4], strides = [1, 1]} : vector<1264x16xf32> to vector<1264x4xf32>
    %add3A_37 = arith.addf %slice3A_35, %slice3A_36 : vector<1264x4xf32>
    %add3A_38 = arith.addf %add3A_37, %exp3A : vector<1264x4xf32>
    %dot_general3A = arith.constant dense<0.000000e+00> : vector<1264x128xf32>
    %dot_general3A_39 = tpu.matmul %add3A_38, %get3A_31, %dot_general3A {dimension_numbers = #tpu.dot_dimension_numbers<[1], [0], [0], [1], [0, 0, 1, 1], [], []>, transpose_lhs_hint = false} : vector<1264x4xf32>, vector<4x128xf32>, vector<1264x128xf32> -> vector<1264x128xf32>
    %add3A_40 = arith.addf %get3A_1, %get3A_4 : vector<1264x128xf32>
    %dot_general3A_41 = arith.constant dense<0.000000e+00> : vector<1264x128xf32>
    %dot_general3A_42 = tpu.matmul %exp3A, %get3A_31, %dot_general3A_41 {dimension_numbers = #tpu.dot_dimension_numbers<[1], [0], [0], [1], [0, 0, 1, 1], [], []>, transpose_lhs_hint = false} : vector<1264x4xf32>, vector<4x128xf32>, vector<1264x128xf32> -> vector<1264x128xf32>
    %mul3A_43 = arith.mulf %dot_general3A_42, %get3A_13 : vector<1264x128xf32>
    %add3A_44 = arith.addf %add3A_40, %mul3A_43 : vector<1264x128xf32>
    %add3A_45 = arith.constant 1.000000e-16 : f32
    %add3A_46 = vector.broadcast %add3A_45 : f32 to vector<1264x128xf32>
    %add3A_47 = arith.addf %dot_general3A_39, %add3A_46 : vector<1264x128xf32>
    %div3A = arith.divf %add3A_44, %add3A_47 : vector<1264x128xf32>
    %add3A_48 = vector.broadcast %get3A_28 : vector<1x128xf32> to vector<1264x128xf32>
    %add3A_49 = arith.addf %div3A, %add3A_48 : vector<1264x128xf32>
    %add3A_50 = arith.addf %get3A_19, %add3A_49 : vector<1264x128xf32>
    %reduce_sum3A = arith.constant dense<0.000000e+00> : vector<1264xf32>
    %reduce_sum3A_51 = vector.multi_reduction <add>, %add3A_50, %reduce_sum3A [1] : vector<1264x128xf32> to vector<1264xf32>
    %broadcast_in_dim3A = vector.shape_cast %reduce_sum3A_51 : vector<1264xf32> to vector<1264x1xf32>
    %div3A_52 = arith.constant 1.280000e+02 : f32
    %div3A_53 = vector.broadcast %div3A_52 : f32 to vector<1264x1xf32>
    %div3A_54 = arith.divf %broadcast_in_dim3A, %div3A_53 : vector<1264x1xf32>
    %sub3A = vector.broadcast %div3A_54 : vector<1264x1xf32> to vector<1264x128xf32>
    %sub3A_55 = arith.subf %add3A_50, %sub3A : vector<1264x128xf32>
    %integer_pow3A = arith.mulf %sub3A_55, %sub3A_55 : vector<1264x128xf32>
    %reduce_sum3A_56 = arith.constant dense<0.000000e+00> : vector<1264xf32>
    %reduce_sum3A_57 = vector.multi_reduction <add>, %integer_pow3A, %reduce_sum3A_56 [1] : vector<1264x128xf32> to vector<1264xf32>
    %broadcast_in_dim3A_58 = vector.shape_cast %reduce_sum3A_57 : vector<1264xf32> to vector<1264x1xf32>
    %div3A_59 = arith.constant 1.280000e+02 : f32
    %div3A_60 = vector.broadcast %div3A_59 : f32 to vector<1264x1xf32>
    %div3A_61 = arith.divf %broadcast_in_dim3A_58, %div3A_60 : vector<1264x1xf32>
    %sub3A_62 = vector.broadcast %div3A_54 : vector<1264x1xf32> to vector<1264x128xf32>
    %sub3A_63 = arith.subf %add3A_50, %sub3A_62 : vector<1264x128xf32>
    %add3A_64 = arith.constant 9.99999974E-6 : f32
    %add3A_65 = vector.broadcast %add3A_64 : f32 to vector<1264x1xf32>
    %add3A_66 = arith.addf %div3A_61, %add3A_65 : vector<1264x1xf32>
    %rsqrt3A = math.rsqrt %add3A_66 : vector<1264x1xf32>
    %mul3A_67 = vector.broadcast %rsqrt3A : vector<1264x1xf32> to vector<1264x128xf32>
    %mul3A_68 = arith.mulf %sub3A_63, %mul3A_67 : vector<1264x128xf32>
    %mul3A_69 = vector.broadcast %get3A_22 : vector<1x128xf32> to vector<1264x128xf32>
    %mul3A_70 = arith.mulf %mul3A_68, %mul3A_69 : vector<1264x128xf32>
    %add3A_71 = vector.broadcast %get3A_25 : vector<1x128xf32> to vector<1264x128xf32>
    %add3A_72 = arith.addf %mul3A_70, %add3A_71 : vector<1264x128xf32>
    %max3A_73 = arith.constant 0.000000e+00 : f32
    %max3A_74 = vector.broadcast %max3A_73 : f32 to vector<1264x128xf32>
    %max3A_75 = arith.maximumf %add3A_72, %max3A_74 : vector<1264x128xf32>
    %get3A_76 = arith.constant 0 : index
    %get3A_77 = arith.constant 0 : index
    %get3A_78 = vector.load %arg12[%get3A_76, %get3A_77] : memref<128x16xf32, #tpu.memory_space<vmem>>, vector<128x16xf32>
    %dot_general3A_79 = arith.constant dense<0.000000e+00> : vector<1264x16xf32>
    %dot_general3A_80 = tpu.matmul %max3A_75, %get3A_78, %dot_general3A_79 {dimension_numbers = #tpu.dot_dimension_numbers<[1], [0], [0], [1], [0, 0, 1, 1], [], []>, transpose_lhs_hint = false} : vector<1264x128xf32>, vector<128x16xf32>, vector<1264x16xf32> -> vector<1264x16xf32>
    %get3A_81 = arith.constant 0 : index
    %get3A_82 = arith.constant 0 : index
    %get3A_83 = vector.load %arg13[%get3A_81, %get3A_82] : memref<1x16xf32, #tpu.memory_space<vmem>>, vector<1x16xf32>
    %add3A_84 = vector.broadcast %get3A_83 : vector<1x16xf32> to vector<1264x16xf32>
    %add3A_85 = arith.addf %dot_general3A_80, %add3A_84 : vector<1264x16xf32>
    %max3A_86 = arith.constant 0.000000e+00 : f32
    %max3A_87 = vector.broadcast %max3A_86 : f32 to vector<1264x16xf32>
    %max3A_88 = arith.maximumf %add3A_85, %max3A_87 : vector<1264x16xf32>
    %get3A_89 = arith.constant 0 : index
    %get3A_90 = arith.constant 0 : index
    %get3A_91 = vector.load %arg14[%get3A_89, %get3A_90] : memref<16x128xf32, #tpu.memory_space<vmem>>, vector<16x128xf32>
    %dot_general3A_92 = arith.constant dense<0.000000e+00> : vector<1264x128xf32>
    %dot_general3A_93 = tpu.matmul %max3A_88, %get3A_91, %dot_general3A_92 {dimension_numbers = #tpu.dot_dimension_numbers<[1], [0], [0], [1], [0, 0, 1, 1], [], []>, transpose_lhs_hint = false} : vector<1264x16xf32>, vector<16x128xf32>, vector<1264x128xf32> -> vector<1264x128xf32>
    %get3A_94 = arith.constant 0 : index
    %get3A_95 = arith.constant 0 : index
    %get3A_96 = vector.load %arg15[%get3A_94, %get3A_95] : memref<1x128xf32, #tpu.memory_space<vmem>>, vector<1x128xf32>
    %add3A_97 = vector.broadcast %get3A_96 : vector<1x128xf32> to vector<1264x128xf32>
    %add3A_98 = arith.addf %dot_general3A_93, %add3A_97 : vector<1264x128xf32>
    %swap3A = arith.constant 0 : index
    %swap3A_99 = arith.constant 0 : index
    %swap3A_100 = vector.load %arg16[%swap3A, %swap3A_99] : memref<1264x128xf32, #tpu.memory_space<vmem>>, vector<1264x128xf32>
    tpu.vector_store %arg16[%swap3A, %swap3A_99], %add3A_98 {strides = array<i32>} : memref<1264x128xf32, #tpu.memory_space<vmem>>, vector<1264x128xf32>,
    return
  }
  func.func @transform_0(%arg0: i32) -> (i32, i32) {
    %c0_i32 = arith.constant 0 : i32
    %c0_i32_0 = arith.constant 0 : i32
    return %arg0, %c0_i32 : i32, i32
  }
  func.func @transform_1(%arg0: i32) -> (i32, i32) {
    %c0_i32 = arith.constant 0 : i32
    %c0_i32_0 = arith.constant 0 : i32
    return %arg0, %c0_i32 : i32, i32
  }
  func.func @transform_2(%arg0: i32) -> (i32, i32) {
    %c0_i32 = arith.constant 0 : i32
    %c0_i32_0 = arith.constant 0 : i32
    return %arg0, %c0_i32 : i32, i32
  }
  func.func @transform_3(%arg0: i32) -> (i32, i32) {
    %c0_i32 = arith.constant 0 : i32
    %c0_i32_0 = arith.constant 0 : i32
    return %arg0, %c0_i32 : i32, i32
  }
  func.func @transform_4(%arg0: i32) -> (i32, i32) {
    %c0_i32 = arith.constant 0 : i32
    %c0_i32_0 = arith.constant 0 : i32
    return %arg0, %c0_i32 : i32, i32
  }
  func.func @transform_5(%arg0: i32) -> (i32, i32) {
    %c0_i32 = arith.constant 0 : i32
    %c0_i32_0 = arith.constant 0 : i32
    return %arg0, %c0_i32 : i32, i32
  }
  func.func @transform_6(%arg0: i32) -> (i32, i32) {
    %c0_i32 = arith.constant 0 : i32
    %c0_i32_0 = arith.constant 0 : i32
    return %arg0, %c0_i32 : i32, i32
  }
  func.func @transform_7(%arg0: i32) -> (i32, i32) {
    %c0_i32 = arith.constant 0 : i32
    %c0_i32_0 = arith.constant 0 : i32
    %c0_i32_1 = arith.constant 0 : i32
    return %c0_i32, %c0_i32_0 : i32, i32
  }
  func.func @transform_8(%arg0: i32) -> (i32, i32) {
    %c0_i32 = arith.constant 0 : i32
    %c0_i32_0 = arith.constant 0 : i32
    %c0_i32_1 = arith.constant 0 : i32
    return %c0_i32, %c0_i32_0 : i32, i32
  }
  func.func @transform_9(%arg0: i32) -> (i32, i32) {
    %c0_i32 = arith.constant 0 : i32
    %c0_i32_0 = arith.constant 0 : i32
    %c0_i32_1 = arith.constant 0 : i32
    return %c0_i32, %c0_i32_0 : i32, i32
  }
  func.func @transform_10(%arg0: i32) -> (i32, i32) {
    %c0_i32 = arith.constant 0 : i32
    %c0_i32_0 = arith.constant 0 : i32
    %c0_i32_1 = arith.constant 0 : i32
    return %c0_i32, %c0_i32_0 : i32, i32
  }
  func.func @transform_11(%arg0: i32) -> (i32, i32) {
    %c0_i32 = arith.constant 0 : i32
    %c0_i32_0 = arith.constant 0 : i32
    %c0_i32_1 = arith.constant 0 : i32
    return %c0_i32, %c0_i32_0 : i32, i32
  }
  func.func @transform_12(%arg0: i32) -> (i32, i32) {
    %c0_i32 = arith.constant 0 : i32
    %c0_i32_0 = arith.constant 0 : i32
    %c0_i32_1 = arith.constant 0 : i32
    return %c0_i32, %c0_i32_0 : i32, i32
  }
  func.func @transform_13(%arg0: i32) -> (i32, i32) {
    %c0_i32 = arith.constant 0 : i32
    %c0_i32_0 = arith.constant 0 : i32
    %c0_i32_1 = arith.constant 0 : i32
    return %c0_i32, %c0_i32_0 : i32, i32
  }
  func.func @transform_14(%arg0: i32) -> (i32, i32) {
    %c0_i32 = arith.constant 0 : i32
    %c0_i32_0 = arith.constant 0 : i32
    %c0_i32_1 = arith.constant 0 : i32
    return %c0_i32, %c0_i32_0 : i32, i32
  }
  func.func @transform_15(%arg0: i32) -> (i32, i32) {
    %c0_i32 = arith.constant 0 : i32
    %c0_i32_0 = arith.constant 0 : i32
    return %arg0, %c0_i32 : i32, i32
  }
}

</mosaic_0001>

<sc_bundles>
// kernel: kernel.10.cloned.1.call-start
scs
__scs_entry_jumppad:
0x0: {  	(pc) =	sbr.rel $0x88, $3  }
0x1: {  	(tag) =	ssettag $0x0;
	lr =	simm.s32 $0x1  }
0x2: {  	[smem:$0x3F8D] =	sst lr;
	_ =	strace $0xD0000000  }
0x3: {  	_ = 	snop  }
0x4: {  	_ = 	snop  }
0x5: {  	_ = 	snop  }
0x6: {  	_ = 	snop  }
0x7: {  	_ = 	snop  }
__scs_overlays_trampoline_lowered:
0x8: {  	[smem:$0x3F9C] =	sst s0  }
0x9: {  	[smem:$0x3F9D] =	sst s1  }
0xa: {  	[smem:$0x3F9E] =	sst s2  }
0xb: {  	[smem:$0x3F9F] =	sst s3  }
0xc: {  	[smem:$0x3FA0] =	sst s4  }
0xd: {  	[smem:$0x3FA1] =	sst s5  }
0xe: {  	[smem:$0x3FA2] =	sst s6  }
0xf: {  	[smem:$0x3FA3] =	sst s7  }
0x10: {  	[smem:$0x3FA4] =	sst s8  }
0x11: {  	[smem:$0x3FA5] =	sst s9;
	s0 =	simm.s32 @!p0 $0x0  }
0x12: {  	s1 =	sld [smem:$0x3F8B];
	s0 =	simm.s32 @p0 $0x1  }
0x13: {  	[smem:$0x3FA6] =	sst s0;
	s0 =	simm.s32 @!p1 $0x0  }
0x14: {  	s2 =	sld [smem:$0x3F8A];
	s0 =	simm.s32 @p1 $0x1  }
0x15: {  	[smem:$0x3FA7] =	sst s0;
	s0 =	simm.s32 @!p2 $0x0  }
0x16: {  	s3 =	sld [smem:$0x3FDB];
	s0 =	simm.s32 @p2 $0x1  }
0x17: {  	s4 =	simm.s32 $0x1BF5;
	[smem:$0x3FA9] =	sst s0  }
0x18: {  	s0 =	sld [smem:$0x3F8C];
	_ =	swait.ge [sflag:s4], $0x0  }
0x19: {  	s7 =	sld [smem:$0x3F8D]  }
0x1a: {  	s8 =	sadd.s32 $0xFFFFE003, lr  }
0x1b: {  	s9 =	sadd.s32 $0xFFFFFEF7, lr;
	s5 =	simm.s32 $0xFFFFFFFF;
	p2 =	slt.u32 s8, $0xFFFFF086  }
0x1c: {  	p1 =	slt.u32 s9, $0xF7A;
	s5 =	simm.s32 @!p2 $0x0  }
0x1d: {  	s5 =	simm.s32 @p1 $0x1;
	p0 =	seq.s32 s7, s2  }
0x1e: {  	s7 =	smul.u32 @!p0 $0xF7A, s2;
	p2 =	seq.s32 @!p0 s5, $0x0  }
0x1f: {  	s9 =	smul.u32 $0xF7A, s1;
	s8 =	simm.s32 @!p0 $0x1BF5;
	p2 =	por !p2, p0  }
0x20: {  	[sflag:s8] =	ssyncset.s32 @!p0 $0xFFFFF086;
	s6 =	sadd.s32 @!p0 s3, s7;
	s7 =	simm.s32 @!p0 $0x108  }
0x21: {  	s3 =	sadd.s32 s3, s9;
	s6 =	sadd.s32 @!p0 $0x88, s6;
	s7 =	simm.s32 @p2 $0x1082  }
0x22: {  	[simem:s7], [sflag:s8] =	dma.local @!p0 [hbm:s6], $0xF7A  }
0x23: {  	s9 =	sor.u32 $0xD0000000, s2;
	s6 =	simm.s32 $0x108;
	_ =	swait.ge @!p0 [sflag:s8], $0x0  }
0x24: {  	s3 =	sadd.s32 $0x88, s3;
	s6 =	simm.s32 @!p1 $0x1082;
	[sflag:s4] =	ssyncset.s32 $0xFFFFF086  }
0x25: {  	[simem:s6], [sflag:s4] =	dma.local [hbm:s3], $0xF7A  }
0x26: {  	[smem:$0x3F8D] =	sst s1;
	(tag) =	ssettag s2;
	_ =	strace s9  }
0x27: {  	s1 =	sld [smem:$0x3F9D]  }
0x28: {  	s2 =	sld [smem:$0x3F9E]  }
0x29: {  	s4 =	sld [smem:$0x3FA0]  }
0x2a: {  	p0 =	seq.s32 s5, $0x0;
	s5 =	sld [smem:$0x3FA1]  }
0x2b: {  	s6 =	sld [smem:$0x3FA2]  }
0x2c: {  	s7 =	sld [smem:$0x3FA3]  }
0x2d: {  	s3 =	simm.s32 $0x108;
	s8 =	sld [smem:$0x3FA4]  }
0x2e: {  	s3 =	simm.s32 @!p0 $0x1082;
	s9 =	sld [smem:$0x3FA5]  }
0x2f: {  	lr =	sadd.s32 s0, s3;
	s0 =	sld [smem:$0x3F9C]  }
0x30: {  	s3 =	sld [smem:$0x3F9F]  }
0x31: {  	[smem:$0x3FA8] =	sst s10  }
0x32: {  	s10 =	sld [smem:$0x3FA6];
	_ =	sdelay $0x3  }
0x33: {  	p0 =	seq.s32 s10, $0x1;
	s10 =	sld [smem:$0x3FA8];
	_ =	sdelay $0x3  }
0x34: {  	[smem:$0x3FA8] =	sst s10  }
0x35: {  	s10 =	sld [smem:$0x3FA7];
	_ =	sdelay $0x3  }
0x36: {  	p1 =	seq.s32 s10, $0x1;
	s10 =	sld [smem:$0x3FA8];
	_ =	sdelay $0x3  }
0x37: {  	[smem:$0x3FA8] =	sst s10  }
0x38: {  	s10 =	sld [smem:$0x3FA9]  }
0x39: {  	_ = 	snop;
	(pc) =	sbr.ind lr, $3  }
0x3a: {  	_ = 	snop  }
0x3b: {  	_ = 	snop  }
0x3c: {  	p2 =	seq.s32 s10, $0x1;
	s10 =	sld [smem:$0x3FA8]  }
0x3d: {  	_ =	shalt  }
0x3e: {  	_ =	shalt  }
0x3f: {  	_ =	shalt  }
0x40: {  	_ =	shalt  }
0x41: {  	_ =	shalt  }
0x42: {  	_ =	shalt  }
0x43: {  	_ =	shalt  }
0x44: {  	_ =	shalt  }
0x45: {  	_ =	shalt  }
0x46: {  	_ =	shalt  }
0x47: {  	_ =	shalt  }
0x48: {  	_ =	shalt  }
0x49: {  	_ =	shalt  }
0x4a: {  	_ =	shalt  }
0x4b: {  	_ =	shalt  }
0x4c: {  	_ =	shalt  }
0x4d: {  	_ =	shalt  }
0x4e: {  	_ =	shalt  }
0x4f: {  	_ =	shalt  }
0x50: {  	_ =	shalt  }
0x51: {  	_ =	shalt  }
0x52: {  	_ =	shalt  }
0x53: {  	_ =	shalt  }
0x54: {  	_ =	shalt  }
0x55: {  	_ =	shalt  }
0x56: {  	_ =	shalt  }
0x57: {  	_ =	shalt  }
0x58: {  	_ =	shalt  }
0x59: {  	_ =	shalt  }
0x5a: {  	_ =	shalt  }
0x5b: {  	_ =	shalt  }
0x5c: {  	_ =	shalt  }
0x5d: {  	_ =	shalt  }
0x5e: {  	_ =	shalt  }
0x5f: {  	_ =	shalt  }
0x60: {  	_ =	shalt  }
0x61: {  	_ =	shalt  }
0x62: {  	_ =	shalt  }
0x63: {  	_ =	shalt  }
0x64: {  	_ =	shalt  }
0x65: {  	_ =	shalt  }
0x66: {  	_ =	shalt  }
0x67: {  	_ =	shalt  }
0x68: {  	_ =	shalt  }
0x69: {  	_ =	shalt  }
0x6a: {  	_ =	shalt  }
0x6b: {  	_ =	shalt  }
0x6c: {  	_ =	shalt  }
0x6d: {  	_ =	shalt  }
0x6e: {  	_ =	shalt  }
0x6f: {  	_ =	shalt  }
0x70: {  	_ =	shalt  }
0x71: {  	_ =	shalt  }
0x72: {  	_ =	shalt  }
0x73: {  	_ =	shalt  }
0x74: {  	_ =	shalt  }
0x75: {  	_ =	shalt  }
0x76: {  	_ =	shalt  }
0x77: {  	_ =	shalt  }
0x78: {  	_ =	shalt  }
0x79: {  	_ =	shalt  }
0x7a: {  	_ =	shalt  }
0x7b: {  	_ =	shalt  }
0x7c: {  	_ =	shalt  }
0x7d: {  	_ =	shalt  }
0x7e: {  	_ =	shalt  }
0x7f: {  	_ =	shalt  }
0x80: {  	_ =	shalt  }
0x81: {  	_ =	shalt  }
0x82: {  	_ =	shalt  }
0x83: {  	_ =	shalt  }
0x84: {  	_ =	shalt  }
0x85: {  	_ =	shalt  }
0x86: {  	_ =	shalt  }
0x87: {  	_ =	shalt  }
.Lfunc_end0:
.L_simem_size_0:
called_computation.1_lowered:
.L_overlay_start_0:
0x88: {  	s2 =	sld [smem:$0x3FD9]  }
0x89: {  	s3 =	sld [smem:$0x3FFE];
	_ =	sdelay $0x1  }
0x8a: {  	s1 =	srdreg.scid  }
0x8b: {  	s0 =	sand.u32 $0x1, s1  }
0x8c: {  	s16 =	sshll.u32 s0, $0xA;
	s2 =	sadd.s32 s3, s2  }
0x8d: {  	s2 =	sadd.s32 s2, s16  }
0x8e: {  	[smem:$0x3FB4] =	sst s2  }
0x8f: {  	_ = 	snop  }
0x90: {  	(tm) =	ssettm $0x1  }
0x91: {  	s17 =	sld [smem:$0x3FFB];
	_ =	sdelay $0x3  }
0x92: {  	_ =	strace s17  }
0x93: {  	s2 =	sld [smem:$0x3FFC];
	_ =	sdelay $0x3  }
0x94: {  	_ =	strace s2  }
0x95: {  	s2 =	sld [smem:$0x3FFD];
	_ =	sdelay $0x3  }
0x96: {  	_ =	strace s2  }
0x97: {  	_ =	strace $0x8FFFFFFF  }
0x98: {  	s18 =	sld [smem:$0x3FDB];
	_ =	sdelay $0x1  }
0x99: {  	s19 =	simm.s32 $_scs_section_size  }
0x9a: {  	s4 =	simm.s32 $_size__tile_overlayer_lowered;
	s5 =	simm.s32 $_tile_overlayer_lowered  }
0x9b: {  	s22 =	simm.s32 $0x1BFF;
	s21 =	sshll.u32 s5, $0x1;
	s2 =	sadd.s32 s19, s18  }
0x9c: {  	s6 =	simm.s32 $0x0;
	s20 =	sshll.u32 s4, $0x1;
	s4 =	sadd.s32 s21, s2  }
0x9d: {  	[timem:s6], [sflag:s22] =	dma.local [hbm:s4], s20  }
0x9e: {  	_ =	swait.ge [sflag:s22], s20  }
0x9f: {  	s3 =	ssub.s32 $0x0, s20;
	[sflag:s22] =	ssyncset.done $0x0  }
0xa0: {  	[sflag:s22] =	ssyncadd.s32 s3;
	_ =	sdelay $0x1  }
0xa1: {  	s23 =	simm.s32 $0x1B8B  }
0xa2: {  	_ =	swait.ge [sflag:s23], $0x1  }
0xa3: {  	[sflag:s23] =	ssyncset.done $0x0  }
0xa4: {  	s25 =	simm.s32 $0x1B8E;
	s24 =	sld [smem:$0x3FFE];
	[sflag:s23] =	ssyncadd.s32 $0xFFFFFFFF  }
0xa5: {  	s26 =	simm.s32 $execute0_lowered;
	[smem:$0x3FD2] =	sst s25  }
0xa6: {  	s4 =	sshll.u32 s26, $0x1;
	_ =	strace $0x80000049;
	[dreg:$0x1] =	wrdreg $0xFFFFFFFF  }
0xa7: {  	s28 =	simm.s32 $_size_execute0_lowered;
	s2 =	sadd.s32 s2, s4;
	[dreg:$0x0] =	wrdreg $0x0  }
0xa8: {  	s4 =	sshll.u32 s28, $0x1;
	[dreg:$0x2] =	wrdreg s2  }
0xa9: {  	[dreg:$0x3] =	wrdreg s4  }
0xaa: {  	[dreg:$0x4] =	wrdreg $0xC0  }
0xab: {  	_ =	task [dreg:s6], $0x5FFFF  }
0xac: {  	[dreg:$0x1] =	wrdreg $0xFFFFFFFF  }
0xad: {  	[dreg:$0x0] =	wrdreg $0x60  }
0xae: {  	[dreg:$0x2] =	wrdreg s24  }
0xaf: {  	[dreg:$0x3] =	wrdreg $0x0  }
0xb0: {  	[dreg:$0x4] =	wrdreg $0x13C000  }
0xb1: {  	[dreg:$0x5] =	wrdreg $0x9  }
0xb2: {  	_ =	task.clear_ibuf [dreg:s6], $0x6FFFF;
	_ =	strace $0x90000049  }
0xb3: {  	s29 =	simm.s32 $0x9;
	_ =	strace $0x8000004B  }
0xb4: {  	_ =	swait.ge [sflag:s29], $0x1  }
0xb5: {  	[sflag:s29] =	ssyncadd.s32 $0xFFFFFFFF  }
0xb6: {  	_ =	strace $0x9000004B  }
0xb7: {  	_ =	sfence  }
0xb8: {  	s30 =	sld [smem:$0x0];
	_ =	sdelay $0x2  }
0xb9: {  	s31 =	sshll.u32 s1, $0xD;
	s1 =	sshrl.u32 s1, $0x2  }
0xba: {  	s3 =	sand.u32 $0x4000, s31;
	s1 =	sadd.s32 s1, s30  }
0xbb: {  	s0 =	sor.u32 s3, s0;
	s1 =	sshll.u32 s1, $0x11  }
0xbc: {  	s0 =	sor.u32 s1, s0  }
0xbd: {  	s0 =	sadd.s32 $0x8F2B, s0  }
0xbe: {  	[sflag:s0] =	ssyncadd.remote.s32 $0x1  }
0xbf: {  	_ =	sfence.sel $0xFFFF  }
0xc0: {  	[dreg:$0x0] =	wrdreg $0xFFFFFFFF;
	(pc) =	sbr.abs _section_cstart, $3  }
0xc1: {  	[dreg:$0x1] =	wrdreg $0xFFFFFFFF  }
0xc2: {  	_ =	task.clear_ibuf [dreg:s6], $0x2FFFF;
	_ =	strace $0x9FFFFFFF  }
0xc3: {  	(tm) =	ssettm $0x7FFFFFFF  }
tec
execute0_lowered:
.L_overlay_start_1:
0x0: {  	(tag) =	ssettag $0x1  }
0x1: {  	s0 =	rddreg [dreg:$0x0]  }
0x2: {  	s2 =	rddreg [dreg:$0x1]  }
0x3: {  	s3 =	rddreg [dreg:$0x2]  }
0x4: {  	s28 =	simm.s32 $0x0;
	s4 =	stileid.u32;
	s1 =	srdreg.scid  }
0x5: {  	s31 =	simm.s32 $0x0;
	[smem:$0x7FF] =	sst s28;
	s5 =	smul.u32 $0x2780, s4  }
0x6: {  	s1 =	sand.u32 $0x1, s1;
	s7 =	sadd.s32 $0x94200, s0;
	s8 =	sadd.s32 $0xCA800, s0  }
0x7: {  	s11 =	sshll.u32 s4, $0x1;
	s12 =	sshll.u32 s4, $0xB;
	s13 =	sor.u32 $0x10, s4  }
0x8: {  	s14 =	sor.u32 $0x20, s4;
	s17 =	sor.u32 $0x30, s4;
	p0 =	seq.s32 s4, $0xF  }
0x9: {  	_ =	strace $0x8000004A;
	s6 =	smul.u32 $0x27800, s1;
	s9 =	ssub.s32 $0x2, s1  }
0xa: {  	s30 =	sor.u32 s1, s11;
	s1 =	smul.u32 $0x13C000, s1;
	s11 =	sshll.u32 s4, $0xE  }
0xb: {  	s12 =	sadd.s32 s7, s12;
	s15 =	sshll.u32 s13, $0xB;
	s13 =	sshll.u32 s13, $0xE  }
0xc: {  	s16 =	sshll.u32 s14, $0xB;
	s14 =	sshll.u32 s14, $0xE;
	s19 =	sshll.u32 s17, $0xE  }
0xd: {  	s10 =	sshrl.u32 s9, $0x1;
	[dreg:$0x5] =	wrdreg s12;
	s12 =	sadd.s32 s7, s15  }
0xe: {  	s15 =	sor.u32 $0x40, s4;
	s24 =	sshrl.u32 s5, $0x3;
	s25 =	smul.u32 $0x2760, s30  }
0xf: {  	s26 =	sadd.s32 s5, s3;
	s6 =	sadd.s32 s5, s6;
	s9 =	ssub.s32 s9, s10  }
0x10: {  	[dreg:$0x6] =	wrdreg s12;
	s12 =	sadd.s32 s7, s16;
	s16 =	sadd.s32 s1, s11  }
0x11: {  	s21 =	sadd.s32 s1, s14;
	s22 =	sadd.s32 s1, s19;
	[dreg:$0xf] =	wrdreg s26  }
0x12: {  	s26 =	sadd.s32 s19, s2;
	s19 =	simm.s32 $0x1B240;
	[dreg:$0x7] =	wrdreg s12  }
0x13: {  	s12 =	sshll.u32 s17, $0xB;
	s16 =	sshrl.u32 s16, $0x3;
	s17 =	sadd.s32 s1, s13  }
0x14: {  	s6 =	sshrl.u32 s6, $0x3;
	s30 =	sshrl.u32 s25, $0x3;
	s10 =	smax.u32 s9, $0x1  }
0x15: {  	[dreg:$0x18] =	wrdreg s26;
	s9 =	simm.s32 $0x16460;
	s26 =	simm.s32 $0x1F840  }
0x16: {  	s12 =	sadd.s32 s7, s12;
	s18 =	sadd.s32 s8, s16;
	s20 =	sshrl.u32 s17, $0x3  }
0x17: {  	s6 =	sadd.s32 s6, s0;
	s16 =	sadd.s32 $0x7B600, s0;
	[dreg:$0x14] =	wrdreg s10  }
0x18: {  	s17 =	sadd.s32 $0x8A400, s0;
	s10 =	simm.s32 $0x19C60;
	[dreg:$0x8] =	wrdreg s12  }
0x19: {  	s12 =	sshll.u32 s15, $0xE;
	s15 =	sshll.u32 s15, $0xB;
	[dreg:$0xa] =	wrdreg s18  }
0x1a: {  	s18 =	sadd.s32 $0x80600, s0;
	s5 =	sadd.s32 s17, s30;
	s7 =	sadd.s32 s7, s15  }
0x1b: {  	s15 =	sshrl.u32 s22, $0x3;
	s1 =	sadd.s32 s1, s12;
	[dreg:$0x11] =	wrdreg s5  }
0x1c: {  	s22 =	sadd.s32 s13, s2;
	s5 =	simm.s32 $0x5;
	s13 =	simm.s32 $0x1B160  }
0x1d: {  	[dreg:$0x9] =	wrdreg s7;
	s7 =	sadd.s32 s8, s20;
	s23 =	sadd.s32 s8, s15  }
0x1e: {  	s1 =	sshrl.u32 s1, $0x3;
	s15 =	sadd.s32 $0x4E00, s0;
	[dreg:$0x16] =	wrdreg s22  }
0x1f: {  	s20 =	sadd.s32 s11, s2;
	s11 =	simm.s32 $0x1A360;
	[dreg:$0xb] =	wrdreg s7  }
0x20: {  	s22 =	simm.s32 $0x1AA60;
	s7 =	sshrl.u32 s21, $0x3;
	[dreg:$0xd] =	wrdreg s23  }
0x21: {  	s1 =	sadd.s32 s8, s1;
	s23 =	sadd.s32 $0x70, s25;
	[dreg:$0x15] =	wrdreg s20  }
0x22: {  	s21 =	sshll.u32 s4, $0x6;
	s20 =	simm.s32 $0x1EA40;
	s7 =	sadd.s32 s8, s7  }
0x23: {  	[dreg:$0xe] =	wrdreg s1;
	s1 =	sadd.s32 s24, s0;
	s0 =	sadd.s32 s18, s30  }
0x24: {  	s24 =	sadd.s32 $0xE0, s25;
	s8 =	sadd.s32 $0xC0A00, s6;
	[dreg:$0xc] =	wrdreg s7  }
0x25: {  	s29 =	sor.u32 $0x1C05, s21;
	s25 =	sadd.s32 s14, s2;
	[dreg:$0x12] =	wrdreg s0  }
0x26: {  	s30 =	sadd.s32 s12, s2;
	s12 =	simm.s32 $0x1;
	[dreg:$0x13] =	wrdreg s8  }
0x27: {  	s14 =	simm.s32 $0x1B1D0;
	s21 =	simm.s32 $0x1F140;
	[dreg:$0x17] =	wrdreg s25  }
0x28: {  	v1 =	vlaneseq.u32;
	s1 =	sadd.s32 $0xBBA00, s1;
	[dreg:$0x19] =	wrdreg s30;
	s7 =	simm.s32 $0x163F0  }
0x29: {  	v0 =	vimm.f32 $0.0e+00;
	v1 =	vmul.u32 $0x10, v1;
	s8 =	simm.s32 $0x70;
	s25 =	simm.s32 $0x2;
	[dreg:$0x10] =	wrdreg s1  }
.LBB2_1:
0x2a: {  	[dreg:$0x4] =	wrdreg s28  }
0x2b: {  	s0 =	rddreg [dreg:$0x15]  }
0x2c: {  	s4 =	rddreg [dreg:$0x5];
	s1 =	sshrl.u32 s0, $0x3  }
0x2d: {  	[dreg:$0x1a] =	wrdreg s1  }
0x2e: {  	[spmem:s1], [sflag:s29] =	dma.local [hbm:s4], $0x800  }
0x2f: {  	_ =	swait.ge [sflag:s5], $0x800  }
0x30: {  	s6 =	rddreg [dreg:$0x16]  }
0x31: {  	[sflag:s5] =	ssyncset.done $0x0;
	s30 =	rddreg [dreg:$0x6];
	s28 =	sshrl.u32 s6, $0x3  }
0x32: {  	[sflag:s5] =	ssyncadd.s32 $0xFFFFF800;
	[dreg:$0x1b] =	wrdreg s28  }
0x33: {  	[spmem:s28], [sflag:s29] =	dma.local [hbm:s30], $0x800  }
0x34: {  	_ =	swait.ge [sflag:s5], $0x800  }
0x35: {  	s4 =	rddreg [dreg:$0x17]  }
0x36: {  	[sflag:s5] =	ssyncset.done $0x0;
	s28 =	rddreg [dreg:$0x7];
	s6 =	sshrl.u32 s4, $0x3  }
0x37: {  	[sflag:s5] =	ssyncadd.s32 $0xFFFFF800;
	[dreg:$0x1c] =	wrdreg s6  }
0x38: {  	[spmem:s6], [sflag:s29] =	dma.local [hbm:s28], $0x800  }
0x39: {  	_ =	swait.ge [sflag:s5], $0x800  }
0x3a: {  	s30 =	rddreg [dreg:$0x18]  }
0x3b: {  	[sflag:s5] =	ssyncset.done $0x0;
	s4 =	rddreg [dreg:$0x8];
	s0 =	sshrl.u32 s30, $0x3  }
0x3c: {  	[sflag:s5] =	ssyncadd.s32 $0xFFFFF800;
	[dreg:$0x1d] =	wrdreg s0  }
0x3d: {  	[spmem:s0], [sflag:s29] =	dma.local [hbm:s4], $0x800  }
0x3e: {  	_ =	swait.ge [sflag:s5], $0x800  }
0x3f: {  	s0 =	rddreg [dreg:$0x19]  }
0x40: {  	[sflag:s5] =	ssyncset.done $0x0;
	s1 =	sshrl.u32 @!p0 s0, $0x3;
	s0 =	rddreg [dreg:$0x9]  }
0x41: {  	[sflag:s5] =	ssyncadd.s32 $0xFFFFF800;
	[dreg:$0x1e] =	wrdreg s1  }
0x42: {  	[spmem:s1], [sflag:s29] =	dma.local @!p0 [hbm:s0], $0x800  }
0x43: {  	s0 =	simm.s32 @!p0 $0x5  }
0x44: {  	_ =	swait.ge @!p0 [sflag:s0], $0x800  }
0x45: {  	s6 =	rddreg [dreg:$0xf]  }
0x46: {  	[sflag:s0] =	ssyncset.done @!p0 $0x0;
	s30 =	rddreg [dreg:$0x10];
	s28 =	sshrl.u32 s6, $0x3  }
0x47: {  	[sflag:s0] =	ssyncadd.s32 @!p0 $0xFFFFF800;
	[dreg:$0x1f] =	wrdreg s28  }
0x48: {  	[spmem:s28], [sflag:s29] =	dma.local [hbm:s30], $0x4F0  }
0x49: {  	_ =	swait.ge [sflag:s5], $0x4F0  }
0x4a: {  	[sflag:s5] =	ssyncset.done $0x0  }
0x4b: {  	s1 =	simm.s32 $0x0;
	s0 =	simm.s32 $0x40;
	[sflag:s5] =	ssyncadd.s32 $0xFFFFFB10  }
.LBB2_2:
0x4c: {  	p1 =	sne.s32 s0, $0x1BC0;
	[tilespmem:s1+$0x1AA60] =	vst v0;
	s6 =	smov.u32 s0;
	s0 =	sadd.s32 $0x40, s0  }
.Ltmp0:
0x4d: {  	[tilespmem:s1+$0x1F840] =	vst v0;
	(pc) =	sbr.rel @p1 .LBB2_2-.Ltmp0, $2  }
0x4e: {  	_ =	sdelay $0x2  }
0x4f: {  	s1 =	sshra.s32 s6, $0x2  }
0x50: {  	[tilespmem:s1+$0x1AA60] =	vst v0  }
0x51: {  	[tilespmem:s1+$0x1F840] =	vst v0;
	s0 =	rddreg [dreg:$0x11];
	s28 =	simm.s32 $0x16380  }
0x52: {  	[tilespmem:s28], [sflag:$0x5] =	stream.linear.gather [hbm4b:s0+s31], $0x70, $0x38;
	[tilespmem:$0x1FF40] =	vst v63  }
0x53: {  	_ =	swait.ge [sflag:s5], $0x70  }
0x54: {  	[sflag:s5] =	ssyncset.done $0x0  }
0x55: {  	s30 =	rddreg [dreg:$0x12];
	[sflag:s5] =	ssyncadd.s32 $0xFFFFFF90  }
0x56: {  	[tilespmem:s7], [sflag:$0x5] =	stream.linear.gather [hbm4b:s30+s31], $0x70, $0x38;
	[tilespmem:$0x1FF40] =	vst v63  }
0x57: {  	_ =	swait.ge [sflag:s5], $0x70  }
0x58: {  	[sflag:s5] =	ssyncset.done $0x0  }
0x59: {  	[sflag:s5] =	ssyncadd.s32 $0xFFFFFF90  }
0x5a: {  	[tilespmem:s9], [sflag:$0x1] =	stream.indirect.gather [hbm4b:s15+s8], $0x80, s28, s8, $0xb8;
	[tilespmem:$0x1FF40] =	vst v63  }
0x5b: {  	_ = 	snop  }
0x5c: {  	[tilespmem:s10], [sflag:$0x1] =	stream.indirect.gather [hbm4b:s16+s8], $0x10, s28, s8, $0xb8;
	[tilespmem:$0x1FF40] =	vst v63  }
0x5d: {  	_ = 	snop  }
0x5e: {  	[tilespmem:s11], [sflag:$0x1] =	stream.indirect.gather [hbm4b:s16+s8], $0x10, s7, s8, $0xb8;
	[tilespmem:$0x1FF40] =	vst v63  }
0x5f: {  	s0 =	simm.s32 $0x0;
	[bflag:$0x0] =	sbarrier.arrive $0xFFFF  }
.LBB2_4:
0x60: {  	_ =	swait.ge [sflag:s12], $0x3800  }
0x61: {  	[sflag:s12] =	ssyncset.done $0x0  }
0x62: {  	[sflag:s12] =	ssyncadd.s32 $0xFFFFC800  }
0x63: {  	_ =	swait.ge [sflag:s12], $0x700  }
0x64: {  	[sflag:s12] =	ssyncset.done $0x0  }
0x65: {  	[sflag:s12] =	ssyncadd.s32 $0xFFFFF900  }
0x66: {  	_ =	swait.ge [sflag:s12], $0x700  }
0x67: {  	p1 =	seq.s32 s0, $0x0;
	[sflag:s12] =	ssyncset.done $0x0  }
0x68: {  	s6 =	simm.s32 @!p1 $0x4;
	[sflag:s12] =	ssyncadd.s32 $0xFFFFF900  }
0x69: {  	_ =	swait.ge @!p1 [sflag:s6], $0x3800  }
0x6a: {  	s1 =	smul.u32 $0xE0, s0;
	[sflag:s6] =	ssyncset.done @!p1 $0x0  }
0x6b: {  	[sflag:s6] =	ssyncadd.s32 @!p1 $0xFFFFC800  }
0x6c: {  	s28 =	sadd.s32 s1, s23;
	_ =	swait.ge @!p1 [sflag:s6], $0x700  }
0x6d: {  	s28 =	sshrl.u32 s28, $0x3;
	[sflag:s6] =	ssyncset.done @!p1 $0x0  }
0x6e: {  	s4 =	sadd.s32 s17, s28;
	[sflag:s6] =	ssyncadd.s32 @!p1 $0xFFFFF900  }
0x6f: {  	[tilespmem:s13], [sflag:$0x5] =	stream.linear.gather [hbm4b:s4+s31], $0x70, $0x38;
	[tilespmem:$0x1FF40] =	vst v63  }
0x70: {  	_ =	swait.ge [sflag:s5], $0x70  }
0x71: {  	[sflag:s5] =	ssyncset.done $0x0  }
0x72: {  	s28 =	sadd.s32 s18, s28;
	[sflag:s5] =	ssyncadd.s32 $0xFFFFFF90  }
0x73: {  	[tilespmem:s14], [sflag:$0x5] =	stream.linear.gather [hbm4b:s28+s31], $0x70, $0x38;
	[tilespmem:$0x1FF40] =	vst v63  }
0x74: {  	_ =	swait.ge [sflag:s5], $0x70  }
0x75: {  	v2 =	vmov s31;
	[sflag:s5] =	ssyncset.done $0x0  }
0x76: {  	v2 =	vshll.u32 v2, $0x4;
	[sflag:s5] =	ssyncadd.s32 $0xFFFFFF90  }
0x77: {  	v2 =	vor.u32 v1, v2;
	[tilespmem:s19], [sflag:$0x2] =	stream.indirect.gather [hbm4b:s15+s8], $0x80, s13, s8, $0xb8;
	[tilespmem:$0x1FF40] =	vst v63  }
0x78: {  	v3 =	vor.u32 $0x4, v2  }
0x79: {  	[tilespmem:s20], [sflag:$0x2] =	stream.indirect.gather [hbm4b:s16+s8], $0x10, s13, s8, $0xb8;
	[tilespmem:$0x1FF40] =	vst v63  }
0x7a: {  	_ = 	snop  }
0x7b: {  	[tilespmem:s21], [sflag:$0x2] =	stream.indirect.gather [hbm4b:s16+s8], $0x10, s14, s8, $0xb8;
	[tilespmem:$0x1FF40] =	vst v63  }
0x7c: {  	v4 =	vld.idx.msk [tilespmem:v2+s10+$0x0], $0xffff  }
0x7d: {  	v3 =	vld.idx.msk [tilespmem:v3+s11+$0x0], $0xffff;
	_ =	sdelay $0x4  }
0x7e: {  	v3 =	vadd.f32 v3, v4;
	_ =	sdelay $0x1  }
0x7f: {  	v4 =	vmul.f32 $2.000000030e-01, v3;
	_ =	sdelay $0x1  }
0x80: {  	v3 =	vmax.f32 v3, v4  }
0x81: {  	v3 =	vmul.f32 $1.442695020e+00, v3;
	_ =	sdelay $0x1  }
0x82: {  	(erf) = vpow2.f32 v3;
	_ =	sdelay $0x5  }
0x83: {  	v3 =	vor.u32 $0x1, v2  }
0x84: {  	v4 =	vor.u32 $0x5, v2;
	_ =	sdelay $0x1  }
0x85: {  	v5 =	vpop (erf)  }
0x86: {  	[tilespmem:v2+s22+$0x0] =	vst.idx.msk $0xffff, v5  }
0x87: {  	v5 =	vld.idx.msk [tilespmem:v3+s10+$0x0], $0xffff  }
0x88: {  	v4 =	vld.idx.msk [tilespmem:v4+s11+$0x0], $0xffff;
	_ =	sdelay $0x4  }
0x89: {  	v4 =	vadd.f32 v4, v5;
	_ =	sdelay $0x1  }
0x8a: {  	v5 =	vmul.f32 $2.000000030e-01, v4;
	_ =	sdelay $0x1  }
0x8b: {  	v4 =	vmax.f32 v4, v5  }
0x8c: {  	v4 =	vmul.f32 $1.442695020e+00, v4;
	_ =	sdelay $0x1  }
0x8d: {  	(erf) = vpow2.f32 v4;
	_ =	sdelay $0x5  }
0x8e: {  	v4 =	vor.u32 $0x2, v2  }
0x8f: {  	v5 =	vor.u32 $0x6, v2;
	_ =	sdelay $0x1  }
0x90: {  	v6 =	vpop (erf)  }
0x91: {  	[tilespmem:v3+s22+$0x0] =	vst.idx.msk $0xffff, v6  }
0x92: {  	v3 =	vld.idx.msk [tilespmem:v4+s10+$0x0], $0xffff  }
0x93: {  	v5 =	vld.idx.msk [tilespmem:v5+s11+$0x0], $0xffff;
	_ =	sdelay $0x4  }
0x94: {  	v3 =	vadd.f32 v5, v3;
	_ =	sdelay $0x1  }
0x95: {  	v5 =	vmul.f32 $2.000000030e-01, v3;
	_ =	sdelay $0x1  }
0x96: {  	v3 =	vmax.f32 v3, v5  }
0x97: {  	v3 =	vmul.f32 $1.442695020e+00, v3;
	_ =	sdelay $0x1  }
0x98: {  	(erf) = vpow2.f32 v3;
	_ =	sdelay $0x5  }
0x99: {  	v3 =	vor.u32 $0x3, v2  }
0x9a: {  	v2 =	vor.u32 $0x7, v2;
	_ =	sdelay $0x1  }
0x9b: {  	v5 =	vpop (erf)  }
0x9c: {  	[tilespmem:v4+s22+$0x0] =	vst.idx.msk $0xffff, v5  }
0x9d: {  	v4 =	vld.idx.msk [tilespmem:v3+s10+$0x0], $0xffff  }
0x9e: {  	v2 =	vld.idx.msk [tilespmem:v2+s11+$0x0], $0xffff;
	_ =	sdelay $0x4  }
0x9f: {  	v2 =	vadd.f32 v2, v4;
	_ =	sdelay $0x1  }
0xa0: {  	v4 =	vmul.f32 $2.000000030e-01, v2;
	_ =	sdelay $0x1  }
0xa1: {  	v2 =	vmax.f32 v2, v4  }
0xa2: {  	v2 =	vmul.f32 $1.442695020e+00, v2;
	_ =	sdelay $0x1  }
0xa3: {  	(erf) = vpow2.f32 v2;
	_ =	sdelay $0x2  }
0xa4: {  	s30 =	simm.s32 $0x10  }
0xa5: {  	v4 =	vmov s30  }
0xa6: {  	v4 =	vshll.u32 v4, $0x4  }
0xa7: {  	s6 =	simm.s32 $0x20;
	v2 =	vor.u32 v1, v4  }
.LBB2_5:
0xa8: {  	p1 =	sne.s32 s6, $0x60;
	v4 =	vor.u32 $0x4, v2;
	s28 =	smov.u32 s6;
	s6 =	sadd.s32 $0x10, s6  }
0xa9: {  	_ = 	snop  }
0xaa: {  	v5 =	vpop (erf)  }
0xab: {  	[tilespmem:v3+s22+$0x0] =	vst.idx.msk $0xffff, v5  }
0xac: {  	v3 =	vld.idx.msk [tilespmem:v2+s10+$0x0], $0xffff  }
0xad: {  	v4 =	vld.idx.msk [tilespmem:v4+s11+$0x0], $0xffff;
	_ =	sdelay $0x5  }
0xae: {  	v3 =	vadd.f32 v4, v3;
	_ =	sdelay $0x1  }
0xaf: {  	v4 =	vmul.f32 $2.000000030e-01, v3;
	_ =	sdelay $0x1  }
0xb0: {  	v3 =	vmax.f32 v3, v4  }
0xb1: {  	v3 =	vmul.f32 $1.442695020e+00, v3;
	_ =	sdelay $0x1  }
0xb2: {  	(erf) = vpow2.f32 v3;
	_ =	sdelay $0x5  }
0xb3: {  	v4 =	vor.u32 $0x5, v2;
	v3 =	vor.u32 $0x1, v2;
	_ =	sdelay $0x2  }
0xb4: {  	v5 =	vpop (erf)  }
0xb5: {  	[tilespmem:v2+s22+$0x0] =	vst.idx.msk $0xffff, v5  }
0xb6: {  	v5 =	vld.idx.msk [tilespmem:v3+s10+$0x0], $0xffff  }
0xb7: {  	v4 =	vld.idx.msk [tilespmem:v4+s11+$0x0], $0xffff;
	_ =	sdelay $0x5  }
0xb8: {  	v4 =	vadd.f32 v4, v5;
	_ =	sdelay $0x1  }
0xb9: {  	v5 =	vmul.f32 $2.000000030e-01, v4;
	_ =	sdelay $0x1  }
0xba: {  	v4 =	vmax.f32 v4, v5  }
0xbb: {  	v4 =	vmul.f32 $1.442695020e+00, v4;
	_ =	sdelay $0x1  }
0xbc: {  	(erf) = vpow2.f32 v4;
	_ =	sdelay $0x5  }
0xbd: {  	v5 =	vor.u32 $0x6, v2;
	v4 =	vor.u32 $0x2, v2;
	_ =	sdelay $0x2  }
0xbe: {  	v6 =	vpop (erf)  }
0xbf: {  	[tilespmem:v3+s22+$0x0] =	vst.idx.msk $0xffff, v6  }
0xc0: {  	v3 =	vld.idx.msk [tilespmem:v4+s10+$0x0], $0xffff  }
0xc1: {  	v5 =	vld.idx.msk [tilespmem:v5+s11+$0x0], $0xffff;
	_ =	sdelay $0x5  }
0xc2: {  	v3 =	vadd.f32 v5, v3;
	_ =	sdelay $0x1  }
0xc3: {  	v5 =	vmul.f32 $2.000000030e-01, v3;
	_ =	sdelay $0x1  }
0xc4: {  	v3 =	vmax.f32 v3, v5  }
0xc5: {  	v3 =	vmul.f32 $1.442695020e+00, v3;
	_ =	sdelay $0x1  }
0xc6: {  	(erf) = vpow2.f32 v3;
	_ =	sdelay $0x5  }
0xc7: {  	v3 =	vor.u32 $0x3, v2;
	v2 =	vor.u32 $0x7, v2;
	_ =	sdelay $0x2  }
0xc8: {  	v5 =	vpop (erf)  }
0xc9: {  	[tilespmem:v4+s22+$0x0] =	vst.idx.msk $0xffff, v5  }
0xca: {  	v4 =	vld.idx.msk [tilespmem:v3+s10+$0x0], $0xffff  }
0xcb: {  	v2 =	vld.idx.msk [tilespmem:v2+s11+$0x0], $0xffff;
	_ =	sdelay $0x5  }
0xcc: {  	v2 =	vadd.f32 v2, v4;
	_ =	sdelay $0x1  }
0xcd: {  	v4 =	vmul.f32 $2.000000030e-01, v2;
	_ =	sdelay $0x1  }
0xce: {  	v2 =	vmax.f32 v2, v4  }
0xcf: {  	v2 =	vmul.f32 $1.442695020e+00, v2;
	_ =	sdelay $0x1  }
0xd0: {  	(erf) = vpow2.f32 v2;
	_ =	sdelay $0x1  }
.Ltmp1:
0xd1: {  	(pc) =	sbr.rel @p1 .LBB2_5-.Ltmp1, $4  }
0xd2: {  	_ = 	snop  }
0xd3: {  	v2 =	vmov s28  }
0xd4: {  	v2 =	vshll.u32 v2, $0x4  }
0xd5: {  	v2 =	vor.u32 v1, v2  }
0xd6: {  	_ = 	snop  }
0xd7: {  	v4 =	vor.u32 $0x4, v2;
	_ =	sdelay $0x1  }
0xd8: {  	v5 =	vpop (erf)  }
0xd9: {  	[tilespmem:v3+s22+$0x0] =	vst.idx.msk $0xffff, v5  }
0xda: {  	v3 =	vld.idx.msk [tilespmem:v2+s10+$0x0], $0xffff  }
0xdb: {  	v4 =	vld.idx.msk [tilespmem:v4+s11+$0x0], $0xffff;
	_ =	sdelay $0x4  }
0xdc: {  	v3 =	vadd.f32 v4, v3;
	_ =	sdelay $0x1  }
0xdd: {  	v4 =	vmul.f32 $2.000000030e-01, v3;
	_ =	sdelay $0x1  }
0xde: {  	v3 =	vmax.f32 v3, v4  }
0xdf: {  	v3 =	vmul.f32 $1.442695020e+00, v3;
	_ =	sdelay $0x1  }
0xe0: {  	(erf) = vpow2.f32 v3;
	_ =	sdelay $0x5  }
0xe1: {  	v3 =	vor.u32 $0x1, v2  }
0xe2: {  	v4 =	vor.u32 $0x5, v2;
	_ =	sdelay $0x1  }
0xe3: {  	v5 =	vpop (erf)  }
0xe4: {  	[tilespmem:v2+s22+$0x0] =	vst.idx.msk $0xffff, v5  }
0xe5: {  	v5 =	vld.idx.msk [tilespmem:v3+s10+$0x0], $0xffff  }
0xe6: {  	v4 =	vld.idx.msk [tilespmem:v4+s11+$0x0], $0xffff;
	_ =	sdelay $0x4  }
0xe7: {  	v4 =	vadd.f32 v4, v5;
	_ =	sdelay $0x1  }
0xe8: {  	v5 =	vmul.f32 $2.000000030e-01, v4;
	_ =	sdelay $0x1  }
0xe9: {  	v4 =	vmax.f32 v4, v5  }
0xea: {  	v4 =	vmul.f32 $1.442695020e+00, v4;
	_ =	sdelay $0x1  }
0xeb: {  	(erf) = vpow2.f32 v4;
	_ =	sdelay $0x5  }
0xec: {  	v4 =	vor.u32 $0x2, v2  }
0xed: {  	v5 =	vor.u32 $0x6, v2;
	_ =	sdelay $0x1  }
0xee: {  	v6 =	vpop (erf)  }
0xef: {  	[tilespmem:v3+s22+$0x0] =	vst.idx.msk $0xffff, v6  }
0xf0: {  	v3 =	vld.idx.msk [tilespmem:v4+s10+$0x0], $0xffff  }
0xf1: {  	v5 =	vld.idx.msk [tilespmem:v5+s11+$0x0], $0xffff;
	_ =	sdelay $0x4  }
0xf2: {  	v3 =	vadd.f32 v5, v3;
	_ =	sdelay $0x1  }
0xf3: {  	v5 =	vmul.f32 $2.000000030e-01, v3;
	_ =	sdelay $0x1  }
0xf4: {  	v3 =	vmax.f32 v3, v5  }
0xf5: {  	v3 =	vmul.f32 $1.442695020e+00, v3;
	_ =	sdelay $0x1  }
0xf6: {  	(erf) = vpow2.f32 v3;
	_ =	sdelay $0x5  }
0xf7: {  	v3 =	vor.u32 $0x3, v2  }
0xf8: {  	v2 =	vor.u32 $0x7, v2;
	_ =	sdelay $0x1  }
0xf9: {  	v5 =	vpop (erf)  }
0xfa: {  	[tilespmem:v4+s22+$0x0] =	vst.idx.msk $0xffff, v5  }
0xfb: {  	v4 =	vld.idx.msk [tilespmem:v3+s10+$0x0], $0xffff  }
0xfc: {  	v2 =	vld.idx.msk [tilespmem:v2+s11+$0x0], $0xffff;
	_ =	sdelay $0x4  }
0xfd: {  	v2 =	vadd.f32 v2, v4;
	_ =	sdelay $0x1  }
0xfe: {  	v4 =	vmul.f32 $2.000000030e-01, v2;
	_ =	sdelay $0x1  }
0xff: {  	v2 =	vmax.f32 v2, v4  }
0x100: {  	v2 =	vmul.f32 $1.442695020e+00, v2;
	_ =	sdelay $0x1  }
0x101: {  	(erf) = vpow2.f32 v2;
	_ =	sdelay $0x8  }
0x102: {  	v2 =	vpop (erf)  }
0x103: {  	s6 =	simm.s32 $0x164A0;
	[tilespmem:v3+s22+$0x0] =	vst.idx.msk $0xffff, v2  }
0x104: {  	s28 =	simm.s32 $0x0;
	v3 =	vld [tilespmem:s6+$0xFFFFFFF0]  }
0x105: {  	v2 =	vmov s28;
	v4 =	vld [tilespmem:s6+$0xFFFFFFC0]  }
0x106: {  	v5 =	vld [tilespmem:s6+$0x20]  }
0x107: {  	v6 =	vor.u32 $0x3, v2;
	v8 =	vld [tilespmem:s6+$0xFFFFFFD0]  }
0x108: {  	v7 =	vor.u32 $0x1, v2;
	v10 =	vld [tilespmem:s6+$0xFFFFFFE0]  }
0x109: {  	v11 =	vld [tilespmem:s6+$0x30]  }
0x10a: {  	v12 =	vor.u32 $0x2, v2;
	v9 =	vld.idx.msk [tilespmem:v2+s22+$0x0], $0xffff  }
0x10b: {  	v2 =	vld [tilespmem:s6+$0x0]  }
0x10c: {  	v6 =	vld.idx.msk [tilespmem:v6+s22+$0x0], $0xffff  }
0x10d: {  	v13 =	vld.idx.msk [tilespmem:v7+s22+$0x0], $0xffff  }
0x10e: {  	v7 =	vld [tilespmem:s6+$0x10]  }
0x10f: {  	v14 =	vmul.f32 v4, v9;
	v4 =	vld.idx.msk [tilespmem:v12+s22+$0x0], $0xffff;
	_ =	sdelay $0x1  }
0x110: {  	v9 =	vmul.f32 v8, v9  }
0x111: {  	v8 =	vmul.f32 v5, v6;
	v5 =	vmul.f32 v11, v6  }
0x112: {  	s30 =	simm.s32 $0x16520;
	s28 =	simm.s32 $0x1;
	v6 =	vmul.f32 v10, v13;
	v3 =	vmul.f32 v3, v13;
	[tilespmem:s6+$0xFFFFFFC0] =	vst v14  }
.LBB2_7:
0x113: {  	v10 =	vld [tilespmem:s30+$0xFFFFFFF0];
	p1 =	sne.s32 s28, $0x6F;
	[tilespmem:s6+$0xFFFFFFD0] =	vst v9;
	v2 =	vmul.f32 v2, v4;
	v4 =	vmul.f32 v7, v4;
	s4 =	smov.u32 s28;
	s28 =	sadd.s32 $0x1, s28  }
0x114: {  	s4 =	sshll.u32 s4, $0x4;
	v9 =	vld [tilespmem:s30+$0xFFFFFFC0];
	[tilespmem:s6+$0x20] =	vst v8  }
0x115: {  	v7 =	vmov s4;
	v8 =	vld [tilespmem:s30+$0x20];
	[tilespmem:s6+$0x30] =	vst v5  }
0x116: {  	v5 =	vor.u32 $0x1, v7;
	v11 =	vor.u32 $0x2, v7;
	v12 =	vor.u32 $0x3, v7;
	v13 =	vld [tilespmem:s30+$0xFFFFFFD0];
	[tilespmem:s6+$0xFFFFFFE0] =	vst v6  }
0x117: {  	v6 =	vld [tilespmem:s30+$0xFFFFFFE0];
	[tilespmem:s6+$0x0] =	vst v2  }
0x118: {  	v2 =	vld [tilespmem:s30+$0x0];
	[tilespmem:s6+$0xFFFFFFF0] =	vst v3  }
0x119: {  	v3 =	vld [tilespmem:s30+$0x30];
	[tilespmem:s6+$0x10] =	vst v4;
	s6 =	smov.u32 s30  }
0x11a: {  	v14 =	vld.idx.msk [tilespmem:v7+s22+$0x0], $0xffff  }
0x11b: {  	v12 =	vld.idx.msk [tilespmem:v12+s22+$0x0], $0xffff  }
0x11c: {  	v15 =	vld.idx.msk [tilespmem:v5+s22+$0x0], $0xffff  }
0x11d: {  	v4 =	vld.idx.msk [tilespmem:v11+s22+$0x0], $0xffff  }
.Ltmp2:
0x11e: {  	v7 =	vld [tilespmem:s30+$0x10];
	(pc) =	sbr.rel @p1 .LBB2_7-.Ltmp2, $4  }
0x11f: {  	_ = 	snop  }
0x120: {  	v11 =	vmul.f32 v9, v14;
	v9 =	vmul.f32 v13, v14  }
0x121: {  	v8 =	vmul.f32 v8, v12;
	v5 =	vmul.f32 v3, v12  }
0x122: {  	s30 =	sadd.s32 $0x80, s30;
	v6 =	vmul.f32 v6, v15;
	v3 =	vmul.f32 v10, v15;
	[tilespmem:s6+$0xFFFFFFC0] =	vst v11  }
0x123: {  	[tilespmem:s6+$0xFFFFFFD0] =	vst v9  }
0x124: {  	[tilespmem:s6+$0x20] =	vst v8  }
0x125: {  	[tilespmem:s6+$0x30] =	vst v5  }
0x126: {  	v2 =	vmul.f32 v2, v4;
	[tilespmem:s6+$0xFFFFFFE0] =	vst v6  }
0x127: {  	v4 =	vmul.f32 v7, v4;
	[tilespmem:s6+$0xFFFFFFF0] =	vst v3  }
0x128: {  	[tilespmem:s6+$0x0] =	vst v2  }
0x129: {  	[tilespmem:s6+$0x10] =	vst v4  }
0x12a: {  	[spmem:s2] =	stream.indirect.scatter.add.f32 [tilespmem:s9], [sflag:$0x3], $0x80, s7, s8, $0xb8;
	[tilespmem:$0x1FF40] =	vst v63  }
0x12b: {  	_ = 	snop  }
0x12c: {  	[spmem:s3] =	stream.indirect.scatter.add.f32 [tilespmem:s22], [sflag:$0x3], $0x10, s7, s8, $0xb8;
	[tilespmem:$0x1FF40] =	vst v63  }
0x12d: {  	_ =	swait.ge [sflag:s25], $0x3800  }
0x12e: {  	[sflag:s25] =	ssyncset.done $0x0  }
0x12f: {  	[sflag:s25] =	ssyncadd.s32 $0xFFFFC800  }
0x130: {  	_ =	swait.ge [sflag:s25], $0x700  }
0x131: {  	[sflag:s25] =	ssyncset.done $0x0  }
0x132: {  	[sflag:s25] =	ssyncadd.s32 $0xFFFFF900  }
0x133: {  	_ =	swait.ge [sflag:s25], $0x700  }
0x134: {  	p1 =	seq.s32 s0, $0x2C;
	[sflag:s25] =	ssyncset.done $0x0  }
0x135: {  	s4 =	simm.s32 @!p1 $0x3;
	[sflag:s25] =	ssyncadd.s32 $0xFFFFF900  }
0x136: {  	_ =	swait.ge @!p1 [sflag:s4], $0x3800  }
0x137: {  	[sflag:s4] =	ssyncset.done @!p1 $0x0  }
0x138: {  	[sflag:s4] =	ssyncadd.s32 @!p1 $0xFFFFC800  }
0x139: {  	s1 =	sadd.s32 @!p1 s1, s24;
	_ =	swait.ge @!p1 [sflag:s4], $0x700  }
0x13a: {  	s28 =	simm.s32 @!p1 $0x16380;
	s1 =	sshrl.u32 @!p1 s1, $0x3;
	[sflag:s4] =	ssyncset.done @!p1 $0x0  }
0x13b: {  	s6 =	simm.s32 @!p1 $0x0;
	[sflag:s4] =	ssyncadd.s32 @!p1 $0xFFFFF900;
	s4 =	sadd.s32 @!p1 s17, s1  }
0x13c: {  	[tilespmem:s28], [sflag:$0x5] =	stream.linear.gather @!p1 [hbm4b:s4+s6], $0x70, $0x38;
	[tilespmem:$0x1FF40] =	vst v63  }
0x13d: {  	s4 =	simm.s32 @!p1 $0x5  }
0x13e: {  	_ =	swait.ge @!p1 [sflag:s4], $0x70  }
0x13f: {  	[sflag:s4] =	ssyncset.done @!p1 $0x0  }
0x140: {  	s30 =	simm.s32 @!p1 $0x163F0;
	s1 =	sadd.s32 @!p1 s18, s1;
	[sflag:s4] =	ssyncadd.s32 @!p1 $0xFFFFFF90  }
0x141: {  	[tilespmem:s30], [sflag:$0x5] =	stream.linear.gather @!p1 [hbm4b:s1+s6], $0x70, $0x38;
	[tilespmem:$0x1FF40] =	vst v63  }
0x142: {  	s6 =	simm.s32 $0x0;
	_ =	swait.ge @!p1 [sflag:s4], $0x70  }
0x143: {  	v2 =	vmov s6;
	[sflag:s4] =	ssyncset.done @!p1 $0x0  }
0x144: {  	s1 =	simm.s32 @!p1 $0x70;
	v2 =	vshll.u32 v2, $0x4;
	[sflag:s4] =	ssyncadd.s32 @!p1 $0xFFFFFF90;
	s4 =	simm.s32 @!p1 $0x16460  }
0x145: {  	v2 =	vor.u32 v1, v2;
	[tilespmem:s4], [sflag:$0x1] =	stream.indirect.gather @!p1 [hbm4b:s15+s1], $0x80, s28, s1, $0xb8;
	[tilespmem:$0x1FF40] =	vst v63  }
0x146: {  	s4 =	simm.s32 @!p1 $0x19C60;
	v3 =	vor.u32 $0x4, v2  }
0x147: {  	[tilespmem:s4], [sflag:$0x1] =	stream.indirect.gather @!p1 [hbm4b:s16+s1], $0x10, s28, s1, $0xb8;
	[tilespmem:$0x1FF40] =	vst v63  }
0x148: {  	s4 =	simm.s32 @!p1 $0x1A360  }
0x149: {  	[tilespmem:s4], [sflag:$0x1] =	stream.indirect.gather @!p1 [hbm4b:s16+s1], $0x10, s30, s1, $0xb8;
	[tilespmem:$0x1FF40] =	vst v63  }
0x14a: {  	v4 =	vld.idx.msk [tilespmem:v2+s20+$0x0], $0xffff  }
0x14b: {  	v3 =	vld.idx.msk [tilespmem:v3+s21+$0x0], $0xffff;
	_ =	sdelay $0x4  }
0x14c: {  	v3 =	vadd.f32 v3, v4;
	_ =	sdelay $0x1  }
0x14d: {  	v4 =	vmul.f32 $2.000000030e-01, v3;
	_ =	sdelay $0x1  }
0x14e: {  	v3 =	vmax.f32 v3, v4  }
0x14f: {  	v3 =	vmul.f32 $1.442695020e+00, v3;
	_ =	sdelay $0x1  }
0x150: {  	(erf) = vpow2.f32 v3;
	_ =	sdelay $0x5  }
0x151: {  	v3 =	vor.u32 $0x1, v2  }
0x152: {  	v4 =	vor.u32 $0x5, v2;
	_ =	sdelay $0x1  }
0x153: {  	v5 =	vpop (erf)  }
0x154: {  	[tilespmem:v2+s26+$0x0] =	vst.idx.msk $0xffff, v5  }
0x155: {  	v5 =	vld.idx.msk [tilespmem:v3+s20+$0x0], $0xffff  }
0x156: {  	v4 =	vld.idx.msk [tilespmem:v4+s21+$0x0], $0xffff;
	_ =	sdelay $0x4  }
0x157: {  	v4 =	vadd.f32 v4, v5;
	_ =	sdelay $0x1  }
0x158: {  	v5 =	vmul.f32 $2.000000030e-01, v4;
	_ =	sdelay $0x1  }
0x159: {  	v4 =	vmax.f32 v4, v5  }
0x15a: {  	v4 =	vmul.f32 $1.442695020e+00, v4;
	_ =	sdelay $0x1  }
0x15b: {  	(erf) = vpow2.f32 v4;
	_ =	sdelay $0x5  }
0x15c: {  	v4 =	vor.u32 $0x2, v2  }
0x15d: {  	v5 =	vor.u32 $0x6, v2;
	_ =	sdelay $0x1  }
0x15e: {  	v63 =	vpop (erf)  }
0x15f: {  	[tilespmem:v3+s26+$0x0] =	vst.idx.msk $0xffff, v63  }
0x160: {  	v3 =	vld.idx.msk [tilespmem:v4+s20+$0x0], $0xffff  }
0x161: {  	v5 =	vld.idx.msk [tilespmem:v5+s21+$0x0], $0xffff;
	_ =	sdelay $0x4  }
0x162: {  	v3 =	vadd.f32 v5, v3;
	_ =	sdelay $0x1  }
0x163: {  	v5 =	vmul.f32 $2.000000030e-01, v3;
	_ =	sdelay $0x1  }
0x164: {  	v3 =	vmax.f32 v3, v5  }
0x165: {  	v3 =	vmul.f32 $1.442695020e+00, v3;
	_ =	sdelay $0x1  }
0x166: {  	(erf) = vpow2.f32 v3;
	_ =	sdelay $0x5  }
0x167: {  	v3 =	vor.u32 $0x3, v2  }
0x168: {  	v2 =	vor.u32 $0x7, v2;
	_ =	sdelay $0x1  }
0x169: {  	v5 =	vpop (erf)  }
0x16a: {  	[tilespmem:v4+s26+$0x0] =	vst.idx.msk $0xffff, v5  }
0x16b: {  	v4 =	vld.idx.msk [tilespmem:v3+s20+$0x0], $0xffff  }
0x16c: {  	v2 =	vld.idx.msk [tilespmem:v2+s21+$0x0], $0xffff;
	_ =	sdelay $0x4  }
0x16d: {  	v2 =	vadd.f32 v2, v4;
	_ =	sdelay $0x1  }
0x16e: {  	v4 =	vmul.f32 $2.000000030e-01, v2;
	_ =	sdelay $0x1  }
0x16f: {  	v2 =	vmax.f32 v2, v4  }
0x170: {  	v2 =	vmul.f32 $1.442695020e+00, v2;
	_ =	sdelay $0x1  }
0x171: {  	(erf) = vpow2.f32 v2;
	_ =	sdelay $0x2  }
0x172: {  	s30 =	simm.s32 $0x10  }
0x173: {  	v4 =	vmov s30  }
0x174: {  	v4 =	vshll.u32 v4, $0x4  }
0x175: {  	s1 =	simm.s32 $0x20;
	v2 =	vor.u32 v1, v4  }
.LBB2_9:
0x176: {  	p1 =	sne.s32 s1, $0x60;
	v4 =	vor.u32 $0x4, v2;
	s6 =	smov.u32 s1;
	s1 =	sadd.s32 $0x10, s1  }
0x177: {  	_ = 	snop  }
0x178: {  	v5 =	vpop (erf)  }
0x179: {  	[tilespmem:v3+s26+$0x0] =	vst.idx.msk $0xffff, v5  }
0x17a: {  	v3 =	vld.idx.msk [tilespmem:v2+s20+$0x0], $0xffff  }
0x17b: {  	v4 =	vld.idx.msk [tilespmem:v4+s21+$0x0], $0xffff;
	_ =	sdelay $0x5  }
0x17c: {  	v3 =	vadd.f32 v4, v3;
	_ =	sdelay $0x1  }
0x17d: {  	v4 =	vmul.f32 $2.000000030e-01, v3;
	_ =	sdelay $0x1  }
0x17e: {  	v3 =	vmax.f32 v3, v4  }
0x17f: {  	v3 =	vmul.f32 $1.442695020e+00, v3;
	_ =	sdelay $0x1  }
0x180: {  	(erf) = vpow2.f32 v3;
	_ =	sdelay $0x5  }
0x181: {  	v4 =	vor.u32 $0x5, v2;
	v3 =	vor.u32 $0x1, v2;
	_ =	sdelay $0x2  }
0x182: {  	v5 =	vpop (erf)  }
0x183: {  	[tilespmem:v2+s26+$0x0] =	vst.idx.msk $0xffff, v5  }
0x184: {  	v5 =	vld.idx.msk [tilespmem:v3+s20+$0x0], $0xffff  }
0x185: {  	v4 =	vld.idx.msk [tilespmem:v4+s21+$0x0], $0xffff;
	_ =	sdelay $0x5  }
0x186: {  	v4 =	vadd.f32 v4, v5;
	_ =	sdelay $0x1  }
0x187: {  	v5 =	vmul.f32 $2.000000030e-01, v4;
	_ =	sdelay $0x1  }
0x188: {  	v4 =	vmax.f32 v4, v5  }
0x189: {  	v4 =	vmul.f32 $1.442695020e+00, v4;
	_ =	sdelay $0x1  }
0x18a: {  	(erf) = vpow2.f32 v4;
	_ =	sdelay $0x5  }
0x18b: {  	v5 =	vor.u32 $0x6, v2;
	v4 =	vor.u32 $0x2, v2;
	_ =	sdelay $0x2  }
0x18c: {  	v6 =	vpop (erf)  }
0x18d: {  	[tilespmem:v3+s26+$0x0] =	vst.idx.msk $0xffff, v6  }
0x18e: {  	v3 =	vld.idx.msk [tilespmem:v4+s20+$0x0], $0xffff  }
0x18f: {  	v5 =	vld.idx.msk [tilespmem:v5+s21+$0x0], $0xffff;
	_ =	sdelay $0x5  }
0x190: {  	v3 =	vadd.f32 v5, v3;
	_ =	sdelay $0x1  }
0x191: {  	v5 =	vmul.f32 $2.000000030e-01, v3;
	_ =	sdelay $0x1  }
0x192: {  	v3 =	vmax.f32 v3, v5  }
0x193: {  	v3 =	vmul.f32 $1.442695020e+00, v3;
	_ =	sdelay $0x1  }
0x194: {  	(erf) = vpow2.f32 v3;
	_ =	sdelay $0x5  }
0x195: {  	v3 =	vor.u32 $0x3, v2;
	v2 =	vor.u32 $0x7, v2;
	_ =	sdelay $0x2  }
0x196: {  	v5 =	vpop (erf)  }
0x197: {  	[tilespmem:v4+s26+$0x0] =	vst.idx.msk $0xffff, v5  }
0x198: {  	v4 =	vld.idx.msk [tilespmem:v3+s20+$0x0], $0xffff  }
0x199: {  	v2 =	vld.idx.msk [tilespmem:v2+s21+$0x0], $0xffff;
	_ =	sdelay $0x5  }
0x19a: {  	v2 =	vadd.f32 v2, v4;
	_ =	sdelay $0x1  }
0x19b: {  	v4 =	vmul.f32 $2.000000030e-01, v2;
	_ =	sdelay $0x1  }
0x19c: {  	v2 =	vmax.f32 v2, v4  }
0x19d: {  	v2 =	vmul.f32 $1.442695020e+00, v2;
	_ =	sdelay $0x1  }
0x19e: {  	(erf) = vpow2.f32 v2;
	_ =	sdelay $0x1  }
.Ltmp3:
0x19f: {  	(pc) =	sbr.rel @p1 .LBB2_9-.Ltmp3, $4  }
0x1a0: {  	_ = 	snop  }
0x1a1: {  	v2 =	vmov s6  }
0x1a2: {  	v2 =	vshll.u32 v2, $0x4  }
0x1a3: {  	v2 =	vor.u32 v1, v2  }
0x1a4: {  	_ = 	snop  }
0x1a5: {  	v4 =	vor.u32 $0x4, v2;
	_ =	sdelay $0x1  }
0x1a6: {  	v5 =	vpop (erf)  }
0x1a7: {  	[tilespmem:v3+s26+$0x0] =	vst.idx.msk $0xffff, v5  }
0x1a8: {  	v3 =	vld.idx.msk [tilespmem:v2+s20+$0x0], $0xffff  }
0x1a9: {  	v4 =	vld.idx.msk [tilespmem:v4+s21+$0x0], $0xffff;
	_ =	sdelay $0x4  }
0x1aa: {  	v3 =	vadd.f32 v4, v3;
	_ =	sdelay $0x1  }
0x1ab: {  	v4 =	vmul.f32 $2.000000030e-01, v3;
	_ =	sdelay $0x1  }
0x1ac: {  	v3 =	vmax.f32 v3, v4  }
0x1ad: {  	v3 =	vmul.f32 $1.442695020e+00, v3;
	_ =	sdelay $0x1  }
0x1ae: {  	(erf) = vpow2.f32 v3;
	_ =	sdelay $0x5  }
0x1af: {  	v3 =	vor.u32 $0x1, v2  }
0x1b0: {  	v4 =	vor.u32 $0x5, v2;
	_ =	sdelay $0x1  }
0x1b1: {  	v5 =	vpop (erf)  }
0x1b2: {  	[tilespmem:v2+s26+$0x0] =	vst.idx.msk $0xffff, v5  }
0x1b3: {  	v5 =	vld.idx.msk [tilespmem:v3+s20+$0x0], $0xffff  }
0x1b4: {  	v4 =	vld.idx.msk [tilespmem:v4+s21+$0x0], $0xffff;
	_ =	sdelay $0x4  }
0x1b5: {  	v4 =	vadd.f32 v4, v5;
	_ =	sdelay $0x1  }
0x1b6: {  	v5 =	vmul.f32 $2.000000030e-01, v4;
	_ =	sdelay $0x1  }
0x1b7: {  	v4 =	vmax.f32 v4, v5  }
0x1b8: {  	v4 =	vmul.f32 $1.442695020e+00, v4;
	_ =	sdelay $0x1  }
0x1b9: {  	(erf) = vpow2.f32 v4;
	_ =	sdelay $0x5  }
0x1ba: {  	v4 =	vor.u32 $0x2, v2  }
0x1bb: {  	v5 =	vor.u32 $0x6, v2;
	_ =	sdelay $0x1  }
0x1bc: {  	v6 =	vpop (erf)  }
0x1bd: {  	[tilespmem:v3+s26+$0x0] =	vst.idx.msk $0xffff, v6  }
0x1be: {  	v3 =	vld.idx.msk [tilespmem:v4+s20+$0x0], $0xffff  }
0x1bf: {  	v5 =	vld.idx.msk [tilespmem:v5+s21+$0x0], $0xffff;
	_ =	sdelay $0x4  }
0x1c0: {  	v3 =	vadd.f32 v5, v3;
	_ =	sdelay $0x1  }
0x1c1: {  	v5 =	vmul.f32 $2.000000030e-01, v3;
	_ =	sdelay $0x1  }
0x1c2: {  	v3 =	vmax.f32 v3, v5  }
0x1c3: {  	v3 =	vmul.f32 $1.442695020e+00, v3;
	_ =	sdelay $0x1  }
0x1c4: {  	(erf) = vpow2.f32 v3;
	_ =	sdelay $0x5  }
0x1c5: {  	v3 =	vor.u32 $0x3, v2  }
0x1c6: {  	v2 =	vor.u32 $0x7, v2;
	_ =	sdelay $0x1  }
0x1c7: {  	v5 =	vpop (erf)  }
0x1c8: {  	[tilespmem:v4+s26+$0x0] =	vst.idx.msk $0xffff, v5  }
0x1c9: {  	v4 =	vld.idx.msk [tilespmem:v3+s20+$0x0], $0xffff  }
0x1ca: {  	v2 =	vld.idx.msk [tilespmem:v2+s21+$0x0], $0xffff;
	_ =	sdelay $0x4  }
0x1cb: {  	v2 =	vadd.f32 v2, v4;
	_ =	sdelay $0x1  }
0x1cc: {  	v4 =	vmul.f32 $2.000000030e-01, v2;
	_ =	sdelay $0x1  }
0x1cd: {  	v2 =	vmax.f32 v2, v4  }
0x1ce: {  	v2 =	vmul.f32 $1.442695020e+00, v2;
	_ =	sdelay $0x1  }
0x1cf: {  	(erf) = vpow2.f32 v2;
	_ =	sdelay $0x8  }
0x1d0: {  	v2 =	vpop (erf)  }
0x1d1: {  	s1 =	simm.s32 $0x1B280;
	[tilespmem:v3+s26+$0x0] =	vst.idx.msk $0xffff, v2  }
0x1d2: {  	s4 =	simm.s32 $0x0;
	v3 =	vld [tilespmem:s1+$0xFFFFFFF0]  }
0x1d3: {  	v2 =	vmov s4;
	v4 =	vld [tilespmem:s1+$0xFFFFFFC0]  }
0x1d4: {  	v5 =	vld [tilespmem:s1+$0x20]  }
0x1d5: {  	v6 =	vor.u32 $0x3, v2;
	v8 =	vld [tilespmem:s1+$0xFFFFFFD0]  }
0x1d6: {  	v7 =	vor.u32 $0x1, v2;
	v10 =	vld [tilespmem:s1+$0xFFFFFFE0]  }
0x1d7: {  	v11 =	vld [tilespmem:s1+$0x30]  }
0x1d8: {  	v12 =	vor.u32 $0x2, v2;
	v9 =	vld.idx.msk [tilespmem:v2+s26+$0x0], $0xffff  }
0x1d9: {  	v2 =	vld [tilespmem:s1+$0x0]  }
0x1da: {  	v6 =	vld.idx.msk [tilespmem:v6+s26+$0x0], $0xffff  }
0x1db: {  	v13 =	vld.idx.msk [tilespmem:v7+s26+$0x0], $0xffff  }
0x1dc: {  	v7 =	vld [tilespmem:s1+$0x10]  }
0x1dd: {  	v14 =	vmul.f32 v4, v9;
	v4 =	vld.idx.msk [tilespmem:v12+s26+$0x0], $0xffff;
	_ =	sdelay $0x1  }
0x1de: {  	v9 =	vmul.f32 v8, v9  }
0x1df: {  	v8 =	vmul.f32 v5, v6;
	v5 =	vmul.f32 v11, v6  }
0x1e0: {  	s6 =	simm.s32 $0x1;
	s28 =	simm.s32 $0x1B300;
	v6 =	vmul.f32 v10, v13;
	v3 =	vmul.f32 v3, v13;
	[tilespmem:s1+$0xFFFFFFC0] =	vst v14  }
.LBB2_11:
0x1e1: {  	v10 =	vld [tilespmem:s28+$0xFFFFFFF0];
	p1 =	sne.s32 s6, $0x6F;
	[tilespmem:s1+$0xFFFFFFD0] =	vst v9;
	v2 =	vmul.f32 v2, v4;
	v4 =	vmul.f32 v7, v4;
	s4 =	smov.u32 s6;
	s6 =	sadd.s32 $0x1, s6  }
0x1e2: {  	s4 =	sshll.u32 s4, $0x4;
	v9 =	vld [tilespmem:s28+$0xFFFFFFC0];
	[tilespmem:s1+$0x20] =	vst v8  }
0x1e3: {  	v7 =	vmov s4;
	v8 =	vld [tilespmem:s28+$0x20];
	[tilespmem:s1+$0x30] =	vst v5  }
0x1e4: {  	v5 =	vor.u32 $0x1, v7;
	v11 =	vor.u32 $0x2, v7;
	v12 =	vor.u32 $0x3, v7;
	v13 =	vld [tilespmem:s28+$0xFFFFFFD0];
	[tilespmem:s1+$0xFFFFFFE0] =	vst v6  }
0x1e5: {  	v6 =	vld [tilespmem:s28+$0xFFFFFFE0];
	[tilespmem:s1+$0x0] =	vst v2  }
0x1e6: {  	v2 =	vld [tilespmem:s28+$0x0];
	[tilespmem:s1+$0xFFFFFFF0] =	vst v3  }
0x1e7: {  	v3 =	vld [tilespmem:s28+$0x30];
	[tilespmem:s1+$0x10] =	vst v4;
	s1 =	smov.u32 s28  }
0x1e8: {  	v14 =	vld.idx.msk [tilespmem:v7+s26+$0x0], $0xffff  }
0x1e9: {  	v12 =	vld.idx.msk [tilespmem:v12+s26+$0x0], $0xffff  }
0x1ea: {  	v15 =	vld.idx.msk [tilespmem:v5+s26+$0x0], $0xffff  }
0x1eb: {  	v4 =	vld.idx.msk [tilespmem:v11+s26+$0x0], $0xffff  }
.Ltmp4:
0x1ec: {  	v7 =	vld [tilespmem:s28+$0x10];
	(pc) =	sbr.rel @p1 .LBB2_11-.Ltmp4, $4  }
0x1ed: {  	_ = 	snop  }
0x1ee: {  	v11 =	vmul.f32 v9, v14;
	v9 =	vmul.f32 v13, v14  }
0x1ef: {  	v8 =	vmul.f32 v8, v12;
	v5 =	vmul.f32 v3, v12  }
0x1f0: {  	s28 =	sadd.s32 $0x80, s28;
	v6 =	vmul.f32 v6, v15;
	v3 =	vmul.f32 v10, v15;
	[tilespmem:s1+$0xFFFFFFC0] =	vst v11  }
0x1f1: {  	[tilespmem:s1+$0xFFFFFFD0] =	vst v9  }
0x1f2: {  	[tilespmem:s1+$0x20] =	vst v8  }
0x1f3: {  	[tilespmem:s1+$0x30] =	vst v5  }
0x1f4: {  	v2 =	vmul.f32 v2, v4;
	s0 =	sadd.s32 $0x1, s0;
	[tilespmem:s1+$0xFFFFFFE0] =	vst v6  }
0x1f5: {  	v63 =	vmul.f32 v7, v4;
	[tilespmem:s1+$0xFFFFFFF0] =	vst v3;
	p1 =	sne.s32 s0, $0x2D  }
.Ltmp5:
0x1f6: {  	[tilespmem:s1+$0x0] =	vst v2;
	(pc) =	sbr.rel @p1 .LBB2_4-.Ltmp5, $4  }
0x1f7: {  	[tilespmem:s1+$0x10] =	vst v63  }
0x1f8: {  	[spmem:s2] =	stream.indirect.scatter.add.f32 [tilespmem:s19], [sflag:$0x4], $0x80, s14, s8, $0xb8;
	[tilespmem:$0x1FF40] =	vst v63  }
0x1f9: {  	_ = 	snop  }
0x1fa: {  	[spmem:s3] =	stream.indirect.scatter.add.f32 [tilespmem:s26], [sflag:$0x4], $0x10, s14, s8, $0xb8;
	[tilespmem:$0x1FF40] =	vst v63  }
0x1fb: {  	s0 =	simm.s32 $0x3  }
0x1fc: {  	_ =	swait.ge [sflag:s0], $0x3800  }
0x1fd: {  	[sflag:s0] =	ssyncset.done $0x0  }
0x1fe: {  	[sflag:s0] =	ssyncadd.s32 $0xFFFFC800  }
0x1ff: {  	_ =	swait.ge [sflag:s0], $0x700  }
0x200: {  	[sflag:s0] =	ssyncset.done $0x0  }
0x201: {  	s1 =	simm.s32 $0x4;
	[sflag:s0] =	ssyncadd.s32 $0xFFFFF900  }
0x202: {  	_ =	swait.ge [sflag:s1], $0x3800  }
0x203: {  	[sflag:s1] =	ssyncset.done $0x0  }
0x204: {  	[sflag:s1] =	ssyncadd.s32 $0xFFFFC800  }
0x205: {  	_ =	swait.ge [sflag:s1], $0x700  }
0x206: {  	[sflag:s1] =	ssyncset.done $0x0  }
0x207: {  	[sflag:s1] =	ssyncadd.s32 $0xFFFFF900  }
0x208: {  	[bflag:$0x0] =	sbarrier.arrive $0xFFFF  }
0x209: {  	s4 =	rddreg [dreg:$0xa]  }
0x20a: {  	s1 =	rddreg [dreg:$0x1a]  }
0x20b: {  	[hbm:s4], [sflag:s29] =	dma.local [spmem:s1], $0x800  }
0x20c: {  	_ =	swait.ge [sflag:s5], $0x800  }
0x20d: {  	[sflag:s5] =	ssyncset.done $0x0;
	s6 =	rddreg [dreg:$0xb]  }
0x20e: {  	s30 =	rddreg [dreg:$0x1b];
	[sflag:s5] =	ssyncadd.s32 $0xFFFFF800  }
0x20f: {  	[hbm:s6], [sflag:s29] =	dma.local [spmem:s30], $0x800  }
0x210: {  	_ =	swait.ge [sflag:s5], $0x800  }
0x211: {  	[sflag:s5] =	ssyncset.done $0x0;
	s1 =	rddreg [dreg:$0xc]  }
0x212: {  	s4 =	rddreg [dreg:$0x1c];
	[sflag:s5] =	ssyncadd.s32 $0xFFFFF800  }
0x213: {  	[hbm:s1], [sflag:s29] =	dma.local [spmem:s4], $0x800  }
0x214: {  	_ =	swait.ge [sflag:s5], $0x800  }
0x215: {  	[sflag:s5] =	ssyncset.done $0x0;
	s6 =	rddreg [dreg:$0xd]  }
0x216: {  	s30 =	rddreg [dreg:$0x1d];
	[sflag:s5] =	ssyncadd.s32 $0xFFFFF800  }
0x217: {  	[hbm:s6], [sflag:s29] =	dma.local [spmem:s30], $0x800  }
0x218: {  	_ =	swait.ge [sflag:s5], $0x800  }
0x219: {  	[sflag:s5] =	ssyncset.done $0x0;
	s0 =	rddreg [dreg:$0xe]  }
0x21a: {  	s1 =	rddreg [dreg:$0x1e];
	[sflag:s5] =	ssyncadd.s32 $0xFFFFF800  }
0x21b: {  	[hbm:s0], [sflag:s29] =	dma.local @!p0 [spmem:s1], $0x800  }
0x21c: {  	s0 =	simm.s32 @!p0 $0x5  }
0x21d: {  	_ =	swait.ge @!p0 [sflag:s0], $0x800  }
0x21e: {  	[sflag:s0] =	ssyncset.done @!p0 $0x0;
	s4 =	rddreg [dreg:$0x13]  }
0x21f: {  	s6 =	rddreg [dreg:$0x1f];
	[sflag:s0] =	ssyncadd.s32 @!p0 $0xFFFFF800  }
0x220: {  	[hbm:s4], [sflag:s29] =	dma.local [spmem:s6], $0x4F0  }
0x221: {  	_ =	swait.ge [sflag:s5], $0x4F0  }
0x222: {  	s28 =	rddreg [dreg:$0x4]  }
0x223: {  	s30 =	rddreg [dreg:$0x14];
	s28 =	sadd.s32 $0x1, s28  }
0x224: {  	p1 =	sne.s32 s28, s30  }
.Ltmp6:
0x225: {  	_ = 	snop;
	(pc) =	sbr.rel @p1 .LBB2_1-.Ltmp6, $3  }
0x226: {  	_ =	sdelay $0x1  }
0x227: {  	[sflag:s5] =	ssyncset.done $0x0  }
0x228: {  	[sflag:s5] =	ssyncadd.s32 $0xFFFFFB10  }
0x229: {  	_ =	sfence.sel $0x180000  }
0x22a: {  	[bflag:$0x0] =	sbarrier.arrive $0xFFFF  }
0x22b: {  	_ =	strace $0x9000004A  }
0x22c: {  	s0 =	stileid.u32;
	[bflag:$0x2] =	sbarrier.arrive $0xFFFF  }
0x22d: {  	p0 =	sne.s32 s0, $0x0;
	s0 =	rddreg [dreg:$0x3]  }
0x22e: {  	s0 =	sadd.s32 @!p0 $0x100000, s0  }
0x22f: {  	[sflag:s0] =	ssyncadd.tile.s32 @!p0 $0x1;
	_ =	shalt  }
.Lfunc_end2:
_tile_overlayer_lowered:
.L_overlay_start_2:
0x230: {  	(tag) =	ssettag $0x2  }
0x231: {  	s0 =	rddreg [dreg:$0x0];
	s2 =	stileid.u32  }
0x232: {  	s1 =	rddreg [dreg:$0x1];
	p0 =	sne.s32 s2, $0x0  }
0x233: {  	s3 =	rddreg [dreg:$0x2];
	[bflag:$0x3] =	sbarrier.arrive $0xFFFF;
	s2 =	simm.s32 @!p0 $0x1C05  }
0x234: {  	[timem:s3], [sflag:s2] =	dma.local @!p0 [hbm:s0], s1  }
0x235: {  	s0 =	simm.s32 @!p0 $0x5  }
0x236: {  	_ =	swait.ge @!p0 [sflag:s0], s1  }
0x237: {  	s1 =	ssub.s32 @!p0 $0x0, s1;
	[sflag:s0] =	ssyncset.done @!p0 $0x0  }
0x238: {  	[sflag:s0] =	ssyncadd.s32 @!p0 s1  }
0x239: {  	[bflag:$0x3] =	sbarrier.arrive $0xFFFF  }
0x23a: {  	_ =	shalt  }

// kernel: kernel.7.cloned.1.call-start
scs
__scs_entry_jumppad:
0x0: {  	(pc) =	sbr.rel $0x88, $3  }
0x1: {  	(tag) =	ssettag $0x0;
	lr =	simm.s32 $0x1  }
0x2: {  	[smem:$0x3F8D] =	sst lr;
	_ =	strace $0xD0000000  }
0x3: {  	_ = 	snop  }
0x4: {  	_ = 	snop  }
0x5: {  	_ = 	snop  }
0x6: {  	_ = 	snop  }
0x7: {  	_ = 	snop  }
__scs_overlays_trampoline_lowered:
0x8: {  	[smem:$0x3F9C] =	sst s0  }
0x9: {  	[smem:$0x3F9D] =	sst s1  }
0xa: {  	[smem:$0x3F9E] =	sst s2  }
0xb: {  	[smem:$0x3F9F] =	sst s3  }
0xc: {  	[smem:$0x3FA0] =	sst s4  }
0xd: {  	[smem:$0x3FA1] =	sst s5  }
0xe: {  	[smem:$0x3FA2] =	sst s6  }
0xf: {  	[smem:$0x3FA3] =	sst s7  }
0x10: {  	[smem:$0x3FA4] =	sst s8  }
0x11: {  	[smem:$0x3FA5] =	sst s9;
	s0 =	simm.s32 @!p0 $0x0  }
0x12: {  	s1 =	sld [smem:$0x3F8B];
	s0 =	simm.s32 @p0 $0x1  }
0x13: {  	[smem:$0x3FA6] =	sst s0;
	s0 =	simm.s32 @!p1 $0x0  }
0x14: {  	s2 =	sld [smem:$0x3F8A];
	s0 =	simm.s32 @p1 $0x1  }
0x15: {  	[smem:$0x3FA7] =	sst s0;
	s0 =	simm.s32 @!p2 $0x0  }
0x16: {  	s3 =	sld [smem:$0x3FDB];
	s0 =	simm.s32 @p2 $0x1  }
0x17: {  	s4 =	simm.s32 $0x1BF5;
	[smem:$0x3FA9] =	sst s0  }
0x18: {  	s0 =	sld [smem:$0x3F8C];
	_ =	swait.ge [sflag:s4], $0x0  }
0x19: {  	s7 =	sld [smem:$0x3F8D]  }
0x1a: {  	s8 =	sadd.s32 $0xFFFFE003, lr  }
0x1b: {  	s9 =	sadd.s32 $0xFFFFFEF7, lr;
	s5 =	simm.s32 $0xFFFFFFFF;
	p2 =	slt.u32 s8, $0xFFFFF086  }
0x1c: {  	p1 =	slt.u32 s9, $0xF7A;
	s5 =	simm.s32 @!p2 $0x0  }
0x1d: {  	s5 =	simm.s32 @p1 $0x1;
	p0 =	seq.s32 s7, s2  }
0x1e: {  	s7 =	smul.u32 @!p0 $0xF7A, s2;
	p2 =	seq.s32 @!p0 s5, $0x0  }
0x1f: {  	s9 =	smul.u32 $0xF7A, s1;
	s8 =	simm.s32 @!p0 $0x1BF5;
	p2 =	por !p2, p0  }
0x20: {  	[sflag:s8] =	ssyncset.s32 @!p0 $0xFFFFF086;
	s6 =	sadd.s32 @!p0 s3, s7;
	s7 =	simm.s32 @!p0 $0x108  }
0x21: {  	s3 =	sadd.s32 s3, s9;
	s6 =	sadd.s32 @!p0 $0x88, s6;
	s7 =	simm.s32 @p2 $0x1082  }
0x22: {  	[simem:s7], [sflag:s8] =	dma.local @!p0 [hbm:s6], $0xF7A  }
0x23: {  	s9 =	sor.u32 $0xD0000000, s2;
	s6 =	simm.s32 $0x108;
	_ =	swait.ge @!p0 [sflag:s8], $0x0  }
0x24: {  	s3 =	sadd.s32 $0x88, s3;
	s6 =	simm.s32 @!p1 $0x1082;
	[sflag:s4] =	ssyncset.s32 $0xFFFFF086  }
0x25: {  	[simem:s6], [sflag:s4] =	dma.local [hbm:s3], $0xF7A  }
0x26: {  	[smem:$0x3F8D] =	sst s1;
	(tag) =	ssettag s2;
	_ =	strace s9  }
0x27: {  	s1 =	sld [smem:$0x3F9D]  }
0x28: {  	s2 =	sld [smem:$0x3F9E]  }
0x29: {  	s4 =	sld [smem:$0x3FA0]  }
0x2a: {  	p0 =	seq.s32 s5, $0x0;
	s5 =	sld [smem:$0x3FA1]  }
0x2b: {  	s6 =	sld [smem:$0x3FA2]  }
0x2c: {  	s7 =	sld [smem:$0x3FA3]  }
0x2d: {  	s3 =	simm.s32 $0x108;
	s8 =	sld [smem:$0x3FA4]  }
0x2e: {  	s3 =	simm.s32 @!p0 $0x1082;
	s9 =	sld [smem:$0x3FA5]  }
0x2f: {  	lr =	sadd.s32 s0, s3;
	s0 =	sld [smem:$0x3F9C]  }
0x30: {  	s3 =	sld [smem:$0x3F9F]  }
0x31: {  	[smem:$0x3FA8] =	sst s10  }
0x32: {  	s10 =	sld [smem:$0x3FA6];
	_ =	sdelay $0x3  }
0x33: {  	p0 =	seq.s32 s10, $0x1;
	s10 =	sld [smem:$0x3FA8];
	_ =	sdelay $0x3  }
0x34: {  	[smem:$0x3FA8] =	sst s10  }
0x35: {  	s10 =	sld [smem:$0x3FA7];
	_ =	sdelay $0x3  }
0x36: {  	p1 =	seq.s32 s10, $0x1;
	s10 =	sld [smem:$0x3FA8];
	_ =	sdelay $0x3  }
0x37: {  	[smem:$0x3FA8] =	sst s10  }
0x38: {  	s10 =	sld [smem:$0x3FA9]  }
0x39: {  	_ = 	snop;
	(pc) =	sbr.ind lr, $3  }
0x3a: {  	_ = 	snop  }
0x3b: {  	_ = 	snop  }
0x3c: {  	p2 =	seq.s32 s10, $0x1;
	s10 =	sld [smem:$0x3FA8]  }
0x3d: {  	_ =	shalt  }
0x3e: {  	_ =	shalt  }
0x3f: {  	_ =	shalt  }
0x40: {  	_ =	shalt  }
0x41: {  	_ =	shalt  }
0x42: {  	_ =	shalt  }
0x43: {  	_ =	shalt  }
0x44: {  	_ =	shalt  }
0x45: {  	_ =	shalt  }
0x46: {  	_ =	shalt  }
0x47: {  	_ =	shalt  }
0x48: {  	_ =	shalt  }
0x49: {  	_ =	shalt  }
0x4a: {  	_ =	shalt  }
0x4b: {  	_ =	shalt  }
0x4c: {  	_ =	shalt  }
0x4d: {  	_ =	shalt  }
0x4e: {  	_ =	shalt  }
0x4f: {  	_ =	shalt  }
0x50: {  	_ =	shalt  }
0x51: {  	_ =	shalt  }
0x52: {  	_ =	shalt  }
0x53: {  	_ =	shalt  }
0x54: {  	_ =	shalt  }
0x55: {  	_ =	shalt  }
0x56: {  	_ =	shalt  }
0x57: {  	_ =	shalt  }
0x58: {  	_ =	shalt  }
0x59: {  	_ =	shalt  }
0x5a: {  	_ =	shalt  }
0x5b: {  	_ =	shalt  }
0x5c: {  	_ =	shalt  }
0x5d: {  	_ =	shalt  }
0x5e: {  	_ =	shalt  }
0x5f: {  	_ =	shalt  }
0x60: {  	_ =	shalt  }
0x61: {  	_ =	shalt  }
0x62: {  	_ =	shalt  }
0x63: {  	_ =	shalt  }
0x64: {  	_ =	shalt  }
0x65: {  	_ =	shalt  }
0x66: {  	_ =	shalt  }
0x67: {  	_ =	shalt  }
0x68: {  	_ =	shalt  }
0x69: {  	_ =	shalt  }
0x6a: {  	_ =	shalt  }
0x6b: {  	_ =	shalt  }
0x6c: {  	_ =	shalt  }
0x6d: {  	_ =	shalt  }
0x6e: {  	_ =	shalt  }
0x6f: {  	_ =	shalt  }
0x70: {  	_ =	shalt  }
0x71: {  	_ =	shalt  }
0x72: {  	_ =	shalt  }
0x73: {  	_ =	shalt  }
0x74: {  	_ =	shalt  }
0x75: {  	_ =	shalt  }
0x76: {  	_ =	shalt  }
0x77: {  	_ =	shalt  }
0x78: {  	_ =	shalt  }
0x79: {  	_ =	shalt  }
0x7a: {  	_ =	shalt  }
0x7b: {  	_ =	shalt  }
0x7c: {  	_ =	shalt  }
0x7d: {  	_ =	shalt  }
0x7e: {  	_ =	shalt  }
0x7f: {  	_ =	shalt  }
0x80: {  	_ =	shalt  }
0x81: {  	_ =	shalt  }
0x82: {  	_ =	shalt  }
0x83: {  	_ =	shalt  }
0x84: {  	_ =	shalt  }
0x85: {  	_ =	shalt  }
0x86: {  	_ =	shalt  }
0x87: {  	_ =	shalt  }
.Lfunc_end0:
.L_simem_size_0:
called_computation_lowered:
.L_overlay_start_0:
0x88: {  	s2 =	sld [smem:$0x3FD9]  }
0x89: {  	s3 =	sld [smem:$0x3FFE];
	_ =	sdelay $0x1  }
0x8a: {  	s1 =	srdreg.scid  }
0x8b: {  	s0 =	sand.u32 $0x1, s1  }
0x8c: {  	s16 =	sshll.u32 s0, $0xA;
	s2 =	sadd.s32 s3, s2  }
0x8d: {  	s2 =	sadd.s32 s2, s16  }
0x8e: {  	[smem:$0x3FB4] =	sst s2  }
0x8f: {  	_ = 	snop  }
0x90: {  	(tm) =	ssettm $0x1  }
0x91: {  	s17 =	sld [smem:$0x3FFB];
	_ =	sdelay $0x3  }
0x92: {  	_ =	strace s17  }
0x93: {  	s2 =	sld [smem:$0x3FFC];
	_ =	sdelay $0x3  }
0x94: {  	_ =	strace s2  }
0x95: {  	s2 =	sld [smem:$0x3FFD];
	_ =	sdelay $0x3  }
0x96: {  	_ =	strace s2  }
0x97: {  	_ =	strace $0x8FFFFFFF  }
0x98: {  	s18 =	sld [smem:$0x3FDB];
	_ =	sdelay $0x1  }
0x99: {  	s19 =	simm.s32 $_scs_section_size  }
0x9a: {  	s4 =	simm.s32 $_size__tile_overlayer_lowered;
	s5 =	simm.s32 $_tile_overlayer_lowered  }
0x9b: {  	s22 =	simm.s32 $0x1BFF;
	s21 =	sshll.u32 s5, $0x1;
	s2 =	sadd.s32 s19, s18  }
0x9c: {  	s6 =	simm.s32 $0x0;
	s20 =	sshll.u32 s4, $0x1;
	s4 =	sadd.s32 s21, s2  }
0x9d: {  	[timem:s6], [sflag:s22] =	dma.local [hbm:s4], s20  }
0x9e: {  	_ =	swait.ge [sflag:s22], s20  }
0x9f: {  	s3 =	ssub.s32 $0x0, s20;
	[sflag:s22] =	ssyncset.done $0x0  }
0xa0: {  	[sflag:s22] =	ssyncadd.s32 s3;
	_ =	sdelay $0x1  }
0xa1: {  	s23 =	simm.s32 $0x1B8B  }
0xa2: {  	_ =	swait.ge [sflag:s23], $0x1  }
0xa3: {  	[sflag:s23] =	ssyncset.done $0x0  }
0xa4: {  	s25 =	simm.s32 $0x1B8E;
	s24 =	sld [smem:$0x3FFE];
	[sflag:s23] =	ssyncadd.s32 $0xFFFFFFFF  }
0xa5: {  	s26 =	simm.s32 $execute0_lowered;
	[smem:$0x3FD2] =	sst s25  }
0xa6: {  	s4 =	sshll.u32 s26, $0x1;
	_ =	strace $0x80000046;
	[dreg:$0x1] =	wrdreg $0xFFFFFFFF  }
0xa7: {  	s28 =	simm.s32 $_size_execute0_lowered;
	s2 =	sadd.s32 s2, s4;
	[dreg:$0x0] =	wrdreg $0x0  }
0xa8: {  	s4 =	sshll.u32 s28, $0x1;
	[dreg:$0x2] =	wrdreg s2  }
0xa9: {  	[dreg:$0x3] =	wrdreg s4  }
0xaa: {  	[dreg:$0x4] =	wrdreg $0xC0  }
0xab: {  	_ =	task [dreg:s6], $0x5FFFF  }
0xac: {  	[dreg:$0x1] =	wrdreg $0xFFFFFFFF  }
0xad: {  	[dreg:$0x0] =	wrdreg $0x60  }
0xae: {  	[dreg:$0x2] =	wrdreg s24  }
0xaf: {  	[dreg:$0x3] =	wrdreg $0x0  }
0xb0: {  	[dreg:$0x4] =	wrdreg $0x13C000  }
0xb1: {  	[dreg:$0x5] =	wrdreg $0x9  }
0xb2: {  	_ =	task.clear_ibuf [dreg:s6], $0x6FFFF;
	_ =	strace $0x90000046  }
0xb3: {  	s29 =	simm.s32 $0x9;
	_ =	strace $0x80000048  }
0xb4: {  	_ =	swait.ge [sflag:s29], $0x1  }
0xb5: {  	[sflag:s29] =	ssyncadd.s32 $0xFFFFFFFF  }
0xb6: {  	_ =	strace $0x90000048  }
0xb7: {  	_ =	sfence  }
0xb8: {  	s30 =	sld [smem:$0x0];
	_ =	sdelay $0x2  }
0xb9: {  	s31 =	sshll.u32 s1, $0xD;
	s1 =	sshrl.u32 s1, $0x2  }
0xba: {  	s3 =	sand.u32 $0x4000, s31;
	s1 =	sadd.s32 s1, s30  }
0xbb: {  	s0 =	sor.u32 s3, s0;
	s1 =	sshll.u32 s1, $0x11  }
0xbc: {  	s0 =	sor.u32 s1, s0  }
0xbd: {  	s0 =	sadd.s32 $0x8F2B, s0  }
0xbe: {  	[sflag:s0] =	ssyncadd.remote.s32 $0x1  }
0xbf: {  	_ =	sfence.sel $0xFFFF  }
0xc0: {  	[dreg:$0x0] =	wrdreg $0xFFFFFFFF;
	(pc) =	sbr.abs _section_cstart, $3  }
0xc1: {  	[dreg:$0x1] =	wrdreg $0xFFFFFFFF  }
0xc2: {  	_ =	task.clear_ibuf [dreg:s6], $0x2FFFF;
	_ =	strace $0x9FFFFFFF  }
0xc3: {  	(tm) =	ssettm $0x7FFFFFFF  }
tec
execute0_lowered:
.L_overlay_start_1:
0x0: {  	(tag) =	ssettag $0x1  }
0x1: {  	s0 =	rddreg [dreg:$0x0]  }
0x2: {  	s2 =	rddreg [dreg:$0x1]  }
0x3: {  	s3 =	rddreg [dreg:$0x2]  }
0x4: {  	s28 =	simm.s32 $0x0;
	s4 =	stileid.u32;
	s1 =	srdreg.scid  }
0x5: {  	s31 =	simm.s32 $0x0;
	[smem:$0x7FF] =	sst s28;
	s5 =	smul.u32 $0x2780, s4  }
0x6: {  	s1 =	sand.u32 $0x1, s1;
	s7 =	sadd.s32 $0x94200, s0;
	s8 =	sadd.s32 $0xCA800, s0  }
0x7: {  	s11 =	sshll.u32 s4, $0x1;
	s12 =	sshll.u32 s4, $0xB;
	s13 =	sor.u32 $0x10, s4  }
0x8: {  	s14 =	sor.u32 $0x20, s4;
	s17 =	sor.u32 $0x30, s4;
	p0 =	seq.s32 s4, $0xF  }
0x9: {  	_ =	strace $0x80000047;
	s6 =	smul.u32 $0x27800, s1;
	s9 =	ssub.s32 $0x2, s1  }
0xa: {  	s30 =	sor.u32 s1, s11;
	s1 =	smul.u32 $0x13C000, s1;
	s11 =	sshll.u32 s4, $0xE  }
0xb: {  	s12 =	sadd.s32 s7, s12;
	s15 =	sshll.u32 s13, $0xB;
	s13 =	sshll.u32 s13, $0xE  }
0xc: {  	s16 =	sshll.u32 s14, $0xB;
	s14 =	sshll.u32 s14, $0xE;
	s19 =	sshll.u32 s17, $0xE  }
0xd: {  	s10 =	sshrl.u32 s9, $0x1;
	[dreg:$0x5] =	wrdreg s12;
	s12 =	sadd.s32 s7, s15  }
0xe: {  	s15 =	sor.u32 $0x40, s4;
	s24 =	sshrl.u32 s5, $0x3;
	s25 =	smul.u32 $0x2760, s30  }
0xf: {  	s26 =	sadd.s32 s5, s3;
	s6 =	sadd.s32 s5, s6;
	s9 =	ssub.s32 s9, s10  }
0x10: {  	[dreg:$0x6] =	wrdreg s12;
	s12 =	sadd.s32 s7, s16;
	s16 =	sadd.s32 s1, s11  }
0x11: {  	s21 =	sadd.s32 s1, s14;
	s22 =	sadd.s32 s1, s19;
	[dreg:$0xf] =	wrdreg s26  }
0x12: {  	s26 =	sadd.s32 s19, s2;
	s19 =	simm.s32 $0x1B240;
	[dreg:$0x7] =	wrdreg s12  }
0x13: {  	s12 =	sshll.u32 s17, $0xB;
	s16 =	sshrl.u32 s16, $0x3;
	s17 =	sadd.s32 s1, s13  }
0x14: {  	s6 =	sshrl.u32 s6, $0x3;
	s30 =	sshrl.u32 s25, $0x3;
	s10 =	smax.u32 s9, $0x1  }
0x15: {  	[dreg:$0x18] =	wrdreg s26;
	s9 =	simm.s32 $0x16460;
	s26 =	simm.s32 $0x1F840  }
0x16: {  	s12 =	sadd.s32 s7, s12;
	s18 =	sadd.s32 s8, s16;
	s20 =	sshrl.u32 s17, $0x3  }
0x17: {  	s6 =	sadd.s32 s6, s0;
	s16 =	sadd.s32 $0x7B600, s0;
	[dreg:$0x14] =	wrdreg s10  }
0x18: {  	s17 =	sadd.s32 $0x8A400, s0;
	s10 =	simm.s32 $0x19C60;
	[dreg:$0x8] =	wrdreg s12  }
0x19: {  	s12 =	sshll.u32 s15, $0xE;
	s15 =	sshll.u32 s15, $0xB;
	[dreg:$0xa] =	wrdreg s18  }
0x1a: {  	s18 =	sadd.s32 $0x80600, s0;
	s5 =	sadd.s32 s17, s30;
	s7 =	sadd.s32 s7, s15  }
0x1b: {  	s15 =	sshrl.u32 s22, $0x3;
	s1 =	sadd.s32 s1, s12;
	[dreg:$0x11] =	wrdreg s5  }
0x1c: {  	s22 =	sadd.s32 s13, s2;
	s5 =	simm.s32 $0x5;
	s13 =	simm.s32 $0x1B160  }
0x1d: {  	[dreg:$0x9] =	wrdreg s7;
	s7 =	sadd.s32 s8, s20;
	s23 =	sadd.s32 s8, s15  }
0x1e: {  	s1 =	sshrl.u32 s1, $0x3;
	s15 =	sadd.s32 $0x2C600, s0;
	[dreg:$0x16] =	wrdreg s22  }
0x1f: {  	s20 =	sadd.s32 s11, s2;
	s11 =	simm.s32 $0x1A360;
	[dreg:$0xb] =	wrdreg s7  }
0x20: {  	s22 =	simm.s32 $0x1AA60;
	s7 =	sshrl.u32 s21, $0x3;
	[dreg:$0xd] =	wrdreg s23  }
0x21: {  	s1 =	sadd.s32 s8, s1;
	s23 =	sadd.s32 $0x70, s25;
	[dreg:$0x15] =	wrdreg s20  }
0x22: {  	s21 =	sshll.u32 s4, $0x6;
	s20 =	simm.s32 $0x1EA40;
	s7 =	sadd.s32 s8, s7  }
0x23: {  	[dreg:$0xe] =	wrdreg s1;
	s1 =	sadd.s32 s24, s0;
	s0 =	sadd.s32 s18, s30  }
0x24: {  	s24 =	sadd.s32 $0xE0, s25;
	s8 =	sadd.s32 $0xC0A00, s6;
	[dreg:$0xc] =	wrdreg s7  }
0x25: {  	s29 =	sor.u32 $0x1C05, s21;
	s25 =	sadd.s32 s14, s2;
	[dreg:$0x12] =	wrdreg s0  }
0x26: {  	s30 =	sadd.s32 s12, s2;
	s12 =	simm.s32 $0x1;
	[dreg:$0x13] =	wrdreg s8  }
0x27: {  	s14 =	simm.s32 $0x1B1D0;
	s21 =	simm.s32 $0x1F140;
	[dreg:$0x17] =	wrdreg s25  }
0x28: {  	v1 =	vlaneseq.u32;
	s1 =	sadd.s32 $0xBBA00, s1;
	[dreg:$0x19] =	wrdreg s30;
	s7 =	simm.s32 $0x163F0  }
0x29: {  	v0 =	vimm.f32 $0.0e+00;
	v1 =	vmul.u32 $0x10, v1;
	s8 =	simm.s32 $0x70;
	s25 =	simm.s32 $0x2;
	[dreg:$0x10] =	wrdreg s1  }
.LBB2_1:
0x2a: {  	[dreg:$0x4] =	wrdreg s28  }
0x2b: {  	s0 =	rddreg [dreg:$0x15]  }
0x2c: {  	s4 =	rddreg [dreg:$0x5];
	s1 =	sshrl.u32 s0, $0x3  }
0x2d: {  	[dreg:$0x1a] =	wrdreg s1  }
0x2e: {  	[spmem:s1], [sflag:s29] =	dma.local [hbm:s4], $0x800  }
0x2f: {  	_ =	swait.ge [sflag:s5], $0x800  }
0x30: {  	s6 =	rddreg [dreg:$0x16]  }
0x31: {  	[sflag:s5] =	ssyncset.done $0x0;
	s30 =	rddreg [dreg:$0x6];
	s28 =	sshrl.u32 s6, $0x3  }
0x32: {  	[sflag:s5] =	ssyncadd.s32 $0xFFFFF800;
	[dreg:$0x1b] =	wrdreg s28  }
0x33: {  	[spmem:s28], [sflag:s29] =	dma.local [hbm:s30], $0x800  }
0x34: {  	_ =	swait.ge [sflag:s5], $0x800  }
0x35: {  	s4 =	rddreg [dreg:$0x17]  }
0x36: {  	[sflag:s5] =	ssyncset.done $0x0;
	s28 =	rddreg [dreg:$0x7];
	s6 =	sshrl.u32 s4, $0x3  }
0x37: {  	[sflag:s5] =	ssyncadd.s32 $0xFFFFF800;
	[dreg:$0x1c] =	wrdreg s6  }
0x38: {  	[spmem:s6], [sflag:s29] =	dma.local [hbm:s28], $0x800  }
0x39: {  	_ =	swait.ge [sflag:s5], $0x800  }
0x3a: {  	s30 =	rddreg [dreg:$0x18]  }
0x3b: {  	[sflag:s5] =	ssyncset.done $0x0;
	s4 =	rddreg [dreg:$0x8];
	s0 =	sshrl.u32 s30, $0x3  }
0x3c: {  	[sflag:s5] =	ssyncadd.s32 $0xFFFFF800;
	[dreg:$0x1d] =	wrdreg s0  }
0x3d: {  	[spmem:s0], [sflag:s29] =	dma.local [hbm:s4], $0x800  }
0x3e: {  	_ =	swait.ge [sflag:s5], $0x800  }
0x3f: {  	s0 =	rddreg [dreg:$0x19]  }
0x40: {  	[sflag:s5] =	ssyncset.done $0x0;
	s1 =	sshrl.u32 @!p0 s0, $0x3;
	s0 =	rddreg [dreg:$0x9]  }
0x41: {  	[sflag:s5] =	ssyncadd.s32 $0xFFFFF800;
	[dreg:$0x1e] =	wrdreg s1  }
0x42: {  	[spmem:s1], [sflag:s29] =	dma.local @!p0 [hbm:s0], $0x800  }
0x43: {  	s0 =	simm.s32 @!p0 $0x5  }
0x44: {  	_ =	swait.ge @!p0 [sflag:s0], $0x800  }
0x45: {  	s6 =	rddreg [dreg:$0xf]  }
0x46: {  	[sflag:s0] =	ssyncset.done @!p0 $0x0;
	s30 =	rddreg [dreg:$0x10];
	s28 =	sshrl.u32 s6, $0x3  }
0x47: {  	[sflag:s0] =	ssyncadd.s32 @!p0 $0xFFFFF800;
	[dreg:$0x1f] =	wrdreg s28  }
0x48: {  	[spmem:s28], [sflag:s29] =	dma.local [hbm:s30], $0x4F0  }
0x49: {  	_ =	swait.ge [sflag:s5], $0x4F0  }
0x4a: {  	[sflag:s5] =	ssyncset.done $0x0  }
0x4b: {  	s1 =	simm.s32 $0x0;
	s0 =	simm.s32 $0x40;
	[sflag:s5] =	ssyncadd.s32 $0xFFFFFB10  }
.LBB2_2:
0x4c: {  	p1 =	sne.s32 s0, $0x1BC0;
	[tilespmem:s1+$0x1AA60] =	vst v0;
	s6 =	smov.u32 s0;
	s0 =	sadd.s32 $0x40, s0  }
.Ltmp0:
0x4d: {  	[tilespmem:s1+$0x1F840] =	vst v0;
	(pc) =	sbr.rel @p1 .LBB2_2-.Ltmp0, $2  }
0x4e: {  	_ =	sdelay $0x2  }
0x4f: {  	s1 =	sshra.s32 s6, $0x2  }
0x50: {  	[tilespmem:s1+$0x1AA60] =	vst v0  }
0x51: {  	[tilespmem:s1+$0x1F840] =	vst v0;
	s0 =	rddreg [dreg:$0x11];
	s28 =	simm.s32 $0x16380  }
0x52: {  	[tilespmem:s28], [sflag:$0x5] =	stream.linear.gather [hbm4b:s0+s31], $0x70, $0x38;
	[tilespmem:$0x1FF40] =	vst v63  }
0x53: {  	_ =	swait.ge [sflag:s5], $0x70  }
0x54: {  	[sflag:s5] =	ssyncset.done $0x0  }
0x55: {  	s30 =	rddreg [dreg:$0x12];
	[sflag:s5] =	ssyncadd.s32 $0xFFFFFF90  }
0x56: {  	[tilespmem:s7], [sflag:$0x5] =	stream.linear.gather [hbm4b:s30+s31], $0x70, $0x38;
	[tilespmem:$0x1FF40] =	vst v63  }
0x57: {  	_ =	swait.ge [sflag:s5], $0x70  }
0x58: {  	[sflag:s5] =	ssyncset.done $0x0  }
0x59: {  	[sflag:s5] =	ssyncadd.s32 $0xFFFFFF90  }
0x5a: {  	[tilespmem:s9], [sflag:$0x1] =	stream.indirect.gather [hbm4b:s15+s8], $0x80, s28, s8, $0xb8;
	[tilespmem:$0x1FF40] =	vst v63  }
0x5b: {  	_ = 	snop  }
0x5c: {  	[tilespmem:s10], [sflag:$0x1] =	stream.indirect.gather [hbm4b:s16+s8], $0x10, s28, s8, $0xb8;
	[tilespmem:$0x1FF40] =	vst v63  }
0x5d: {  	_ = 	snop  }
0x5e: {  	[tilespmem:s11], [sflag:$0x1] =	stream.indirect.gather [hbm4b:s16+s8], $0x10, s7, s8, $0xb8;
	[tilespmem:$0x1FF40] =	vst v63  }
0x5f: {  	s0 =	simm.s32 $0x0;
	[bflag:$0x0] =	sbarrier.arrive $0xFFFF  }
.LBB2_4:
0x60: {  	_ =	swait.ge [sflag:s12], $0x3800  }
0x61: {  	[sflag:s12] =	ssyncset.done $0x0  }
0x62: {  	[sflag:s12] =	ssyncadd.s32 $0xFFFFC800  }
0x63: {  	_ =	swait.ge [sflag:s12], $0x700  }
0x64: {  	[sflag:s12] =	ssyncset.done $0x0  }
0x65: {  	[sflag:s12] =	ssyncadd.s32 $0xFFFFF900  }
0x66: {  	_ =	swait.ge [sflag:s12], $0x700  }
0x67: {  	p1 =	seq.s32 s0, $0x0;
	[sflag:s12] =	ssyncset.done $0x0  }
0x68: {  	s6 =	simm.s32 @!p1 $0x4;
	[sflag:s12] =	ssyncadd.s32 $0xFFFFF900  }
0x69: {  	_ =	swait.ge @!p1 [sflag:s6], $0x3800  }
0x6a: {  	s1 =	smul.u32 $0xE0, s0;
	[sflag:s6] =	ssyncset.done @!p1 $0x0  }
0x6b: {  	[sflag:s6] =	ssyncadd.s32 @!p1 $0xFFFFC800  }
0x6c: {  	s28 =	sadd.s32 s1, s23;
	_ =	swait.ge @!p1 [sflag:s6], $0x700  }
0x6d: {  	s28 =	sshrl.u32 s28, $0x3;
	[sflag:s6] =	ssyncset.done @!p1 $0x0  }
0x6e: {  	s4 =	sadd.s32 s17, s28;
	[sflag:s6] =	ssyncadd.s32 @!p1 $0xFFFFF900  }
0x6f: {  	[tilespmem:s13], [sflag:$0x5] =	stream.linear.gather [hbm4b:s4+s31], $0x70, $0x38;
	[tilespmem:$0x1FF40] =	vst v63  }
0x70: {  	_ =	swait.ge [sflag:s5], $0x70  }
0x71: {  	[sflag:s5] =	ssyncset.done $0x0  }
0x72: {  	s28 =	sadd.s32 s18, s28;
	[sflag:s5] =	ssyncadd.s32 $0xFFFFFF90  }
0x73: {  	[tilespmem:s14], [sflag:$0x5] =	stream.linear.gather [hbm4b:s28+s31], $0x70, $0x38;
	[tilespmem:$0x1FF40] =	vst v63  }
0x74: {  	_ =	swait.ge [sflag:s5], $0x70  }
0x75: {  	v2 =	vmov s31;
	[sflag:s5] =	ssyncset.done $0x0  }
0x76: {  	v2 =	vshll.u32 v2, $0x4;
	[sflag:s5] =	ssyncadd.s32 $0xFFFFFF90  }
0x77: {  	v2 =	vor.u32 v1, v2;
	[tilespmem:s19], [sflag:$0x2] =	stream.indirect.gather [hbm4b:s15+s8], $0x80, s13, s8, $0xb8;
	[tilespmem:$0x1FF40] =	vst v63  }
0x78: {  	v3 =	vor.u32 $0x4, v2  }
0x79: {  	[tilespmem:s20], [sflag:$0x2] =	stream.indirect.gather [hbm4b:s16+s8], $0x10, s13, s8, $0xb8;
	[tilespmem:$0x1FF40] =	vst v63  }
0x7a: {  	_ = 	snop  }
0x7b: {  	[tilespmem:s21], [sflag:$0x2] =	stream.indirect.gather [hbm4b:s16+s8], $0x10, s14, s8, $0xb8;
	[tilespmem:$0x1FF40] =	vst v63  }
0x7c: {  	v4 =	vld.idx.msk [tilespmem:v2+s10+$0x0], $0xffff  }
0x7d: {  	v3 =	vld.idx.msk [tilespmem:v3+s11+$0x0], $0xffff;
	_ =	sdelay $0x4  }
0x7e: {  	v3 =	vadd.f32 v3, v4;
	_ =	sdelay $0x1  }
0x7f: {  	v4 =	vmul.f32 $2.000000030e-01, v3;
	_ =	sdelay $0x1  }
0x80: {  	v3 =	vmax.f32 v3, v4  }
0x81: {  	v3 =	vmul.f32 $1.442695020e+00, v3;
	_ =	sdelay $0x1  }
0x82: {  	(erf) = vpow2.f32 v3;
	_ =	sdelay $0x5  }
0x83: {  	v3 =	vor.u32 $0x1, v2  }
0x84: {  	v4 =	vor.u32 $0x5, v2;
	_ =	sdelay $0x1  }
0x85: {  	v5 =	vpop (erf)  }
0x86: {  	[tilespmem:v2+s22+$0x0] =	vst.idx.msk $0xffff, v5  }
0x87: {  	v5 =	vld.idx.msk [tilespmem:v3+s10+$0x0], $0xffff  }
0x88: {  	v4 =	vld.idx.msk [tilespmem:v4+s11+$0x0], $0xffff;
	_ =	sdelay $0x4  }
0x89: {  	v4 =	vadd.f32 v4, v5;
	_ =	sdelay $0x1  }
0x8a: {  	v5 =	vmul.f32 $2.000000030e-01, v4;
	_ =	sdelay $0x1  }
0x8b: {  	v4 =	vmax.f32 v4, v5  }
0x8c: {  	v4 =	vmul.f32 $1.442695020e+00, v4;
	_ =	sdelay $0x1  }
0x8d: {  	(erf) = vpow2.f32 v4;
	_ =	sdelay $0x5  }
0x8e: {  	v4 =	vor.u32 $0x2, v2  }
0x8f: {  	v5 =	vor.u32 $0x6, v2;
	_ =	sdelay $0x1  }
0x90: {  	v6 =	vpop (erf)  }
0x91: {  	[tilespmem:v3+s22+$0x0] =	vst.idx.msk $0xffff, v6  }
0x92: {  	v3 =	vld.idx.msk [tilespmem:v4+s10+$0x0], $0xffff  }
0x93: {  	v5 =	vld.idx.msk [tilespmem:v5+s11+$0x0], $0xffff;
	_ =	sdelay $0x4  }
0x94: {  	v3 =	vadd.f32 v5, v3;
	_ =	sdelay $0x1  }
0x95: {  	v5 =	vmul.f32 $2.000000030e-01, v3;
	_ =	sdelay $0x1  }
0x96: {  	v3 =	vmax.f32 v3, v5  }
0x97: {  	v3 =	vmul.f32 $1.442695020e+00, v3;
	_ =	sdelay $0x1  }
0x98: {  	(erf) = vpow2.f32 v3;
	_ =	sdelay $0x5  }
0x99: {  	v3 =	vor.u32 $0x3, v2  }
0x9a: {  	v2 =	vor.u32 $0x7, v2;
	_ =	sdelay $0x1  }
0x9b: {  	v5 =	vpop (erf)  }
0x9c: {  	[tilespmem:v4+s22+$0x0] =	vst.idx.msk $0xffff, v5  }
0x9d: {  	v4 =	vld.idx.msk [tilespmem:v3+s10+$0x0], $0xffff  }
0x9e: {  	v2 =	vld.idx.msk [tilespmem:v2+s11+$0x0], $0xffff;
	_ =	sdelay $0x4  }
0x9f: {  	v2 =	vadd.f32 v2, v4;
	_ =	sdelay $0x1  }
0xa0: {  	v4 =	vmul.f32 $2.000000030e-01, v2;
	_ =	sdelay $0x1  }
0xa1: {  	v2 =	vmax.f32 v2, v4  }
0xa2: {  	v2 =	vmul.f32 $1.442695020e+00, v2;
	_ =	sdelay $0x1  }
0xa3: {  	(erf) = vpow2.f32 v2;
	_ =	sdelay $0x2  }
0xa4: {  	s30 =	simm.s32 $0x10  }
0xa5: {  	v4 =	vmov s30  }
0xa6: {  	v4 =	vshll.u32 v4, $0x4  }
0xa7: {  	s6 =	simm.s32 $0x20;
	v2 =	vor.u32 v1, v4  }
.LBB2_5:
0xa8: {  	p1 =	sne.s32 s6, $0x60;
	v4 =	vor.u32 $0x4, v2;
	s28 =	smov.u32 s6;
	s6 =	sadd.s32 $0x10, s6  }
0xa9: {  	_ = 	snop  }
0xaa: {  	v5 =	vpop (erf)  }
0xab: {  	[tilespmem:v3+s22+$0x0] =	vst.idx.msk $0xffff, v5  }
0xac: {  	v3 =	vld.idx.msk [tilespmem:v2+s10+$0x0], $0xffff  }
0xad: {  	v4 =	vld.idx.msk [tilespmem:v4+s11+$0x0], $0xffff;
	_ =	sdelay $0x5  }
0xae: {  	v3 =	vadd.f32 v4, v3;
	_ =	sdelay $0x1  }
0xaf: {  	v4 =	vmul.f32 $2.000000030e-01, v3;
	_ =	sdelay $0x1  }
0xb0: {  	v3 =	vmax.f32 v3, v4  }
0xb1: {  	v3 =	vmul.f32 $1.442695020e+00, v3;
	_ =	sdelay $0x1  }
0xb2: {  	(erf) = vpow2.f32 v3;
	_ =	sdelay $0x5  }
0xb3: {  	v4 =	vor.u32 $0x5, v2;
	v3 =	vor.u32 $0x1, v2;
	_ =	sdelay $0x2  }
0xb4: {  	v5 =	vpop (erf)  }
0xb5: {  	[tilespmem:v2+s22+$0x0] =	vst.idx.msk $0xffff, v5  }
0xb6: {  	v5 =	vld.idx.msk [tilespmem:v3+s10+$0x0], $0xffff  }
0xb7: {  	v4 =	vld.idx.msk [tilespmem:v4+s11+$0x0], $0xffff;
	_ =	sdelay $0x5  }
0xb8: {  	v4 =	vadd.f32 v4, v5;
	_ =	sdelay $0x1  }
0xb9: {  	v5 =	vmul.f32 $2.000000030e-01, v4;
	_ =	sdelay $0x1  }
0xba: {  	v4 =	vmax.f32 v4, v5  }
0xbb: {  	v4 =	vmul.f32 $1.442695020e+00, v4;
	_ =	sdelay $0x1  }
0xbc: {  	(erf) = vpow2.f32 v4;
	_ =	sdelay $0x5  }
0xbd: {  	v5 =	vor.u32 $0x6, v2;
	v4 =	vor.u32 $0x2, v2;
	_ =	sdelay $0x2  }
0xbe: {  	v6 =	vpop (erf)  }
0xbf: {  	[tilespmem:v3+s22+$0x0] =	vst.idx.msk $0xffff, v6  }
0xc0: {  	v3 =	vld.idx.msk [tilespmem:v4+s10+$0x0], $0xffff  }
0xc1: {  	v5 =	vld.idx.msk [tilespmem:v5+s11+$0x0], $0xffff;
	_ =	sdelay $0x5  }
0xc2: {  	v3 =	vadd.f32 v5, v3;
	_ =	sdelay $0x1  }
0xc3: {  	v5 =	vmul.f32 $2.000000030e-01, v3;
	_ =	sdelay $0x1  }
0xc4: {  	v3 =	vmax.f32 v3, v5  }
0xc5: {  	v3 =	vmul.f32 $1.442695020e+00, v3;
	_ =	sdelay $0x1  }
0xc6: {  	(erf) = vpow2.f32 v3;
	_ =	sdelay $0x5  }
0xc7: {  	v3 =	vor.u32 $0x3, v2;
	v2 =	vor.u32 $0x7, v2;
	_ =	sdelay $0x2  }
0xc8: {  	v5 =	vpop (erf)  }
0xc9: {  	[tilespmem:v4+s22+$0x0] =	vst.idx.msk $0xffff, v5  }
0xca: {  	v4 =	vld.idx.msk [tilespmem:v3+s10+$0x0], $0xffff  }
0xcb: {  	v2 =	vld.idx.msk [tilespmem:v2+s11+$0x0], $0xffff;
	_ =	sdelay $0x5  }
0xcc: {  	v2 =	vadd.f32 v2, v4;
	_ =	sdelay $0x1  }
0xcd: {  	v4 =	vmul.f32 $2.000000030e-01, v2;
	_ =	sdelay $0x1  }
0xce: {  	v2 =	vmax.f32 v2, v4  }
0xcf: {  	v2 =	vmul.f32 $1.442695020e+00, v2;
	_ =	sdelay $0x1  }
0xd0: {  	(erf) = vpow2.f32 v2;
	_ =	sdelay $0x1  }
.Ltmp1:
0xd1: {  	(pc) =	sbr.rel @p1 .LBB2_5-.Ltmp1, $4  }
0xd2: {  	_ = 	snop  }
0xd3: {  	v2 =	vmov s28  }
0xd4: {  	v2 =	vshll.u32 v2, $0x4  }
0xd5: {  	v2 =	vor.u32 v1, v2  }
0xd6: {  	_ = 	snop  }
0xd7: {  	v4 =	vor.u32 $0x4, v2;
	_ =	sdelay $0x1  }
0xd8: {  	v5 =	vpop (erf)  }
0xd9: {  	[tilespmem:v3+s22+$0x0] =	vst.idx.msk $0xffff, v5  }
0xda: {  	v3 =	vld.idx.msk [tilespmem:v2+s10+$0x0], $0xffff  }
0xdb: {  	v4 =	vld.idx.msk [tilespmem:v4+s11+$0x0], $0xffff;
	_ =	sdelay $0x4  }
0xdc: {  	v3 =	vadd.f32 v4, v3;
	_ =	sdelay $0x1  }
0xdd: {  	v4 =	vmul.f32 $2.000000030e-01, v3;
	_ =	sdelay $0x1  }
0xde: {  	v3 =	vmax.f32 v3, v4  }
0xdf: {  	v3 =	vmul.f32 $1.442695020e+00, v3;
	_ =	sdelay $0x1  }
0xe0: {  	(erf) = vpow2.f32 v3;
	_ =	sdelay $0x5  }
0xe1: {  	v3 =	vor.u32 $0x1, v2  }
0xe2: {  	v4 =	vor.u32 $0x5, v2;
	_ =	sdelay $0x1  }
0xe3: {  	v5 =	vpop (erf)  }
0xe4: {  	[tilespmem:v2+s22+$0x0] =	vst.idx.msk $0xffff, v5  }
0xe5: {  	v5 =	vld.idx.msk [tilespmem:v3+s10+$0x0], $0xffff  }
0xe6: {  	v4 =	vld.idx.msk [tilespmem:v4+s11+$0x0], $0xffff;
	_ =	sdelay $0x4  }
0xe7: {  	v4 =	vadd.f32 v4, v5;
	_ =	sdelay $0x1  }
0xe8: {  	v5 =	vmul.f32 $2.000000030e-01, v4;
	_ =	sdelay $0x1  }
0xe9: {  	v4 =	vmax.f32 v4, v5  }
0xea: {  	v4 =	vmul.f32 $1.442695020e+00, v4;
	_ =	sdelay $0x1  }
0xeb: {  	(erf) = vpow2.f32 v4;
	_ =	sdelay $0x5  }
0xec: {  	v4 =	vor.u32 $0x2, v2  }
0xed: {  	v5 =	vor.u32 $0x6, v2;
	_ =	sdelay $0x1  }
0xee: {  	v6 =	vpop (erf)  }
0xef: {  	[tilespmem:v3+s22+$0x0] =	vst.idx.msk $0xffff, v6  }
0xf0: {  	v3 =	vld.idx.msk [tilespmem:v4+s10+$0x0], $0xffff  }
0xf1: {  	v5 =	vld.idx.msk [tilespmem:v5+s11+$0x0], $0xffff;
	_ =	sdelay $0x4  }
0xf2: {  	v3 =	vadd.f32 v5, v3;
	_ =	sdelay $0x1  }
0xf3: {  	v5 =	vmul.f32 $2.000000030e-01, v3;
	_ =	sdelay $0x1  }
0xf4: {  	v3 =	vmax.f32 v3, v5  }
0xf5: {  	v3 =	vmul.f32 $1.442695020e+00, v3;
	_ =	sdelay $0x1  }
0xf6: {  	(erf) = vpow2.f32 v3;
	_ =	sdelay $0x5  }
0xf7: {  	v3 =	vor.u32 $0x3, v2  }
0xf8: {  	v2 =	vor.u32 $0x7, v2;
	_ =	sdelay $0x1  }
0xf9: {  	v5 =	vpop (erf)  }
0xfa: {  	[tilespmem:v4+s22+$0x0] =	vst.idx.msk $0xffff, v5  }
0xfb: {  	v4 =	vld.idx.msk [tilespmem:v3+s10+$0x0], $0xffff  }
0xfc: {  	v2 =	vld.idx.msk [tilespmem:v2+s11+$0x0], $0xffff;
	_ =	sdelay $0x4  }
0xfd: {  	v2 =	vadd.f32 v2, v4;
	_ =	sdelay $0x1  }
0xfe: {  	v4 =	vmul.f32 $2.000000030e-01, v2;
	_ =	sdelay $0x1  }
0xff: {  	v2 =	vmax.f32 v2, v4  }
0x100: {  	v2 =	vmul.f32 $1.442695020e+00, v2;
	_ =	sdelay $0x1  }
0x101: {  	(erf) = vpow2.f32 v2;
	_ =	sdelay $0x8  }
0x102: {  	v2 =	vpop (erf)  }
0x103: {  	s6 =	simm.s32 $0x164A0;
	[tilespmem:v3+s22+$0x0] =	vst.idx.msk $0xffff, v2  }
0x104: {  	s28 =	simm.s32 $0x0;
	v3 =	vld [tilespmem:s6+$0xFFFFFFF0]  }
0x105: {  	v2 =	vmov s28;
	v4 =	vld [tilespmem:s6+$0xFFFFFFC0]  }
0x106: {  	v5 =	vld [tilespmem:s6+$0x20]  }
0x107: {  	v6 =	vor.u32 $0x3, v2;
	v8 =	vld [tilespmem:s6+$0xFFFFFFD0]  }
0x108: {  	v7 =	vor.u32 $0x1, v2;
	v10 =	vld [tilespmem:s6+$0xFFFFFFE0]  }
0x109: {  	v11 =	vld [tilespmem:s6+$0x30]  }
0x10a: {  	v12 =	vor.u32 $0x2, v2;
	v9 =	vld.idx.msk [tilespmem:v2+s22+$0x0], $0xffff  }
0x10b: {  	v2 =	vld [tilespmem:s6+$0x0]  }
0x10c: {  	v6 =	vld.idx.msk [tilespmem:v6+s22+$0x0], $0xffff  }
0x10d: {  	v13 =	vld.idx.msk [tilespmem:v7+s22+$0x0], $0xffff  }
0x10e: {  	v7 =	vld [tilespmem:s6+$0x10]  }
0x10f: {  	v14 =	vmul.f32 v4, v9;
	v4 =	vld.idx.msk [tilespmem:v12+s22+$0x0], $0xffff;
	_ =	sdelay $0x1  }
0x110: {  	v9 =	vmul.f32 v8, v9  }
0x111: {  	v8 =	vmul.f32 v5, v6;
	v5 =	vmul.f32 v11, v6  }
0x112: {  	s30 =	simm.s32 $0x16520;
	s28 =	simm.s32 $0x1;
	v6 =	vmul.f32 v10, v13;
	v3 =	vmul.f32 v3, v13;
	[tilespmem:s6+$0xFFFFFFC0] =	vst v14  }
.LBB2_7:
0x113: {  	v10 =	vld [tilespmem:s30+$0xFFFFFFF0];
	p1 =	sne.s32 s28, $0x6F;
	[tilespmem:s6+$0xFFFFFFD0] =	vst v9;
	v2 =	vmul.f32 v2, v4;
	v4 =	vmul.f32 v7, v4;
	s4 =	smov.u32 s28;
	s28 =	sadd.s32 $0x1, s28  }
0x114: {  	s4 =	sshll.u32 s4, $0x4;
	v9 =	vld [tilespmem:s30+$0xFFFFFFC0];
	[tilespmem:s6+$0x20] =	vst v8  }
0x115: {  	v7 =	vmov s4;
	v8 =	vld [tilespmem:s30+$0x20];
	[tilespmem:s6+$0x30] =	vst v5  }
0x116: {  	v5 =	vor.u32 $0x1, v7;
	v11 =	vor.u32 $0x2, v7;
	v12 =	vor.u32 $0x3, v7;
	v13 =	vld [tilespmem:s30+$0xFFFFFFD0];
	[tilespmem:s6+$0xFFFFFFE0] =	vst v6  }
0x117: {  	v6 =	vld [tilespmem:s30+$0xFFFFFFE0];
	[tilespmem:s6+$0x0] =	vst v2  }
0x118: {  	v2 =	vld [tilespmem:s30+$0x0];
	[tilespmem:s6+$0xFFFFFFF0] =	vst v3  }
0x119: {  	v3 =	vld [tilespmem:s30+$0x30];
	[tilespmem:s6+$0x10] =	vst v4;
	s6 =	smov.u32 s30  }
0x11a: {  	v14 =	vld.idx.msk [tilespmem:v7+s22+$0x0], $0xffff  }
0x11b: {  	v12 =	vld.idx.msk [tilespmem:v12+s22+$0x0], $0xffff  }
0x11c: {  	v15 =	vld.idx.msk [tilespmem:v5+s22+$0x0], $0xffff  }
0x11d: {  	v4 =	vld.idx.msk [tilespmem:v11+s22+$0x0], $0xffff  }
.Ltmp2:
0x11e: {  	v7 =	vld [tilespmem:s30+$0x10];
	(pc) =	sbr.rel @p1 .LBB2_7-.Ltmp2, $4  }
0x11f: {  	_ = 	snop  }
0x120: {  	v11 =	vmul.f32 v9, v14;
	v9 =	vmul.f32 v13, v14  }
0x121: {  	v8 =	vmul.f32 v8, v12;
	v5 =	vmul.f32 v3, v12  }
0x122: {  	s30 =	sadd.s32 $0x80, s30;
	v6 =	vmul.f32 v6, v15;
	v3 =	vmul.f32 v10, v15;
	[tilespmem:s6+$0xFFFFFFC0] =	vst v11  }
0x123: {  	[tilespmem:s6+$0xFFFFFFD0] =	vst v9  }
0x124: {  	[tilespmem:s6+$0x20] =	vst v8  }
0x125: {  	[tilespmem:s6+$0x30] =	vst v5  }
0x126: {  	v2 =	vmul.f32 v2, v4;
	[tilespmem:s6+$0xFFFFFFE0] =	vst v6  }
0x127: {  	v4 =	vmul.f32 v7, v4;
	[tilespmem:s6+$0xFFFFFFF0] =	vst v3  }
0x128: {  	[tilespmem:s6+$0x0] =	vst v2  }
0x129: {  	[tilespmem:s6+$0x10] =	vst v4  }
0x12a: {  	[spmem:s2] =	stream.indirect.scatter.add.f32 [tilespmem:s9], [sflag:$0x3], $0x80, s7, s8, $0xb8;
	[tilespmem:$0x1FF40] =	vst v63  }
0x12b: {  	_ = 	snop  }
0x12c: {  	[spmem:s3] =	stream.indirect.scatter.add.f32 [tilespmem:s22], [sflag:$0x3], $0x10, s7, s8, $0xb8;
	[tilespmem:$0x1FF40] =	vst v63  }
0x12d: {  	_ =	swait.ge [sflag:s25], $0x3800  }
0x12e: {  	[sflag:s25] =	ssyncset.done $0x0  }
0x12f: {  	[sflag:s25] =	ssyncadd.s32 $0xFFFFC800  }
0x130: {  	_ =	swait.ge [sflag:s25], $0x700  }
0x131: {  	[sflag:s25] =	ssyncset.done $0x0  }
0x132: {  	[sflag:s25] =	ssyncadd.s32 $0xFFFFF900  }
0x133: {  	_ =	swait.ge [sflag:s25], $0x700  }
0x134: {  	p1 =	seq.s32 s0, $0x2C;
	[sflag:s25] =	ssyncset.done $0x0  }
0x135: {  	s4 =	simm.s32 @!p1 $0x3;
	[sflag:s25] =	ssyncadd.s32 $0xFFFFF900  }
0x136: {  	_ =	swait.ge @!p1 [sflag:s4], $0x3800  }
0x137: {  	[sflag:s4] =	ssyncset.done @!p1 $0x0  }
0x138: {  	[sflag:s4] =	ssyncadd.s32 @!p1 $0xFFFFC800  }
0x139: {  	s1 =	sadd.s32 @!p1 s1, s24;
	_ =	swait.ge @!p1 [sflag:s4], $0x700  }
0x13a: {  	s28 =	simm.s32 @!p1 $0x16380;
	s1 =	sshrl.u32 @!p1 s1, $0x3;
	[sflag:s4] =	ssyncset.done @!p1 $0x0  }
0x13b: {  	s6 =	simm.s32 @!p1 $0x0;
	[sflag:s4] =	ssyncadd.s32 @!p1 $0xFFFFF900;
	s4 =	sadd.s32 @!p1 s17, s1  }
0x13c: {  	[tilespmem:s28], [sflag:$0x5] =	stream.linear.gather @!p1 [hbm4b:s4+s6], $0x70, $0x38;
	[tilespmem:$0x1FF40] =	vst v63  }
0x13d: {  	s4 =	simm.s32 @!p1 $0x5  }
0x13e: {  	_ =	swait.ge @!p1 [sflag:s4], $0x70  }
0x13f: {  	[sflag:s4] =	ssyncset.done @!p1 $0x0  }
0x140: {  	s30 =	simm.s32 @!p1 $0x163F0;
	s1 =	sadd.s32 @!p1 s18, s1;
	[sflag:s4] =	ssyncadd.s32 @!p1 $0xFFFFFF90  }
0x141: {  	[tilespmem:s30], [sflag:$0x5] =	stream.linear.gather @!p1 [hbm4b:s1+s6], $0x70, $0x38;
	[tilespmem:$0x1FF40] =	vst v63  }
0x142: {  	s6 =	simm.s32 $0x0;
	_ =	swait.ge @!p1 [sflag:s4], $0x70  }
0x143: {  	v2 =	vmov s6;
	[sflag:s4] =	ssyncset.done @!p1 $0x0  }
0x144: {  	s1 =	simm.s32 @!p1 $0x70;
	v2 =	vshll.u32 v2, $0x4;
	[sflag:s4] =	ssyncadd.s32 @!p1 $0xFFFFFF90;
	s4 =	simm.s32 @!p1 $0x16460  }
0x145: {  	v2 =	vor.u32 v1, v2;
	[tilespmem:s4], [sflag:$0x1] =	stream.indirect.gather @!p1 [hbm4b:s15+s1], $0x80, s28, s1, $0xb8;
	[tilespmem:$0x1FF40] =	vst v63  }
0x146: {  	s4 =	simm.s32 @!p1 $0x19C60;
	v3 =	vor.u32 $0x4, v2  }
0x147: {  	[tilespmem:s4], [sflag:$0x1] =	stream.indirect.gather @!p1 [hbm4b:s16+s1], $0x10, s28, s1, $0xb8;
	[tilespmem:$0x1FF40] =	vst v63  }
0x148: {  	s4 =	simm.s32 @!p1 $0x1A360  }
0x149: {  	[tilespmem:s4], [sflag:$0x1] =	stream.indirect.gather @!p1 [hbm4b:s16+s1], $0x10, s30, s1, $0xb8;
	[tilespmem:$0x1FF40] =	vst v63  }
0x14a: {  	v4 =	vld.idx.msk [tilespmem:v2+s20+$0x0], $0xffff  }
0x14b: {  	v3 =	vld.idx.msk [tilespmem:v3+s21+$0x0], $0xffff;
	_ =	sdelay $0x4  }
0x14c: {  	v3 =	vadd.f32 v3, v4;
	_ =	sdelay $0x1  }
0x14d: {  	v4 =	vmul.f32 $2.000000030e-01, v3;
	_ =	sdelay $0x1  }
0x14e: {  	v3 =	vmax.f32 v3, v4  }
0x14f: {  	v3 =	vmul.f32 $1.442695020e+00, v3;
	_ =	sdelay $0x1  }
0x150: {  	(erf) = vpow2.f32 v3;
	_ =	sdelay $0x5  }
0x151: {  	v3 =	vor.u32 $0x1, v2  }
0x152: {  	v4 =	vor.u32 $0x5, v2;
	_ =	sdelay $0x1  }
0x153: {  	v5 =	vpop (erf)  }
0x154: {  	[tilespmem:v2+s26+$0x0] =	vst.idx.msk $0xffff, v5  }
0x155: {  	v5 =	vld.idx.msk [tilespmem:v3+s20+$0x0], $0xffff  }
0x156: {  	v4 =	vld.idx.msk [tilespmem:v4+s21+$0x0], $0xffff;
	_ =	sdelay $0x4  }
0x157: {  	v4 =	vadd.f32 v4, v5;
	_ =	sdelay $0x1  }
0x158: {  	v5 =	vmul.f32 $2.000000030e-01, v4;
	_ =	sdelay $0x1  }
0x159: {  	v4 =	vmax.f32 v4, v5  }
0x15a: {  	v4 =	vmul.f32 $1.442695020e+00, v4;
	_ =	sdelay $0x1  }
0x15b: {  	(erf) = vpow2.f32 v4;
	_ =	sdelay $0x5  }
0x15c: {  	v4 =	vor.u32 $0x2, v2  }
0x15d: {  	v5 =	vor.u32 $0x6, v2;
	_ =	sdelay $0x1  }
0x15e: {  	v63 =	vpop (erf)  }
0x15f: {  	[tilespmem:v3+s26+$0x0] =	vst.idx.msk $0xffff, v63  }
0x160: {  	v3 =	vld.idx.msk [tilespmem:v4+s20+$0x0], $0xffff  }
0x161: {  	v5 =	vld.idx.msk [tilespmem:v5+s21+$0x0], $0xffff;
	_ =	sdelay $0x4  }
0x162: {  	v3 =	vadd.f32 v5, v3;
	_ =	sdelay $0x1  }
0x163: {  	v5 =	vmul.f32 $2.000000030e-01, v3;
	_ =	sdelay $0x1  }
0x164: {  	v3 =	vmax.f32 v3, v5  }
0x165: {  	v3 =	vmul.f32 $1.442695020e+00, v3;
	_ =	sdelay $0x1  }
0x166: {  	(erf) = vpow2.f32 v3;
	_ =	sdelay $0x5  }
0x167: {  	v3 =	vor.u32 $0x3, v2  }
0x168: {  	v2 =	vor.u32 $0x7, v2;
	_ =	sdelay $0x1  }
0x169: {  	v5 =	vpop (erf)  }
0x16a: {  	[tilespmem:v4+s26+$0x0] =	vst.idx.msk $0xffff, v5  }
0x16b: {  	v4 =	vld.idx.msk [tilespmem:v3+s20+$0x0], $0xffff  }
0x16c: {  	v2 =	vld.idx.msk [tilespmem:v2+s21+$0x0], $0xffff;
	_ =	sdelay $0x4  }
0x16d: {  	v2 =	vadd.f32 v2, v4;
	_ =	sdelay $0x1  }
0x16e: {  	v4 =	vmul.f32 $2.000000030e-01, v2;
	_ =	sdelay $0x1  }
0x16f: {  	v2 =	vmax.f32 v2, v4  }
0x170: {  	v2 =	vmul.f32 $1.442695020e+00, v2;
	_ =	sdelay $0x1  }
0x171: {  	(erf) = vpow2.f32 v2;
	_ =	sdelay $0x2  }
0x172: {  	s30 =	simm.s32 $0x10  }
0x173: {  	v4 =	vmov s30  }
0x174: {  	v4 =	vshll.u32 v4, $0x4  }
0x175: {  	s1 =	simm.s32 $0x20;
	v2 =	vor.u32 v1, v4  }
.LBB2_9:
0x176: {  	p1 =	sne.s32 s1, $0x60;
	v4 =	vor.u32 $0x4, v2;
	s6 =	smov.u32 s1;
	s1 =	sadd.s32 $0x10, s1  }
0x177: {  	_ = 	snop  }
0x178: {  	v5 =	vpop (erf)  }
0x179: {  	[tilespmem:v3+s26+$0x0] =	vst.idx.msk $0xffff, v5  }
0x17a: {  	v3 =	vld.idx.msk [tilespmem:v2+s20+$0x0], $0xffff  }
0x17b: {  	v4 =	vld.idx.msk [tilespmem:v4+s21+$0x0], $0xffff;
	_ =	sdelay $0x5  }
0x17c: {  	v3 =	vadd.f32 v4, v3;
	_ =	sdelay $0x1  }
0x17d: {  	v4 =	vmul.f32 $2.000000030e-01, v3;
	_ =	sdelay $0x1  }
0x17e: {  	v3 =	vmax.f32 v3, v4  }
0x17f: {  	v3 =	vmul.f32 $1.442695020e+00, v3;
	_ =	sdelay $0x1  }
0x180: {  	(erf) = vpow2.f32 v3;
	_ =	sdelay $0x5  }
0x181: {  	v4 =	vor.u32 $0x5, v2;
	v3 =	vor.u32 $0x1, v2;
	_ =	sdelay $0x2  }
0x182: {  	v5 =	vpop (erf)  }
0x183: {  	[tilespmem:v2+s26+$0x0] =	vst.idx.msk $0xffff, v5  }
0x184: {  	v5 =	vld.idx.msk [tilespmem:v3+s20+$0x0], $0xffff  }
0x185: {  	v4 =	vld.idx.msk [tilespmem:v4+s21+$0x0], $0xffff;
	_ =	sdelay $0x5  }
0x186: {  	v4 =	vadd.f32 v4, v5;
	_ =	sdelay $0x1  }
0x187: {  	v5 =	vmul.f32 $2.000000030e-01, v4;
	_ =	sdelay $0x1  }
0x188: {  	v4 =	vmax.f32 v4, v5  }
0x189: {  	v4 =	vmul.f32 $1.442695020e+00, v4;
	_ =	sdelay $0x1  }
0x18a: {  	(erf) = vpow2.f32 v4;
	_ =	sdelay $0x5  }
0x18b: {  	v5 =	vor.u32 $0x6, v2;
	v4 =	vor.u32 $0x2, v2;
	_ =	sdelay $0x2  }
0x18c: {  	v6 =	vpop (erf)  }
0x18d: {  	[tilespmem:v3+s26+$0x0] =	vst.idx.msk $0xffff, v6  }
0x18e: {  	v3 =	vld.idx.msk [tilespmem:v4+s20+$0x0], $0xffff  }
0x18f: {  	v5 =	vld.idx.msk [tilespmem:v5+s21+$0x0], $0xffff;
	_ =	sdelay $0x5  }
0x190: {  	v3 =	vadd.f32 v5, v3;
	_ =	sdelay $0x1  }
0x191: {  	v5 =	vmul.f32 $2.000000030e-01, v3;
	_ =	sdelay $0x1  }
0x192: {  	v3 =	vmax.f32 v3, v5  }
0x193: {  	v3 =	vmul.f32 $1.442695020e+00, v3;
	_ =	sdelay $0x1  }
0x194: {  	(erf) = vpow2.f32 v3;
	_ =	sdelay $0x5  }
0x195: {  	v3 =	vor.u32 $0x3, v2;
	v2 =	vor.u32 $0x7, v2;
	_ =	sdelay $0x2  }
0x196: {  	v5 =	vpop (erf)  }
0x197: {  	[tilespmem:v4+s26+$0x0] =	vst.idx.msk $0xffff, v5  }
0x198: {  	v4 =	vld.idx.msk [tilespmem:v3+s20+$0x0], $0xffff  }
0x199: {  	v2 =	vld.idx.msk [tilespmem:v2+s21+$0x0], $0xffff;
	_ =	sdelay $0x5  }
0x19a: {  	v2 =	vadd.f32 v2, v4;
	_ =	sdelay $0x1  }
0x19b: {  	v4 =	vmul.f32 $2.000000030e-01, v2;
	_ =	sdelay $0x1  }
0x19c: {  	v2 =	vmax.f32 v2, v4  }
0x19d: {  	v2 =	vmul.f32 $1.442695020e+00, v2;
	_ =	sdelay $0x1  }
0x19e: {  	(erf) = vpow2.f32 v2;
	_ =	sdelay $0x1  }
.Ltmp3:
0x19f: {  	(pc) =	sbr.rel @p1 .LBB2_9-.Ltmp3, $4  }
0x1a0: {  	_ = 	snop  }
0x1a1: {  	v2 =	vmov s6  }
0x1a2: {  	v2 =	vshll.u32 v2, $0x4  }
0x1a3: {  	v2 =	vor.u32 v1, v2  }
0x1a4: {  	_ = 	snop  }
0x1a5: {  	v4 =	vor.u32 $0x4, v2;
	_ =	sdelay $0x1  }
0x1a6: {  	v5 =	vpop (erf)  }
0x1a7: {  	[tilespmem:v3+s26+$0x0] =	vst.idx.msk $0xffff, v5  }
0x1a8: {  	v3 =	vld.idx.msk [tilespmem:v2+s20+$0x0], $0xffff  }
0x1a9: {  	v4 =	vld.idx.msk [tilespmem:v4+s21+$0x0], $0xffff;
	_ =	sdelay $0x4  }
0x1aa: {  	v3 =	vadd.f32 v4, v3;
	_ =	sdelay $0x1  }
0x1ab: {  	v4 =	vmul.f32 $2.000000030e-01, v3;
	_ =	sdelay $0x1  }
0x1ac: {  	v3 =	vmax.f32 v3, v4  }
0x1ad: {  	v3 =	vmul.f32 $1.442695020e+00, v3;
	_ =	sdelay $0x1  }
0x1ae: {  	(erf) = vpow2.f32 v3;
	_ =	sdelay $0x5  }
0x1af: {  	v3 =	vor.u32 $0x1, v2  }
0x1b0: {  	v4 =	vor.u32 $0x5, v2;
	_ =	sdelay $0x1  }
0x1b1: {  	v5 =	vpop (erf)  }
0x1b2: {  	[tilespmem:v2+s26+$0x0] =	vst.idx.msk $0xffff, v5  }
0x1b3: {  	v5 =	vld.idx.msk [tilespmem:v3+s20+$0x0], $0xffff  }
0x1b4: {  	v4 =	vld.idx.msk [tilespmem:v4+s21+$0x0], $0xffff;
	_ =	sdelay $0x4  }
0x1b5: {  	v4 =	vadd.f32 v4, v5;
	_ =	sdelay $0x1  }
0x1b6: {  	v5 =	vmul.f32 $2.000000030e-01, v4;
	_ =	sdelay $0x1  }
0x1b7: {  	v4 =	vmax.f32 v4, v5  }
0x1b8: {  	v4 =	vmul.f32 $1.442695020e+00, v4;
	_ =	sdelay $0x1  }
0x1b9: {  	(erf) = vpow2.f32 v4;
	_ =	sdelay $0x5  }
0x1ba: {  	v4 =	vor.u32 $0x2, v2  }
0x1bb: {  	v5 =	vor.u32 $0x6, v2;
	_ =	sdelay $0x1  }
0x1bc: {  	v6 =	vpop (erf)  }
0x1bd: {  	[tilespmem:v3+s26+$0x0] =	vst.idx.msk $0xffff, v6  }
0x1be: {  	v3 =	vld.idx.msk [tilespmem:v4+s20+$0x0], $0xffff  }
0x1bf: {  	v5 =	vld.idx.msk [tilespmem:v5+s21+$0x0], $0xffff;
	_ =	sdelay $0x4  }
0x1c0: {  	v3 =	vadd.f32 v5, v3;
	_ =	sdelay $0x1  }
0x1c1: {  	v5 =	vmul.f32 $2.000000030e-01, v3;
	_ =	sdelay $0x1  }
0x1c2: {  	v3 =	vmax.f32 v3, v5  }
0x1c3: {  	v3 =	vmul.f32 $1.442695020e+00, v3;
	_ =	sdelay $0x1  }
0x1c4: {  	(erf) = vpow2.f32 v3;
	_ =	sdelay $0x5  }
0x1c5: {  	v3 =	vor.u32 $0x3, v2  }
0x1c6: {  	v2 =	vor.u32 $0x7, v2;
	_ =	sdelay $0x1  }
0x1c7: {  	v5 =	vpop (erf)  }
0x1c8: {  	[tilespmem:v4+s26+$0x0] =	vst.idx.msk $0xffff, v5  }
0x1c9: {  	v4 =	vld.idx.msk [tilespmem:v3+s20+$0x0], $0xffff  }
0x1ca: {  	v2 =	vld.idx.msk [tilespmem:v2+s21+$0x0], $0xffff;
	_ =	sdelay $0x4  }
0x1cb: {  	v2 =	vadd.f32 v2, v4;
	_ =	sdelay $0x1  }
0x1cc: {  	v4 =	vmul.f32 $2.000000030e-01, v2;
	_ =	sdelay $0x1  }
0x1cd: {  	v2 =	vmax.f32 v2, v4  }
0x1ce: {  	v2 =	vmul.f32 $1.442695020e+00, v2;
	_ =	sdelay $0x1  }
0x1cf: {  	(erf) = vpow2.f32 v2;
	_ =	sdelay $0x8  }
0x1d0: {  	v2 =	vpop (erf)  }
0x1d1: {  	s1 =	simm.s32 $0x1B280;
	[tilespmem:v3+s26+$0x0] =	vst.idx.msk $0xffff, v2  }
0x1d2: {  	s4 =	simm.s32 $0x0;
	v3 =	vld [tilespmem:s1+$0xFFFFFFF0]  }
0x1d3: {  	v2 =	vmov s4;
	v4 =	vld [tilespmem:s1+$0xFFFFFFC0]  }
0x1d4: {  	v5 =	vld [tilespmem:s1+$0x20]  }
0x1d5: {  	v6 =	vor.u32 $0x3, v2;
	v8 =	vld [tilespmem:s1+$0xFFFFFFD0]  }
0x1d6: {  	v7 =	vor.u32 $0x1, v2;
	v10 =	vld [tilespmem:s1+$0xFFFFFFE0]  }
0x1d7: {  	v11 =	vld [tilespmem:s1+$0x30]  }
0x1d8: {  	v12 =	vor.u32 $0x2, v2;
	v9 =	vld.idx.msk [tilespmem:v2+s26+$0x0], $0xffff  }
0x1d9: {  	v2 =	vld [tilespmem:s1+$0x0]  }
0x1da: {  	v6 =	vld.idx.msk [tilespmem:v6+s26+$0x0], $0xffff  }
0x1db: {  	v13 =	vld.idx.msk [tilespmem:v7+s26+$0x0], $0xffff  }
0x1dc: {  	v7 =	vld [tilespmem:s1+$0x10]  }
0x1dd: {  	v14 =	vmul.f32 v4, v9;
	v4 =	vld.idx.msk [tilespmem:v12+s26+$0x0], $0xffff;
	_ =	sdelay $0x1  }
0x1de: {  	v9 =	vmul.f32 v8, v9  }
0x1df: {  	v8 =	vmul.f32 v5, v6;
	v5 =	vmul.f32 v11, v6  }
0x1e0: {  	s6 =	simm.s32 $0x1;
	s28 =	simm.s32 $0x1B300;
	v6 =	vmul.f32 v10, v13;
	v3 =	vmul.f32 v3, v13;
	[tilespmem:s1+$0xFFFFFFC0] =	vst v14  }
.LBB2_11:
0x1e1: {  	v10 =	vld [tilespmem:s28+$0xFFFFFFF0];
	p1 =	sne.s32 s6, $0x6F;
	[tilespmem:s1+$0xFFFFFFD0] =	vst v9;
	v2 =	vmul.f32 v2, v4;
	v4 =	vmul.f32 v7, v4;
	s4 =	smov.u32 s6;
	s6 =	sadd.s32 $0x1, s6  }
0x1e2: {  	s4 =	sshll.u32 s4, $0x4;
	v9 =	vld [tilespmem:s28+$0xFFFFFFC0];
	[tilespmem:s1+$0x20] =	vst v8  }
0x1e3: {  	v7 =	vmov s4;
	v8 =	vld [tilespmem:s28+$0x20];
	[tilespmem:s1+$0x30] =	vst v5  }
0x1e4: {  	v5 =	vor.u32 $0x1, v7;
	v11 =	vor.u32 $0x2, v7;
	v12 =	vor.u32 $0x3, v7;
	v13 =	vld [tilespmem:s28+$0xFFFFFFD0];
	[tilespmem:s1+$0xFFFFFFE0] =	vst v6  }
0x1e5: {  	v6 =	vld [tilespmem:s28+$0xFFFFFFE0];
	[tilespmem:s1+$0x0] =	vst v2  }
0x1e6: {  	v2 =	vld [tilespmem:s28+$0x0];
	[tilespmem:s1+$0xFFFFFFF0] =	vst v3  }
0x1e7: {  	v3 =	vld [tilespmem:s28+$0x30];
	[tilespmem:s1+$0x10] =	vst v4;
	s1 =	smov.u32 s28  }
0x1e8: {  	v14 =	vld.idx.msk [tilespmem:v7+s26+$0x0], $0xffff  }
0x1e9: {  	v12 =	vld.idx.msk [tilespmem:v12+s26+$0x0], $0xffff  }
0x1ea: {  	v15 =	vld.idx.msk [tilespmem:v5+s26+$0x0], $0xffff  }
0x1eb: {  	v4 =	vld.idx.msk [tilespmem:v11+s26+$0x0], $0xffff  }
.Ltmp4:
0x1ec: {  	v7 =	vld [tilespmem:s28+$0x10];
	(pc) =	sbr.rel @p1 .LBB2_11-.Ltmp4, $4  }
0x1ed: {  	_ = 	snop  }
0x1ee: {  	v11 =	vmul.f32 v9, v14;
	v9 =	vmul.f32 v13, v14  }
0x1ef: {  	v8 =	vmul.f32 v8, v12;
	v5 =	vmul.f32 v3, v12  }
0x1f0: {  	s28 =	sadd.s32 $0x80, s28;
	v6 =	vmul.f32 v6, v15;
	v3 =	vmul.f32 v10, v15;
	[tilespmem:s1+$0xFFFFFFC0] =	vst v11  }
0x1f1: {  	[tilespmem:s1+$0xFFFFFFD0] =	vst v9  }
0x1f2: {  	[tilespmem:s1+$0x20] =	vst v8  }
0x1f3: {  	[tilespmem:s1+$0x30] =	vst v5  }
0x1f4: {  	v2 =	vmul.f32 v2, v4;
	s0 =	sadd.s32 $0x1, s0;
	[tilespmem:s1+$0xFFFFFFE0] =	vst v6  }
0x1f5: {  	v63 =	vmul.f32 v7, v4;
	[tilespmem:s1+$0xFFFFFFF0] =	vst v3;
	p1 =	sne.s32 s0, $0x2D  }
.Ltmp5:
0x1f6: {  	[tilespmem:s1+$0x0] =	vst v2;
	(pc) =	sbr.rel @p1 .LBB2_4-.Ltmp5, $4  }
0x1f7: {  	[tilespmem:s1+$0x10] =	vst v63  }
0x1f8: {  	[spmem:s2] =	stream.indirect.scatter.add.f32 [tilespmem:s19], [sflag:$0x4], $0x80, s14, s8, $0xb8;
	[tilespmem:$0x1FF40] =	vst v63  }
0x1f9: {  	_ = 	snop  }
0x1fa: {  	[spmem:s3] =	stream.indirect.scatter.add.f32 [tilespmem:s26], [sflag:$0x4], $0x10, s14, s8, $0xb8;
	[tilespmem:$0x1FF40] =	vst v63  }
0x1fb: {  	s0 =	simm.s32 $0x3  }
0x1fc: {  	_ =	swait.ge [sflag:s0], $0x3800  }
0x1fd: {  	[sflag:s0] =	ssyncset.done $0x0  }
0x1fe: {  	[sflag:s0] =	ssyncadd.s32 $0xFFFFC800  }
0x1ff: {  	_ =	swait.ge [sflag:s0], $0x700  }
0x200: {  	[sflag:s0] =	ssyncset.done $0x0  }
0x201: {  	s1 =	simm.s32 $0x4;
	[sflag:s0] =	ssyncadd.s32 $0xFFFFF900  }
0x202: {  	_ =	swait.ge [sflag:s1], $0x3800  }
0x203: {  	[sflag:s1] =	ssyncset.done $0x0  }
0x204: {  	[sflag:s1] =	ssyncadd.s32 $0xFFFFC800  }
0x205: {  	_ =	swait.ge [sflag:s1], $0x700  }
0x206: {  	[sflag:s1] =	ssyncset.done $0x0  }
0x207: {  	[sflag:s1] =	ssyncadd.s32 $0xFFFFF900  }
0x208: {  	[bflag:$0x0] =	sbarrier.arrive $0xFFFF  }
0x209: {  	s4 =	rddreg [dreg:$0xa]  }
0x20a: {  	s1 =	rddreg [dreg:$0x1a]  }
0x20b: {  	[hbm:s4], [sflag:s29] =	dma.local [spmem:s1], $0x800  }
0x20c: {  	_ =	swait.ge [sflag:s5], $0x800  }
0x20d: {  	[sflag:s5] =	ssyncset.done $0x0;
	s6 =	rddreg [dreg:$0xb]  }
0x20e: {  	s30 =	rddreg [dreg:$0x1b];
	[sflag:s5] =	ssyncadd.s32 $0xFFFFF800  }
0x20f: {  	[hbm:s6], [sflag:s29] =	dma.local [spmem:s30], $0x800  }
0x210: {  	_ =	swait.ge [sflag:s5], $0x800  }
0x211: {  	[sflag:s5] =	ssyncset.done $0x0;
	s1 =	rddreg [dreg:$0xc]  }
0x212: {  	s4 =	rddreg [dreg:$0x1c];
	[sflag:s5] =	ssyncadd.s32 $0xFFFFF800  }
0x213: {  	[hbm:s1], [sflag:s29] =	dma.local [spmem:s4], $0x800  }
0x214: {  	_ =	swait.ge [sflag:s5], $0x800  }
0x215: {  	[sflag:s5] =	ssyncset.done $0x0;
	s6 =	rddreg [dreg:$0xd]  }
0x216: {  	s30 =	rddreg [dreg:$0x1d];
	[sflag:s5] =	ssyncadd.s32 $0xFFFFF800  }
0x217: {  	[hbm:s6], [sflag:s29] =	dma.local [spmem:s30], $0x800  }
0x218: {  	_ =	swait.ge [sflag:s5], $0x800  }
0x219: {  	[sflag:s5] =	ssyncset.done $0x0;
	s0 =	rddreg [dreg:$0xe]  }
0x21a: {  	s1 =	rddreg [dreg:$0x1e];
	[sflag:s5] =	ssyncadd.s32 $0xFFFFF800  }
0x21b: {  	[hbm:s0], [sflag:s29] =	dma.local @!p0 [spmem:s1], $0x800  }
0x21c: {  	s0 =	simm.s32 @!p0 $0x5  }
0x21d: {  	_ =	swait.ge @!p0 [sflag:s0], $0x800  }
0x21e: {  	[sflag:s0] =	ssyncset.done @!p0 $0x0;
	s4 =	rddreg [dreg:$0x13]  }
0x21f: {  	s6 =	rddreg [dreg:$0x1f];
	[sflag:s0] =	ssyncadd.s32 @!p0 $0xFFFFF800  }
0x220: {  	[hbm:s4], [sflag:s29] =	dma.local [spmem:s6], $0x4F0  }
0x221: {  	_ =	swait.ge [sflag:s5], $0x4F0  }
0x222: {  	s28 =	rddreg [dreg:$0x4]  }
0x223: {  	s30 =	rddreg [dreg:$0x14];
	s28 =	sadd.s32 $0x1, s28  }
0x224: {  	p1 =	sne.s32 s28, s30  }
.Ltmp6:
0x225: {  	_ = 	snop;
	(pc) =	sbr.rel @p1 .LBB2_1-.Ltmp6, $3  }
0x226: {  	_ =	sdelay $0x1  }
0x227: {  	[sflag:s5] =	ssyncset.done $0x0  }
0x228: {  	[sflag:s5] =	ssyncadd.s32 $0xFFFFFB10  }
0x229: {  	_ =	sfence.sel $0x180000  }
0x22a: {  	[bflag:$0x0] =	sbarrier.arrive $0xFFFF  }
0x22b: {  	_ =	strace $0x90000047  }
0x22c: {  	s0 =	stileid.u32;
	[bflag:$0x2] =	sbarrier.arrive $0xFFFF  }
0x22d: {  	p0 =	sne.s32 s0, $0x0;
	s0 =	rddreg [dreg:$0x3]  }
0x22e: {  	s0 =	sadd.s32 @!p0 $0x100000, s0  }
0x22f: {  	[sflag:s0] =	ssyncadd.tile.s32 @!p0 $0x1;
	_ =	shalt  }
.Lfunc_end2:
_tile_overlayer_lowered:
.L_overlay_start_2:
0x230: {  	(tag) =	ssettag $0x2  }
0x231: {  	s0 =	rddreg [dreg:$0x0];
	s2 =	stileid.u32  }
0x232: {  	s1 =	rddreg [dreg:$0x1];
	p0 =	sne.s32 s2, $0x0  }
0x233: {  	s3 =	rddreg [dreg:$0x2];
	[bflag:$0x3] =	sbarrier.arrive $0xFFFF;
	s2 =	simm.s32 @!p0 $0x1C05  }
0x234: {  	[timem:s3], [sflag:s2] =	dma.local @!p0 [hbm:s0], s1  }
0x235: {  	s0 =	simm.s32 @!p0 $0x5  }
0x236: {  	_ =	swait.ge @!p0 [sflag:s0], s1  }
0x237: {  	s1 =	ssub.s32 @!p0 $0x0, s1;
	[sflag:s0] =	ssyncset.done @!p0 $0x0  }
0x238: {  	[sflag:s0] =	ssyncadd.s32 @!p0 s1  }
0x239: {  	[bflag:$0x3] =	sbarrier.arrive $0xFFFF  }
0x23a: {  	_ =	shalt  }

</sc_bundles>
